<compile_context>
chip_gen: v7x
topology: tpu7x:2x2x1
jax: 0.10.2.dev20260603
libtpu: 0.0.44.dev20260713+nightly
codegen_flags: <defaults>
</compile_context>

<pallas_src>
import functools

import jax
import jax.numpy as jnp
from jax import lax
from jax.experimental import pallas as pl
from jax.experimental.pallas import tpu as pltpu
from jax.experimental.pallas import tpu_sc as plsc

N = 10000
E = 320000
D = 128

NC = 2
NS = 16
NW = NC * NS
LANES = 16

CHUNK = 128
EPW = E // NW
NPAIR = -(-EPW // (2 * CHUNK))
NCHUNK = 2 * NPAIR
EPW_PAD = NCHUNK * CHUNK
E_PAD = EPW_PAD * NW

PACK = 1 << 14

ROWS_PER_TILE = 640
N_PAD = ROWS_PER_TILE * NS


def _sc_aggregate_body(with_deg, x_hbm, pidx_hbm, zeros_hbm, ones_hbm,
                       agg_out, deg_out,
                       pidx, srcb, dstb, rows0, rows1, ones_v, acc, dacc,
                       sem0, sem1):
  c = lax.axis_index("c")
  s = lax.axis_index("s")
  wid = c * NS + s

  pltpu.sync_copy(zeros_hbm, rows0)
  base = s * ROWS_PER_TILE
  for i in range(ROWS_PER_TILE // CHUNK):
    pltpu.sync_copy(rows0, acc.at[pl.ds(base + i * CHUNK, CHUNK)])
  if with_deg:
    for i in range(ROWS_PER_TILE // D):
      pltpu.sync_copy(rows0.at[0], dacc.at[pl.ds(base + i * D, D)])
    pltpu.sync_copy(ones_hbm, ones_v)
  pltpu.sync_copy(pidx_hbm.at[wid], pidx)
  plsc.subcore_barrier()

  def unpack(i, b):
    for j in range(CHUNK // LANES):
      v = pidx[i, pl.ds(j * LANES, LANES)]
      srcb[b, pl.ds(j * LANES, LANES)] = jax.lax.shift_right_logical(v, PACK.bit_length() - 1)
      dstb[b, pl.ds(j * LANES, LANES)] = jax.lax.bitwise_and(v, PACK - 1)

  def scatter(rows, b):
    pltpu.sync_copy(rows, acc.at[dstb.at[b]], add=True)
    if with_deg:
      pltpu.sync_copy(ones_v, dacc.at[dstb.at[b]], add=True)

  unpack(0, 0)
  pltpu.async_copy(x_hbm.at[srcb.at[0]], rows0, sem0)

  def pair_step(p, carry):
    i0 = 2 * p
    unpack(i0 + 1, 1)
    pltpu.make_async_copy(x_hbm.at[srcb.at[0]], rows0, sem0).wait()
    pltpu.async_copy(x_hbm.at[srcb.at[1]], rows1, sem1)
    scatter(rows0, 0)

    @pl.when(p < NPAIR - 1)
    def _():
      unpack(i0 + 2, 0)

    pltpu.make_async_copy(x_hbm.at[srcb.at[1]], rows1, sem1).wait()

    @pl.when(p < NPAIR - 1)
    def _():
      pltpu.async_copy(x_hbm.at[srcb.at[0]], rows0, sem0)

    scatter(rows1, 1)
    return carry

  lax.fori_loop(0, NPAIR, pair_step, 0)

  plsc.subcore_barrier()
  pltpu.sync_copy(acc.at[pl.ds(base, ROWS_PER_TILE)],
                  agg_out.at[c, pl.ds(base, ROWS_PER_TILE)])
  if with_deg:
    pltpu.sync_copy(dacc.at[pl.ds(base, ROWS_PER_TILE)],
                    deg_out.at[c, pl.ds(base, ROWS_PER_TILE)])


def _make_sc_aggregate(with_deg):
  out_type = [jax.ShapeDtypeStruct((NC, N_PAD, D), jnp.float32)]
  if with_deg:
    out_type.append(jax.ShapeDtypeStruct((NC, N_PAD), jnp.float32))
  else:
    out_type.append(jax.ShapeDtypeStruct((1, 1), jnp.float32))
  return functools.partial(
      pl.kernel,
      out_type=tuple(out_type),
      mesh=plsc.VectorSubcoreMesh(core_axis_name="c", subcore_axis_name="s"),
      scratch_types=[
          pltpu.VMEM((NCHUNK, CHUNK), jnp.int32),
          pltpu.VMEM((2, CHUNK), jnp.int32),
          pltpu.VMEM((2, CHUNK), jnp.int32),
          pltpu.VMEM((CHUNK, D), jnp.float32),
          pltpu.VMEM((CHUNK, D), jnp.float32),
          pltpu.VMEM((CHUNK,), jnp.float32),
          pltpu.VMEM_SHARED((N_PAD, D), jnp.float32),
          pltpu.VMEM_SHARED((N_PAD,), jnp.float32),
          pltpu.SemaphoreType.DMA,
          pltpu.SemaphoreType.DMA,
      ],
  )(functools.partial(_sc_aggregate_body, with_deg))


_sc_aggregate_deg = _make_sc_aggregate(True)
_sc_aggregate_nodeg = _make_sc_aggregate(False)


def _tc_dense_body(x_ref, a0, a1, d0, d1, w, b, g, be, o):
  agg = a0[...] + a1[...]
  deg = jnp.maximum(d0[...] + d1[...], 1.0)
  agg = agg / deg
  h = jnp.dot(x_ref[...], w[:D, :], preferred_element_type=jnp.float32)
  h = h + jnp.dot(agg, w[D:, :], preferred_element_type=jnp.float32)
  h = jnp.maximum(h + b[...], 0.0)
  mean = jnp.mean(h, axis=0, keepdims=True)
  zm = h - mean
  var = jnp.mean(zm * zm, axis=0, keepdims=True)
  hn = zm * lax.rsqrt(var + 1e-5) * g[...] + be[...]
  nrm = jnp.sqrt(jnp.sum(hn * hn, axis=1, keepdims=True))
  o[...] = hn / (nrm + 1e-6)


def _tc_dense(x, aggp, degp, w, b, g, be):
  return pl.pallas_call(
      _tc_dense_body,
      out_shape=jax.ShapeDtypeStruct((N, D), jnp.float32),
  )(x, aggp[0, :N], aggp[1, :N],
    degp[0, :N].reshape(N, 1), degp[1, :N].reshape(N, 1),
    w, b.reshape(1, D), g.reshape(1, D), be.reshape(1, D))


def kernel(features, edge_index, W1, b1, g1, be1, W2, b2, g2, be2):
  src = edge_index[0]
  dst = edge_index[1]
  pad = E_PAD - E
  packed = src * PACK + dst
  dummy_dst = N + jnp.arange(pad, dtype=jnp.int32) % (N_PAD - N)
  packed = jnp.concatenate([packed, dummy_dst])
  pidx = packed.reshape(NW, NCHUNK, CHUNK)
  zeros = jnp.zeros((CHUNK, D), jnp.float32)
  ones = jnp.ones((CHUNK,), jnp.float32)

  agg1, deg = _sc_aggregate_deg(features, pidx, zeros, ones)
  h1 = _tc_dense(features, agg1, deg, W1, b1, g1, be1)
  agg2, _ = _sc_aggregate_nodeg(h1, pidx, zeros, ones)
  h2 = _tc_dense(h1, agg2, deg, W2, b2, g2, be2)
  return h2

# --- scband reference (transcript-rebuilt; emitter-appended) ---
"""Pipeline reference for scband-graph-sage-8177617732123 (READ-ONLY COPY).

The authoritative reference and input builder live on the scoring server;
editing this copy changes nothing except your own understanding.
"""

import jax, jax.numpy as jnp
import numpy as np

N = 10000
E = 320000
D = 128


def setup_inputs(seed: int = 0) -> dict:
    key = jax.random.key(seed)
    ks = jax.random.split(key, 10)
    x = jax.random.normal(ks[0], (N, D), dtype=jnp.float32)
    edge_index = jax.random.randint(ks[1], (2, E), 0, N, dtype=jnp.int32)
    # Layer 1 params: Linear(2D -> D) stored as [2D, D], BatchNorm gamma/beta
    W1 = jax.random.normal(ks[2], (2 * D, D), dtype=jnp.float32) * (1.0 / np.sqrt(2 * D))
    b1 = jnp.zeros((D,), dtype=jnp.float32)
    g1 = jnp.ones((D,), dtype=jnp.float32)
    be1 = jnp.zeros((D,), dtype=jnp.float32)
    # Layer 2 params (hidden_dims=[128] -> two SAGEConv layers)
    W2 = jax.random.normal(ks[3], (2 * D, D), dtype=jnp.float32) * (1.0 / np.sqrt(2 * D))
    b2 = jnp.zeros((D,), dtype=jnp.float32)
    g2 = jnp.ones((D,), dtype=jnp.float32)
    be2 = jnp.zeros((D,), dtype=jnp.float32)
    return {"features": x, "edge_index": edge_index, "W1": W1, "b1": b1, "g1": g1, "be1": be1, "W2": W2, "b2": b2, "g2": g2, "be2": be2}


def _sage_layer(x, edge_index, W, b, gamma, beta):
    src = edge_index[0]
    dst = edge_index[1]
    n = x.shape[0]
    # mean aggregation over (sampled) neighbors: gather + scatter-add + degree normalize
    msg = jnp.take(x, src, axis=0)
    agg_sum = jax.ops.segment_sum(msg, dst, num_segments=n)
    deg = jax.ops.segment_sum(jnp.ones((src.shape[0],), dtype=x.dtype), dst, num_segments=n)
    agg = agg_sum / jnp.maximum(deg, 1.0)[:, None]
    # concat self + aggregated, linear, relu
    h = jnp.concatenate([x, agg], axis=1) @ W + b
    h = jax.nn.relu(h)
    # BatchNorm1d (training-mode batch statistics)
    mean = jnp.mean(h, axis=0)
    var = jnp.var(h, axis=0)
    h = (h - mean) / jnp.sqrt(var + 1e-5) * gamma + beta
    # dropout is identity in deterministic reference (eval)
    # final L2 row-normalization with 1e-6 eps (as in source)
    h = h / (jnp.linalg.norm(h, axis=1, keepdims=True) + 1e-6)
    return h


def reference(features, edge_index, W1, b1, g1, be1, W2, b2, g2, be2):
    h = _sage_layer(features, edge_index, W1, b1, g1, be1)
    h = _sage_layer(h, edge_index, W2, b2, g2, be2)
    return h

if __name__ == "__main__":
    import jax
    _d = setup_inputs()
    print(jax.jit(kernel)(*tuple(_d.values())))

</pallas_src>

<mosaic_0001>
#map = affine_map<(d0, d1) -> (0, 0)>
#map1 = affine_map<(d0, d1) -> (0, 0, 0)>
#map2 = affine_map<(d0, d1) -> (0)>
module attributes {stable_mosaic.version = 14 : i64} {
  func.func @_sc_aggregate_body(%arg0: i32, %arg1: i32, %arg2: memref<10000x128xf32, #tpu.memory_space<hbm>>, %arg3: memref<32x80x128xi32, #tpu.memory_space<hbm>>, %arg4: memref<128x128xf32, #tpu.memory_space<hbm>>, %arg5: memref<128xf32, #tpu.memory_space<hbm>>, %arg6: memref<2x10240x128xf32, #tpu.memory_space<hbm>>, %arg7: memref<2x10240xf32, #tpu.memory_space<hbm>>, %arg8: memref<80x128xi32, #tpu.memory_space<vmem>>, %arg9: memref<2x128xi32, #tpu.memory_space<vmem>>, %arg10: memref<2x128xi32, #tpu.memory_space<vmem>>, %arg11: memref<128x128xf32, #tpu.memory_space<vmem>>, %arg12: memref<128x128xf32, #tpu.memory_space<vmem>>, %arg13: memref<128xf32, #tpu.memory_space<vmem>>, %arg14: memref<10240x128xf32, #tpu.memory_space<vmem_shared>>, %arg15: memref<10240xf32, #tpu.memory_space<vmem_shared>>, %arg16: memref<!tpu.dma_semaphore, #tpu.memory_space<semaphore_mem>>, %arg17: memref<!tpu.dma_semaphore, #tpu.memory_space<semaphore_mem>>) attributes {dimension_semantics = [#tpu.dimension_semantics<core_parallel>, #tpu.dimension_semantics<subcore_parallel>], iteration_bounds = array<i64: 2, 16>, scalar_prefetch = 0 : i64, scratch_operands = 10 : i64, tpu.core_type = #tpu.core_type<sc_vector_subcore>, window_params = [{transform_indices = #map}, {transform_indices = #map1}, {transform_indices = #map}, {transform_indices = #map2}, {transform_indices = #map1}, {transform_indices = #map}]} {
    %mul3A = arith.constant 16 : i32
    %mul3A_0 = arith.muli %arg0, %mul3A : i32
    %add3A = arith.addi %mul3A_0, %arg1 : i32
    "tpu.region"() ({
      %run_scoped3A_219 = tpu.sem_alloc : memref<!tpu.dma_semaphore, #tpu.memory_space<semaphore_mem>>
      tpu.enqueue_dma source(%arg4 : memref<128x128xf32, #tpu.memory_space<hbm>>) target(%arg11 : memref<128x128xf32, #tpu.memory_space<vmem>>) target_semaphore(%run_scoped3A_219 : memref<!tpu.dma_semaphore, #tpu.memory_space<semaphore_mem>>)
      tpu.wait_dma2 semaphore(%run_scoped3A_219 : memref<!tpu.dma_semaphore, #tpu.memory_space<semaphore_mem>>) src(%arg4 : memref<128x128xf32, #tpu.memory_space<hbm>>) dst(%arg11 : memref<128x128xf32, #tpu.memory_space<vmem>>)
      tpu.yield
    }) : () -> ()
    %mul3A_1 = arith.constant 640 : i32
    %mul3A_2 = arith.muli %arg1, %mul3A_1 : i32
    %add3A_3 = arith.constant 0 : i32
    %add3A_4 = arith.addi %mul3A_2, %add3A_3 : i32
    "tpu.region"() ({
      %run_scoped3A_219 = tpu.sem_alloc : memref<!tpu.dma_semaphore, #tpu.memory_space<semaphore_mem>>
      %dma_start3A_220 = arith.constant 0 : i32
      %dma_start3A_221 = tpu.memref_slice %arg14[%add3A_4, %dma_start3A_220] : memref<10240x128xf32, #tpu.memory_space<vmem_shared>> -> memref<128x128xf32, #tpu.memory_space<vmem_shared>>
      %dma_start3A_222 = arith.constant 0 : i32
      %dma_start3A_223 = tpu.memref_slice %arg14[%add3A_4, %dma_start3A_222] : memref<10240x128xf32, #tpu.memory_space<vmem_shared>> -> memref<128x128xf32, #tpu.memory_space<vmem_shared>>
      tpu.enqueue_dma source(%arg11 : memref<128x128xf32, #tpu.memory_space<vmem>>) target(%dma_start3A_223 : memref<128x128xf32, #tpu.memory_space<vmem_shared>>) target_semaphore(%run_scoped3A_219 : memref<!tpu.dma_semaphore, #tpu.memory_space<semaphore_mem>>)
      %dma_wait3A = arith.constant 0 : i32
      %dma_wait3A_224 = tpu.memref_slice %arg14[%add3A_4, %dma_wait3A] : memref<10240x128xf32, #tpu.memory_space<vmem_shared>> -> memref<128x128xf32, #tpu.memory_space<vmem_shared>>
      %dma_wait3A_225 = arith.constant 0 : i32
      %dma_wait3A_226 = tpu.memref_slice %arg14[%add3A_4, %dma_wait3A_225] : memref<10240x128xf32, #tpu.memory_space<vmem_shared>> -> memref<128x128xf32, #tpu.memory_space<vmem_shared>>
      tpu.wait_dma2 semaphore(%run_scoped3A_219 : memref<!tpu.dma_semaphore, #tpu.memory_space<semaphore_mem>>) src(%arg11 : memref<128x128xf32, #tpu.memory_space<vmem>>) dst(%dma_wait3A_226 : memref<128x128xf32, #tpu.memory_space<vmem_shared>>)
      tpu.yield
    }) : () -> ()
    %add3A_5 = arith.constant 128 : i32
    %add3A_6 = arith.addi %mul3A_2, %add3A_5 : i32
    "tpu.region"() ({
      %run_scoped3A_219 = tpu.sem_alloc : memref<!tpu.dma_semaphore, #tpu.memory_space<semaphore_mem>>
      %dma_start3A_220 = arith.constant 0 : i32
      %dma_start3A_221 = tpu.memref_slice %arg14[%add3A_6, %dma_start3A_220] : memref<10240x128xf32, #tpu.memory_space<vmem_shared>> -> memref<128x128xf32, #tpu.memory_space<vmem_shared>>
      %dma_start3A_222 = arith.constant 0 : i32
      %dma_start3A_223 = tpu.memref_slice %arg14[%add3A_6, %dma_start3A_222] : memref<10240x128xf32, #tpu.memory_space<vmem_shared>> -> memref<128x128xf32, #tpu.memory_space<vmem_shared>>
      tpu.enqueue_dma source(%arg11 : memref<128x128xf32, #tpu.memory_space<vmem>>) target(%dma_start3A_223 : memref<128x128xf32, #tpu.memory_space<vmem_shared>>) target_semaphore(%run_scoped3A_219 : memref<!tpu.dma_semaphore, #tpu.memory_space<semaphore_mem>>)
      %dma_wait3A = arith.constant 0 : i32
      %dma_wait3A_224 = tpu.memref_slice %arg14[%add3A_6, %dma_wait3A] : memref<10240x128xf32, #tpu.memory_space<vmem_shared>> -> memref<128x128xf32, #tpu.memory_space<vmem_shared>>
      %dma_wait3A_225 = arith.constant 0 : i32
      %dma_wait3A_226 = tpu.memref_slice %arg14[%add3A_6, %dma_wait3A_225] : memref<10240x128xf32, #tpu.memory_space<vmem_shared>> -> memref<128x128xf32, #tpu.memory_space<vmem_shared>>
      tpu.wait_dma2 semaphore(%run_scoped3A_219 : memref<!tpu.dma_semaphore, #tpu.memory_space<semaphore_mem>>) src(%arg11 : memref<128x128xf32, #tpu.memory_space<vmem>>) dst(%dma_wait3A_226 : memref<128x128xf32, #tpu.memory_space<vmem_shared>>)
      tpu.yield
    }) : () -> ()
    %add3A_7 = arith.constant 256 : i32
    %add3A_8 = arith.addi %mul3A_2, %add3A_7 : i32
    "tpu.region"() ({
      %run_scoped3A_219 = tpu.sem_alloc : memref<!tpu.dma_semaphore, #tpu.memory_space<semaphore_mem>>
      %dma_start3A_220 = arith.constant 0 : i32
      %dma_start3A_221 = tpu.memref_slice %arg14[%add3A_8, %dma_start3A_220] : memref<10240x128xf32, #tpu.memory_space<vmem_shared>> -> memref<128x128xf32, #tpu.memory_space<vmem_shared>>
      %dma_start3A_222 = arith.constant 0 : i32
      %dma_start3A_223 = tpu.memref_slice %arg14[%add3A_8, %dma_start3A_222] : memref<10240x128xf32, #tpu.memory_space<vmem_shared>> -> memref<128x128xf32, #tpu.memory_space<vmem_shared>>
      tpu.enqueue_dma source(%arg11 : memref<128x128xf32, #tpu.memory_space<vmem>>) target(%dma_start3A_223 : memref<128x128xf32, #tpu.memory_space<vmem_shared>>) target_semaphore(%run_scoped3A_219 : memref<!tpu.dma_semaphore, #tpu.memory_space<semaphore_mem>>)
      %dma_wait3A = arith.constant 0 : i32
      %dma_wait3A_224 = tpu.memref_slice %arg14[%add3A_8, %dma_wait3A] : memref<10240x128xf32, #tpu.memory_space<vmem_shared>> -> memref<128x128xf32, #tpu.memory_space<vmem_shared>>
      %dma_wait3A_225 = arith.constant 0 : i32
      %dma_wait3A_226 = tpu.memref_slice %arg14[%add3A_8, %dma_wait3A_225] : memref<10240x128xf32, #tpu.memory_space<vmem_shared>> -> memref<128x128xf32, #tpu.memory_space<vmem_shared>>
      tpu.wait_dma2 semaphore(%run_scoped3A_219 : memref<!tpu.dma_semaphore, #tpu.memory_space<semaphore_mem>>) src(%arg11 : memref<128x128xf32, #tpu.memory_space<vmem>>) dst(%dma_wait3A_226 : memref<128x128xf32, #tpu.memory_space<vmem_shared>>)
      tpu.yield
    }) : () -> ()
    %add3A_9 = arith.constant 384 : i32
    %add3A_10 = arith.addi %mul3A_2, %add3A_9 : i32
    "tpu.region"() ({
      %run_scoped3A_219 = tpu.sem_alloc : memref<!tpu.dma_semaphore, #tpu.memory_space<semaphore_mem>>
      %dma_start3A_220 = arith.constant 0 : i32
      %dma_start3A_221 = tpu.memref_slice %arg14[%add3A_10, %dma_start3A_220] : memref<10240x128xf32, #tpu.memory_space<vmem_shared>> -> memref<128x128xf32, #tpu.memory_space<vmem_shared>>
      %dma_start3A_222 = arith.constant 0 : i32
      %dma_start3A_223 = tpu.memref_slice %arg14[%add3A_10, %dma_start3A_222] : memref<10240x128xf32, #tpu.memory_space<vmem_shared>> -> memref<128x128xf32, #tpu.memory_space<vmem_shared>>
      tpu.enqueue_dma source(%arg11 : memref<128x128xf32, #tpu.memory_space<vmem>>) target(%dma_start3A_223 : memref<128x128xf32, #tpu.memory_space<vmem_shared>>) target_semaphore(%run_scoped3A_219 : memref<!tpu.dma_semaphore, #tpu.memory_space<semaphore_mem>>)
      %dma_wait3A = arith.constant 0 : i32
      %dma_wait3A_224 = tpu.memref_slice %arg14[%add3A_10, %dma_wait3A] : memref<10240x128xf32, #tpu.memory_space<vmem_shared>> -> memref<128x128xf32, #tpu.memory_space<vmem_shared>>
      %dma_wait3A_225 = arith.constant 0 : i32
      %dma_wait3A_226 = tpu.memref_slice %arg14[%add3A_10, %dma_wait3A_225] : memref<10240x128xf32, #tpu.memory_space<vmem_shared>> -> memref<128x128xf32, #tpu.memory_space<vmem_shared>>
      tpu.wait_dma2 semaphore(%run_scoped3A_219 : memref<!tpu.dma_semaphore, #tpu.memory_space<semaphore_mem>>) src(%arg11 : memref<128x128xf32, #tpu.memory_space<vmem>>) dst(%dma_wait3A_226 : memref<128x128xf32, #tpu.memory_space<vmem_shared>>)
      tpu.yield
    }) : () -> ()
    %add3A_11 = arith.constant 512 : i32
    %add3A_12 = arith.addi %mul3A_2, %add3A_11 : i32
    "tpu.region"() ({
      %run_scoped3A_219 = tpu.sem_alloc : memref<!tpu.dma_semaphore, #tpu.memory_space<semaphore_mem>>
      %dma_start3A_220 = arith.constant 0 : i32
      %dma_start3A_221 = tpu.memref_slice %arg14[%add3A_12, %dma_start3A_220] : memref<10240x128xf32, #tpu.memory_space<vmem_shared>> -> memref<128x128xf32, #tpu.memory_space<vmem_shared>>
      %dma_start3A_222 = arith.constant 0 : i32
      %dma_start3A_223 = tpu.memref_slice %arg14[%add3A_12, %dma_start3A_222] : memref<10240x128xf32, #tpu.memory_space<vmem_shared>> -> memref<128x128xf32, #tpu.memory_space<vmem_shared>>
      tpu.enqueue_dma source(%arg11 : memref<128x128xf32, #tpu.memory_space<vmem>>) target(%dma_start3A_223 : memref<128x128xf32, #tpu.memory_space<vmem_shared>>) target_semaphore(%run_scoped3A_219 : memref<!tpu.dma_semaphore, #tpu.memory_space<semaphore_mem>>)
      %dma_wait3A = arith.constant 0 : i32
      %dma_wait3A_224 = tpu.memref_slice %arg14[%add3A_12, %dma_wait3A] : memref<10240x128xf32, #tpu.memory_space<vmem_shared>> -> memref<128x128xf32, #tpu.memory_space<vmem_shared>>
      %dma_wait3A_225 = arith.constant 0 : i32
      %dma_wait3A_226 = tpu.memref_slice %arg14[%add3A_12, %dma_wait3A_225] : memref<10240x128xf32, #tpu.memory_space<vmem_shared>> -> memref<128x128xf32, #tpu.memory_space<vmem_shared>>
      tpu.wait_dma2 semaphore(%run_scoped3A_219 : memref<!tpu.dma_semaphore, #tpu.memory_space<semaphore_mem>>) src(%arg11 : memref<128x128xf32, #tpu.memory_space<vmem>>) dst(%dma_wait3A_226 : memref<128x128xf32, #tpu.memory_space<vmem_shared>>)
      tpu.yield
    }) : () -> ()
    %add3A_13 = arith.constant 0 : i32
    %add3A_14 = arith.addi %mul3A_2, %add3A_13 : i32
    %run_scoped3A = arith.constant 0 : i32
    "tpu.region"() ({
      %run_scoped3A_219 = tpu.sem_alloc : memref<!tpu.dma_semaphore, #tpu.memory_space<semaphore_mem>>
      %dma_start3A_220 = arith.constant 0 : i32
      %dma_start3A_221 = tpu.memref_slice %arg11[%run_scoped3A, %dma_start3A_220] : memref<128x128xf32, #tpu.memory_space<vmem>> -> memref<1x128xf32, #tpu.memory_space<vmem>>
      %dma_start3A_222 = tpu.memref_squeeze %dma_start3A_221 : memref<1x128xf32, #tpu.memory_space<vmem>> -> memref<128xf32, #tpu.memory_space<vmem>>
      %dma_start3A_223 = tpu.memref_slice %arg15[%add3A_14] : memref<10240xf32, #tpu.memory_space<vmem_shared>> -> memref<128xf32, #tpu.memory_space<vmem_shared>>
      %dma_start3A_224 = tpu.memref_slice %arg15[%add3A_14] : memref<10240xf32, #tpu.memory_space<vmem_shared>> -> memref<128xf32, #tpu.memory_space<vmem_shared>>
      %dma_start3A_225 = arith.constant 0 : i32
      %dma_start3A_226 = tpu.memref_slice %arg11[%run_scoped3A, %dma_start3A_225] : memref<128x128xf32, #tpu.memory_space<vmem>> -> memref<1x128xf32, #tpu.memory_space<vmem>>
      %dma_start3A_227 = tpu.memref_squeeze %dma_start3A_226 : memref<1x128xf32, #tpu.memory_space<vmem>> -> memref<128xf32, #tpu.memory_space<vmem>>
      tpu.enqueue_dma source(%dma_start3A_227 : memref<128xf32, #tpu.memory_space<vmem>>) target(%dma_start3A_224 : memref<128xf32, #tpu.memory_space<vmem_shared>>) target_semaphore(%run_scoped3A_219 : memref<!tpu.dma_semaphore, #tpu.memory_space<semaphore_mem>>)
      %dma_wait3A = arith.constant 0 : i32
      %dma_wait3A_228 = tpu.memref_slice %arg11[%run_scoped3A, %dma_wait3A] : memref<128x128xf32, #tpu.memory_space<vmem>> -> memref<1x128xf32, #tpu.memory_space<vmem>>
      %dma_wait3A_229 = tpu.memref_squeeze %dma_wait3A_228 : memref<1x128xf32, #tpu.memory_space<vmem>> -> memref<128xf32, #tpu.memory_space<vmem>>
      %dma_wait3A_230 = tpu.memref_slice %arg15[%add3A_14] : memref<10240xf32, #tpu.memory_space<vmem_shared>> -> memref<128xf32, #tpu.memory_space<vmem_shared>>
      %dma_wait3A_231 = tpu.memref_slice %arg15[%add3A_14] : memref<10240xf32, #tpu.memory_space<vmem_shared>> -> memref<128xf32, #tpu.memory_space<vmem_shared>>
      %dma_wait3A_232 = arith.constant 0 : i32
      %dma_wait3A_233 = tpu.memref_slice %arg11[%run_scoped3A, %dma_wait3A_232] : memref<128x128xf32, #tpu.memory_space<vmem>> -> memref<1x128xf32, #tpu.memory_space<vmem>>
      %dma_wait3A_234 = tpu.memref_squeeze %dma_wait3A_233 : memref<1x128xf32, #tpu.memory_space<vmem>> -> memref<128xf32, #tpu.memory_space<vmem>>
      tpu.wait_dma2 semaphore(%run_scoped3A_219 : memref<!tpu.dma_semaphore, #tpu.memory_space<semaphore_mem>>) src(%dma_wait3A_234 : memref<128xf32, #tpu.memory_space<vmem>>) dst(%dma_wait3A_231 : memref<128xf32, #tpu.memory_space<vmem_shared>>)
      tpu.yield
    }) : () -> ()
    %add3A_15 = arith.constant 128 : i32
    %add3A_16 = arith.addi %mul3A_2, %add3A_15 : i32
    %run_scoped3A_17 = arith.constant 0 : i32
    "tpu.region"() ({
      %run_scoped3A_219 = tpu.sem_alloc : memref<!tpu.dma_semaphore, #tpu.memory_space<semaphore_mem>>
      %dma_start3A_220 = arith.constant 0 : i32
      %dma_start3A_221 = tpu.memref_slice %arg11[%run_scoped3A_17, %dma_start3A_220] : memref<128x128xf32, #tpu.memory_space<vmem>> -> memref<1x128xf32, #tpu.memory_space<vmem>>
      %dma_start3A_222 = tpu.memref_squeeze %dma_start3A_221 : memref<1x128xf32, #tpu.memory_space<vmem>> -> memref<128xf32, #tpu.memory_space<vmem>>
      %dma_start3A_223 = tpu.memref_slice %arg15[%add3A_16] : memref<10240xf32, #tpu.memory_space<vmem_shared>> -> memref<128xf32, #tpu.memory_space<vmem_shared>>
      %dma_start3A_224 = tpu.memref_slice %arg15[%add3A_16] : memref<10240xf32, #tpu.memory_space<vmem_shared>> -> memref<128xf32, #tpu.memory_space<vmem_shared>>
      %dma_start3A_225 = arith.constant 0 : i32
      %dma_start3A_226 = tpu.memref_slice %arg11[%run_scoped3A_17, %dma_start3A_225] : memref<128x128xf32, #tpu.memory_space<vmem>> -> memref<1x128xf32, #tpu.memory_space<vmem>>
      %dma_start3A_227 = tpu.memref_squeeze %dma_start3A_226 : memref<1x128xf32, #tpu.memory_space<vmem>> -> memref<128xf32, #tpu.memory_space<vmem>>
      tpu.enqueue_dma source(%dma_start3A_227 : memref<128xf32, #tpu.memory_space<vmem>>) target(%dma_start3A_224 : memref<128xf32, #tpu.memory_space<vmem_shared>>) target_semaphore(%run_scoped3A_219 : memref<!tpu.dma_semaphore, #tpu.memory_space<semaphore_mem>>)
      %dma_wait3A = arith.constant 0 : i32
      %dma_wait3A_228 = tpu.memref_slice %arg11[%run_scoped3A_17, %dma_wait3A] : memref<128x128xf32, #tpu.memory_space<vmem>> -> memref<1x128xf32, #tpu.memory_space<vmem>>
      %dma_wait3A_229 = tpu.memref_squeeze %dma_wait3A_228 : memref<1x128xf32, #tpu.memory_space<vmem>> -> memref<128xf32, #tpu.memory_space<vmem>>
      %dma_wait3A_230 = tpu.memref_slice %arg15[%add3A_16] : memref<10240xf32, #tpu.memory_space<vmem_shared>> -> memref<128xf32, #tpu.memory_space<vmem_shared>>
      %dma_wait3A_231 = tpu.memref_slice %arg15[%add3A_16] : memref<10240xf32, #tpu.memory_space<vmem_shared>> -> memref<128xf32, #tpu.memory_space<vmem_shared>>
      %dma_wait3A_232 = arith.constant 0 : i32
      %dma_wait3A_233 = tpu.memref_slice %arg11[%run_scoped3A_17, %dma_wait3A_232] : memref<128x128xf32, #tpu.memory_space<vmem>> -> memref<1x128xf32, #tpu.memory_space<vmem>>
      %dma_wait3A_234 = tpu.memref_squeeze %dma_wait3A_233 : memref<1x128xf32, #tpu.memory_space<vmem>> -> memref<128xf32, #tpu.memory_space<vmem>>
      tpu.wait_dma2 semaphore(%run_scoped3A_219 : memref<!tpu.dma_semaphore, #tpu.memory_space<semaphore_mem>>) src(%dma_wait3A_234 : memref<128xf32, #tpu.memory_space<vmem>>) dst(%dma_wait3A_231 : memref<128xf32, #tpu.memory_space<vmem_shared>>)
      tpu.yield
    }) : () -> ()
    %add3A_18 = arith.constant 256 : i32
    %add3A_19 = arith.addi %mul3A_2, %add3A_18 : i32
    %run_scoped3A_20 = arith.constant 0 : i32
    "tpu.region"() ({
      %run_scoped3A_219 = tpu.sem_alloc : memref<!tpu.dma_semaphore, #tpu.memory_space<semaphore_mem>>
      %dma_start3A_220 = arith.constant 0 : i32
      %dma_start3A_221 = tpu.memref_slice %arg11[%run_scoped3A_20, %dma_start3A_220] : memref<128x128xf32, #tpu.memory_space<vmem>> -> memref<1x128xf32, #tpu.memory_space<vmem>>
      %dma_start3A_222 = tpu.memref_squeeze %dma_start3A_221 : memref<1x128xf32, #tpu.memory_space<vmem>> -> memref<128xf32, #tpu.memory_space<vmem>>
      %dma_start3A_223 = tpu.memref_slice %arg15[%add3A_19] : memref<10240xf32, #tpu.memory_space<vmem_shared>> -> memref<128xf32, #tpu.memory_space<vmem_shared>>
      %dma_start3A_224 = tpu.memref_slice %arg15[%add3A_19] : memref<10240xf32, #tpu.memory_space<vmem_shared>> -> memref<128xf32, #tpu.memory_space<vmem_shared>>
      %dma_start3A_225 = arith.constant 0 : i32
      %dma_start3A_226 = tpu.memref_slice %arg11[%run_scoped3A_20, %dma_start3A_225] : memref<128x128xf32, #tpu.memory_space<vmem>> -> memref<1x128xf32, #tpu.memory_space<vmem>>
      %dma_start3A_227 = tpu.memref_squeeze %dma_start3A_226 : memref<1x128xf32, #tpu.memory_space<vmem>> -> memref<128xf32, #tpu.memory_space<vmem>>
      tpu.enqueue_dma source(%dma_start3A_227 : memref<128xf32, #tpu.memory_space<vmem>>) target(%dma_start3A_224 : memref<128xf32, #tpu.memory_space<vmem_shared>>) target_semaphore(%run_scoped3A_219 : memref<!tpu.dma_semaphore, #tpu.memory_space<semaphore_mem>>)
      %dma_wait3A = arith.constant 0 : i32
      %dma_wait3A_228 = tpu.memref_slice %arg11[%run_scoped3A_20, %dma_wait3A] : memref<128x128xf32, #tpu.memory_space<vmem>> -> memref<1x128xf32, #tpu.memory_space<vmem>>
      %dma_wait3A_229 = tpu.memref_squeeze %dma_wait3A_228 : memref<1x128xf32, #tpu.memory_space<vmem>> -> memref<128xf32, #tpu.memory_space<vmem>>
      %dma_wait3A_230 = tpu.memref_slice %arg15[%add3A_19] : memref<10240xf32, #tpu.memory_space<vmem_shared>> -> memref<128xf32, #tpu.memory_space<vmem_shared>>
      %dma_wait3A_231 = tpu.memref_slice %arg15[%add3A_19] : memref<10240xf32, #tpu.memory_space<vmem_shared>> -> memref<128xf32, #tpu.memory_space<vmem_shared>>
      %dma_wait3A_232 = arith.constant 0 : i32
      %dma_wait3A_233 = tpu.memref_slice %arg11[%run_scoped3A_20, %dma_wait3A_232] : memref<128x128xf32, #tpu.memory_space<vmem>> -> memref<1x128xf32, #tpu.memory_space<vmem>>
      %dma_wait3A_234 = tpu.memref_squeeze %dma_wait3A_233 : memref<1x128xf32, #tpu.memory_space<vmem>> -> memref<128xf32, #tpu.memory_space<vmem>>
      tpu.wait_dma2 semaphore(%run_scoped3A_219 : memref<!tpu.dma_semaphore, #tpu.memory_space<semaphore_mem>>) src(%dma_wait3A_234 : memref<128xf32, #tpu.memory_space<vmem>>) dst(%dma_wait3A_231 : memref<128xf32, #tpu.memory_space<vmem_shared>>)
      tpu.yield
    }) : () -> ()
    %add3A_21 = arith.constant 384 : i32
    %add3A_22 = arith.addi %mul3A_2, %add3A_21 : i32
    %run_scoped3A_23 = arith.constant 0 : i32
    "tpu.region"() ({
      %run_scoped3A_219 = tpu.sem_alloc : memref<!tpu.dma_semaphore, #tpu.memory_space<semaphore_mem>>
      %dma_start3A_220 = arith.constant 0 : i32
      %dma_start3A_221 = tpu.memref_slice %arg11[%run_scoped3A_23, %dma_start3A_220] : memref<128x128xf32, #tpu.memory_space<vmem>> -> memref<1x128xf32, #tpu.memory_space<vmem>>
      %dma_start3A_222 = tpu.memref_squeeze %dma_start3A_221 : memref<1x128xf32, #tpu.memory_space<vmem>> -> memref<128xf32, #tpu.memory_space<vmem>>
      %dma_start3A_223 = tpu.memref_slice %arg15[%add3A_22] : memref<10240xf32, #tpu.memory_space<vmem_shared>> -> memref<128xf32, #tpu.memory_space<vmem_shared>>
      %dma_start3A_224 = tpu.memref_slice %arg15[%add3A_22] : memref<10240xf32, #tpu.memory_space<vmem_shared>> -> memref<128xf32, #tpu.memory_space<vmem_shared>>
      %dma_start3A_225 = arith.constant 0 : i32
      %dma_start3A_226 = tpu.memref_slice %arg11[%run_scoped3A_23, %dma_start3A_225] : memref<128x128xf32, #tpu.memory_space<vmem>> -> memref<1x128xf32, #tpu.memory_space<vmem>>
      %dma_start3A_227 = tpu.memref_squeeze %dma_start3A_226 : memref<1x128xf32, #tpu.memory_space<vmem>> -> memref<128xf32, #tpu.memory_space<vmem>>
      tpu.enqueue_dma source(%dma_start3A_227 : memref<128xf32, #tpu.memory_space<vmem>>) target(%dma_start3A_224 : memref<128xf32, #tpu.memory_space<vmem_shared>>) target_semaphore(%run_scoped3A_219 : memref<!tpu.dma_semaphore, #tpu.memory_space<semaphore_mem>>)
      %dma_wait3A = arith.constant 0 : i32
      %dma_wait3A_228 = tpu.memref_slice %arg11[%run_scoped3A_23, %dma_wait3A] : memref<128x128xf32, #tpu.memory_space<vmem>> -> memref<1x128xf32, #tpu.memory_space<vmem>>
      %dma_wait3A_229 = tpu.memref_squeeze %dma_wait3A_228 : memref<1x128xf32, #tpu.memory_space<vmem>> -> memref<128xf32, #tpu.memory_space<vmem>>
      %dma_wait3A_230 = tpu.memref_slice %arg15[%add3A_22] : memref<10240xf32, #tpu.memory_space<vmem_shared>> -> memref<128xf32, #tpu.memory_space<vmem_shared>>
      %dma_wait3A_231 = tpu.memref_slice %arg15[%add3A_22] : memref<10240xf32, #tpu.memory_space<vmem_shared>> -> memref<128xf32, #tpu.memory_space<vmem_shared>>
      %dma_wait3A_232 = arith.constant 0 : i32
      %dma_wait3A_233 = tpu.memref_slice %arg11[%run_scoped3A_23, %dma_wait3A_232] : memref<128x128xf32, #tpu.memory_space<vmem>> -> memref<1x128xf32, #tpu.memory_space<vmem>>
      %dma_wait3A_234 = tpu.memref_squeeze %dma_wait3A_233 : memref<1x128xf32, #tpu.memory_space<vmem>> -> memref<128xf32, #tpu.memory_space<vmem>>
      tpu.wait_dma2 semaphore(%run_scoped3A_219 : memref<!tpu.dma_semaphore, #tpu.memory_space<semaphore_mem>>) src(%dma_wait3A_234 : memref<128xf32, #tpu.memory_space<vmem>>) dst(%dma_wait3A_231 : memref<128xf32, #tpu.memory_space<vmem_shared>>)
      tpu.yield
    }) : () -> ()
    %add3A_24 = arith.constant 512 : i32
    %add3A_25 = arith.addi %mul3A_2, %add3A_24 : i32
    %run_scoped3A_26 = arith.constant 0 : i32
    "tpu.region"() ({
      %run_scoped3A_219 = tpu.sem_alloc : memref<!tpu.dma_semaphore, #tpu.memory_space<semaphore_mem>>
      %dma_start3A_220 = arith.constant 0 : i32
      %dma_start3A_221 = tpu.memref_slice %arg11[%run_scoped3A_26, %dma_start3A_220] : memref<128x128xf32, #tpu.memory_space<vmem>> -> memref<1x128xf32, #tpu.memory_space<vmem>>
      %dma_start3A_222 = tpu.memref_squeeze %dma_start3A_221 : memref<1x128xf32, #tpu.memory_space<vmem>> -> memref<128xf32, #tpu.memory_space<vmem>>
      %dma_start3A_223 = tpu.memref_slice %arg15[%add3A_25] : memref<10240xf32, #tpu.memory_space<vmem_shared>> -> memref<128xf32, #tpu.memory_space<vmem_shared>>
      %dma_start3A_224 = tpu.memref_slice %arg15[%add3A_25] : memref<10240xf32, #tpu.memory_space<vmem_shared>> -> memref<128xf32, #tpu.memory_space<vmem_shared>>
      %dma_start3A_225 = arith.constant 0 : i32
      %dma_start3A_226 = tpu.memref_slice %arg11[%run_scoped3A_26, %dma_start3A_225] : memref<128x128xf32, #tpu.memory_space<vmem>> -> memref<1x128xf32, #tpu.memory_space<vmem>>
      %dma_start3A_227 = tpu.memref_squeeze %dma_start3A_226 : memref<1x128xf32, #tpu.memory_space<vmem>> -> memref<128xf32, #tpu.memory_space<vmem>>
      tpu.enqueue_dma source(%dma_start3A_227 : memref<128xf32, #tpu.memory_space<vmem>>) target(%dma_start3A_224 : memref<128xf32, #tpu.memory_space<vmem_shared>>) target_semaphore(%run_scoped3A_219 : memref<!tpu.dma_semaphore, #tpu.memory_space<semaphore_mem>>)
      %dma_wait3A = arith.constant 0 : i32
      %dma_wait3A_228 = tpu.memref_slice %arg11[%run_scoped3A_26, %dma_wait3A] : memref<128x128xf32, #tpu.memory_space<vmem>> -> memref<1x128xf32, #tpu.memory_space<vmem>>
      %dma_wait3A_229 = tpu.memref_squeeze %dma_wait3A_228 : memref<1x128xf32, #tpu.memory_space<vmem>> -> memref<128xf32, #tpu.memory_space<vmem>>
      %dma_wait3A_230 = tpu.memref_slice %arg15[%add3A_25] : memref<10240xf32, #tpu.memory_space<vmem_shared>> -> memref<128xf32, #tpu.memory_space<vmem_shared>>
      %dma_wait3A_231 = tpu.memref_slice %arg15[%add3A_25] : memref<10240xf32, #tpu.memory_space<vmem_shared>> -> memref<128xf32, #tpu.memory_space<vmem_shared>>
      %dma_wait3A_232 = arith.constant 0 : i32
      %dma_wait3A_233 = tpu.memref_slice %arg11[%run_scoped3A_26, %dma_wait3A_232] : memref<128x128xf32, #tpu.memory_space<vmem>> -> memref<1x128xf32, #tpu.memory_space<vmem>>
      %dma_wait3A_234 = tpu.memref_squeeze %dma_wait3A_233 : memref<1x128xf32, #tpu.memory_space<vmem>> -> memref<128xf32, #tpu.memory_space<vmem>>
      tpu.wait_dma2 semaphore(%run_scoped3A_219 : memref<!tpu.dma_semaphore, #tpu.memory_space<semaphore_mem>>) src(%dma_wait3A_234 : memref<128xf32, #tpu.memory_space<vmem>>) dst(%dma_wait3A_231 : memref<128xf32, #tpu.memory_space<vmem_shared>>)
      tpu.yield
    }) : () -> ()
    "tpu.region"() ({
      %run_scoped3A_219 = tpu.sem_alloc : memref<!tpu.dma_semaphore, #tpu.memory_space<semaphore_mem>>
      tpu.enqueue_dma source(%arg5 : memref<128xf32, #tpu.memory_space<hbm>>) target(%arg13 : memref<128xf32, #tpu.memory_space<vmem>>) target_semaphore(%run_scoped3A_219 : memref<!tpu.dma_semaphore, #tpu.memory_space<semaphore_mem>>)
      tpu.wait_dma2 semaphore(%run_scoped3A_219 : memref<!tpu.dma_semaphore, #tpu.memory_space<semaphore_mem>>) src(%arg5 : memref<128xf32, #tpu.memory_space<hbm>>) dst(%arg13 : memref<128xf32, #tpu.memory_space<vmem>>)
      tpu.yield
    }) : () -> ()
    "tpu.region"() ({
      %run_scoped3A_219 = tpu.sem_alloc : memref<!tpu.dma_semaphore, #tpu.memory_space<semaphore_mem>>
      %dma_start3A_220 = arith.constant 0 : i32
      %dma_start3A_221 = arith.constant 0 : i32
      %dma_start3A_222 = tpu.memref_slice %arg3[%add3A, %dma_start3A_220, %dma_start3A_221] : memref<32x80x128xi32, #tpu.memory_space<hbm>> -> memref<1x80x128xi32, #tpu.memory_space<hbm>>
      %dma_start3A_223 = tpu.memref_squeeze %dma_start3A_222 : memref<1x80x128xi32, #tpu.memory_space<hbm>> -> memref<80x128xi32, #tpu.memory_space<hbm>>
      %dma_start3A_224 = arith.constant 0 : i32
      %dma_start3A_225 = arith.constant 0 : i32
      %dma_start3A_226 = tpu.memref_slice %arg3[%add3A, %dma_start3A_224, %dma_start3A_225] : memref<32x80x128xi32, #tpu.memory_space<hbm>> -> memref<1x80x128xi32, #tpu.memory_space<hbm>>
      %dma_start3A_227 = tpu.memref_squeeze %dma_start3A_226 : memref<1x80x128xi32, #tpu.memory_space<hbm>> -> memref<80x128xi32, #tpu.memory_space<hbm>>
      tpu.enqueue_dma source(%dma_start3A_227 : memref<80x128xi32, #tpu.memory_space<hbm>>) target(%arg8 : memref<80x128xi32, #tpu.memory_space<vmem>>) target_semaphore(%run_scoped3A_219 : memref<!tpu.dma_semaphore, #tpu.memory_space<semaphore_mem>>)
      %dma_wait3A = arith.constant 0 : i32
      %dma_wait3A_228 = arith.constant 0 : i32
      %dma_wait3A_229 = tpu.memref_slice %arg3[%add3A, %dma_wait3A, %dma_wait3A_228] : memref<32x80x128xi32, #tpu.memory_space<hbm>> -> memref<1x80x128xi32, #tpu.memory_space<hbm>>
      %dma_wait3A_230 = tpu.memref_squeeze %dma_wait3A_229 : memref<1x80x128xi32, #tpu.memory_space<hbm>> -> memref<80x128xi32, #tpu.memory_space<hbm>>
      %dma_wait3A_231 = arith.constant 0 : i32
      %dma_wait3A_232 = arith.constant 0 : i32
      %dma_wait3A_233 = tpu.memref_slice %arg3[%add3A, %dma_wait3A_231, %dma_wait3A_232] : memref<32x80x128xi32, #tpu.memory_space<hbm>> -> memref<1x80x128xi32, #tpu.memory_space<hbm>>
      %dma_wait3A_234 = tpu.memref_squeeze %dma_wait3A_233 : memref<1x80x128xi32, #tpu.memory_space<hbm>> -> memref<80x128xi32, #tpu.memory_space<hbm>>
      tpu.wait_dma2 semaphore(%run_scoped3A_219 : memref<!tpu.dma_semaphore, #tpu.memory_space<semaphore_mem>>) src(%dma_wait3A_234 : memref<80x128xi32, #tpu.memory_space<hbm>>) dst(%arg8 : memref<80x128xi32, #tpu.memory_space<vmem>>)
      tpu.yield
    }) : () -> ()
    %barrier3A = arith.constant 0 : index
    tpu.barrier barrier_id(%barrier3A)
    %get3A = arith.constant 0 : i32
    %get3A_27 = arith.index_cast %get3A : i32 to index
    %get3A_28 = arith.constant 0 : index
    %get3A_29 = tpu.vector_load %arg8[%get3A_27, %get3A_28] {strides = array<i32>} : memref<80x128xi32, #tpu.memory_space<vmem>>, vector<1x16xi32>,
    %get3A_30 = vector.shape_cast %get3A_29 : vector<1x16xi32> to vector<16xi32>
    %shift_right_logical3A = arith.constant 14 : i32
    %shift_right_logical3A_31 = vector.broadcast %shift_right_logical3A : i32 to vector<16xi32>
    %shift_right_logical3A_32 = arith.shrui %get3A_30, %shift_right_logical3A_31 : vector<16xi32>
    %swap3A = arith.constant 0 : i32
    %swap3A_33 = arith.index_cast %swap3A : i32 to index
    %swap3A_34 = arith.constant 0 : index
    %swap3A_35 = tpu.vector_load %arg9[%swap3A_33, %swap3A_34] {strides = array<i32>} : memref<2x128xi32, #tpu.memory_space<vmem>>, vector<1x16xi32>,
    %swap3A_36 = vector.shape_cast %swap3A_35 : vector<1x16xi32> to vector<16xi32>
    %swap3A_37 = vector.shape_cast %shift_right_logical3A_32 : vector<16xi32> to vector<1x16xi32>
    tpu.vector_store %arg9[%swap3A_33, %swap3A_34], %swap3A_37 {strides = array<i32>} : memref<2x128xi32, #tpu.memory_space<vmem>>, vector<1x16xi32>,
    %and3A = arith.constant 16383 : i32
    %and3A_38 = vector.broadcast %and3A : i32 to vector<16xi32>
    %and3A_39 = arith.andi %get3A_30, %and3A_38 : vector<16xi32>
    %swap3A_40 = arith.constant 0 : i32
    %swap3A_41 = arith.index_cast %swap3A_40 : i32 to index
    %swap3A_42 = arith.constant 0 : index
    %swap3A_43 = tpu.vector_load %arg10[%swap3A_41, %swap3A_42] {strides = array<i32>} : memref<2x128xi32, #tpu.memory_space<vmem>>, vector<1x16xi32>,
    %swap3A_44 = vector.shape_cast %swap3A_43 : vector<1x16xi32> to vector<16xi32>
    %swap3A_45 = vector.shape_cast %and3A_39 : vector<16xi32> to vector<1x16xi32>
    tpu.vector_store %arg10[%swap3A_41, %swap3A_42], %swap3A_45 {strides = array<i32>} : memref<2x128xi32, #tpu.memory_space<vmem>>, vector<1x16xi32>,
    %get3A_46 = arith.constant 0 : i32
    %get3A_47 = arith.index_cast %get3A_46 : i32 to index
    %get3A_48 = arith.constant 16 : index
    %get3A_49 = tpu.vector_load %arg8[%get3A_47, %get3A_48] {strides = array<i32>} : memref<80x128xi32, #tpu.memory_space<vmem>>, vector<1x16xi32>,
    %get3A_50 = vector.shape_cast %get3A_49 : vector<1x16xi32> to vector<16xi32>
    %shift_right_logical3A_51 = arith.constant 14 : i32
    %shift_right_logical3A_52 = vector.broadcast %shift_right_logical3A_51 : i32 to vector<16xi32>
    %shift_right_logical3A_53 = arith.shrui %get3A_50, %shift_right_logical3A_52 : vector<16xi32>
    %swap3A_54 = arith.constant 0 : i32
    %swap3A_55 = arith.index_cast %swap3A_54 : i32 to index
    %swap3A_56 = arith.constant 16 : index
    %swap3A_57 = tpu.vector_load %arg9[%swap3A_55, %swap3A_56] {strides = array<i32>} : memref<2x128xi32, #tpu.memory_space<vmem>>, vector<1x16xi32>,
    %swap3A_58 = vector.shape_cast %swap3A_57 : vector<1x16xi32> to vector<16xi32>
    %swap3A_59 = vector.shape_cast %shift_right_logical3A_53 : vector<16xi32> to vector<1x16xi32>
    tpu.vector_store %arg9[%swap3A_55, %swap3A_56], %swap3A_59 {strides = array<i32>} : memref<2x128xi32, #tpu.memory_space<vmem>>, vector<1x16xi32>,
    %and3A_60 = arith.constant 16383 : i32
    %and3A_61 = vector.broadcast %and3A_60 : i32 to vector<16xi32>
    %and3A_62 = arith.andi %get3A_50, %and3A_61 : vector<16xi32>
    %swap3A_63 = arith.constant 0 : i32
    %swap3A_64 = arith.index_cast %swap3A_63 : i32 to index
    %swap3A_65 = arith.constant 16 : index
    %swap3A_66 = tpu.vector_load %arg10[%swap3A_64, %swap3A_65] {strides = array<i32>} : memref<2x128xi32, #tpu.memory_space<vmem>>, vector<1x16xi32>,
    %swap3A_67 = vector.shape_cast %swap3A_66 : vector<1x16xi32> to vector<16xi32>
    %swap3A_68 = vector.shape_cast %and3A_62 : vector<16xi32> to vector<1x16xi32>
    tpu.vector_store %arg10[%swap3A_64, %swap3A_65], %swap3A_68 {strides = array<i32>} : memref<2x128xi32, #tpu.memory_space<vmem>>, vector<1x16xi32>,
    %get3A_69 = arith.constant 0 : i32
    %get3A_70 = arith.index_cast %get3A_69 : i32 to index
    %get3A_71 = arith.constant 32 : index
    %get3A_72 = tpu.vector_load %arg8[%get3A_70, %get3A_71] {strides = array<i32>} : memref<80x128xi32, #tpu.memory_space<vmem>>, vector<1x16xi32>,
    %get3A_73 = vector.shape_cast %get3A_72 : vector<1x16xi32> to vector<16xi32>
    %shift_right_logical3A_74 = arith.constant 14 : i32
    %shift_right_logical3A_75 = vector.broadcast %shift_right_logical3A_74 : i32 to vector<16xi32>
    %shift_right_logical3A_76 = arith.shrui %get3A_73, %shift_right_logical3A_75 : vector<16xi32>
    %swap3A_77 = arith.constant 0 : i32
    %swap3A_78 = arith.index_cast %swap3A_77 : i32 to index
    %swap3A_79 = arith.constant 32 : index
    %swap3A_80 = tpu.vector_load %arg9[%swap3A_78, %swap3A_79] {strides = array<i32>} : memref<2x128xi32, #tpu.memory_space<vmem>>, vector<1x16xi32>,
    %swap3A_81 = vector.shape_cast %swap3A_80 : vector<1x16xi32> to vector<16xi32>
    %swap3A_82 = vector.shape_cast %shift_right_logical3A_76 : vector<16xi32> to vector<1x16xi32>
    tpu.vector_store %arg9[%swap3A_78, %swap3A_79], %swap3A_82 {strides = array<i32>} : memref<2x128xi32, #tpu.memory_space<vmem>>, vector<1x16xi32>,
    %and3A_83 = arith.constant 16383 : i32
    %and3A_84 = vector.broadcast %and3A_83 : i32 to vector<16xi32>
    %and3A_85 = arith.andi %get3A_73, %and3A_84 : vector<16xi32>
    %swap3A_86 = arith.constant 0 : i32
    %swap3A_87 = arith.index_cast %swap3A_86 : i32 to index
    %swap3A_88 = arith.constant 32 : index
    %swap3A_89 = tpu.vector_load %arg10[%swap3A_87, %swap3A_88] {strides = array<i32>} : memref<2x128xi32, #tpu.memory_space<vmem>>, vector<1x16xi32>,
    %swap3A_90 = vector.shape_cast %swap3A_89 : vector<1x16xi32> to vector<16xi32>
    %swap3A_91 = vector.shape_cast %and3A_85 : vector<16xi32> to vector<1x16xi32>
    tpu.vector_store %arg10[%swap3A_87, %swap3A_88], %swap3A_91 {strides = array<i32>} : memref<2x128xi32, #tpu.memory_space<vmem>>, vector<1x16xi32>,
    %get3A_92 = arith.constant 0 : i32
    %get3A_93 = arith.index_cast %get3A_92 : i32 to index
    %get3A_94 = arith.constant 48 : index
    %get3A_95 = tpu.vector_load %arg8[%get3A_93, %get3A_94] {strides = array<i32>} : memref<80x128xi32, #tpu.memory_space<vmem>>, vector<1x16xi32>,
    %get3A_96 = vector.shape_cast %get3A_95 : vector<1x16xi32> to vector<16xi32>
    %shift_right_logical3A_97 = arith.constant 14 : i32
    %shift_right_logical3A_98 = vector.broadcast %shift_right_logical3A_97 : i32 to vector<16xi32>
    %shift_right_logical3A_99 = arith.shrui %get3A_96, %shift_right_logical3A_98 : vector<16xi32>
    %swap3A_100 = arith.constant 0 : i32
    %swap3A_101 = arith.index_cast %swap3A_100 : i32 to index
    %swap3A_102 = arith.constant 48 : index
    %swap3A_103 = tpu.vector_load %arg9[%swap3A_101, %swap3A_102] {strides = array<i32>} : memref<2x128xi32, #tpu.memory_space<vmem>>, vector<1x16xi32>,
    %swap3A_104 = vector.shape_cast %swap3A_103 : vector<1x16xi32> to vector<16xi32>
    %swap3A_105 = vector.shape_cast %shift_right_logical3A_99 : vector<16xi32> to vector<1x16xi32>
    tpu.vector_store %arg9[%swap3A_101, %swap3A_102], %swap3A_105 {strides = array<i32>} : memref<2x128xi32, #tpu.memory_space<vmem>>, vector<1x16xi32>,
    %and3A_106 = arith.constant 16383 : i32
    %and3A_107 = vector.broadcast %and3A_106 : i32 to vector<16xi32>
    %and3A_108 = arith.andi %get3A_96, %and3A_107 : vector<16xi32>
    %swap3A_109 = arith.constant 0 : i32
    %swap3A_110 = arith.index_cast %swap3A_109 : i32 to index
    %swap3A_111 = arith.constant 48 : index
    %swap3A_112 = tpu.vector_load %arg10[%swap3A_110, %swap3A_111] {strides = array<i32>} : memref<2x128xi32, #tpu.memory_space<vmem>>, vector<1x16xi32>,
    %swap3A_113 = vector.shape_cast %swap3A_112 : vector<1x16xi32> to vector<16xi32>
    %swap3A_114 = vector.shape_cast %and3A_108 : vector<16xi32> to vector<1x16xi32>
    tpu.vector_store %arg10[%swap3A_110, %swap3A_111], %swap3A_114 {strides = array<i32>} : memref<2x128xi32, #tpu.memory_space<vmem>>, vector<1x16xi32>,
    %get3A_115 = arith.constant 0 : i32
    %get3A_116 = arith.index_cast %get3A_115 : i32 to index
    %get3A_117 = arith.constant 64 : index
    %get3A_118 = tpu.vector_load %arg8[%get3A_116, %get3A_117] {strides = array<i32>} : memref<80x128xi32, #tpu.memory_space<vmem>>, vector<1x16xi32>,
    %get3A_119 = vector.shape_cast %get3A_118 : vector<1x16xi32> to vector<16xi32>
    %shift_right_logical3A_120 = arith.constant 14 : i32
    %shift_right_logical3A_121 = vector.broadcast %shift_right_logical3A_120 : i32 to vector<16xi32>
    %shift_right_logical3A_122 = arith.shrui %get3A_119, %shift_right_logical3A_121 : vector<16xi32>
    %swap3A_123 = arith.constant 0 : i32
    %swap3A_124 = arith.index_cast %swap3A_123 : i32 to index
    %swap3A_125 = arith.constant 64 : index
    %swap3A_126 = tpu.vector_load %arg9[%swap3A_124, %swap3A_125] {strides = array<i32>} : memref<2x128xi32, #tpu.memory_space<vmem>>, vector<1x16xi32>,
    %swap3A_127 = vector.shape_cast %swap3A_126 : vector<1x16xi32> to vector<16xi32>
    %swap3A_128 = vector.shape_cast %shift_right_logical3A_122 : vector<16xi32> to vector<1x16xi32>
    tpu.vector_store %arg9[%swap3A_124, %swap3A_125], %swap3A_128 {strides = array<i32>} : memref<2x128xi32, #tpu.memory_space<vmem>>, vector<1x16xi32>,
    %and3A_129 = arith.constant 16383 : i32
    %and3A_130 = vector.broadcast %and3A_129 : i32 to vector<16xi32>
    %and3A_131 = arith.andi %get3A_119, %and3A_130 : vector<16xi32>
    %swap3A_132 = arith.constant 0 : i32
    %swap3A_133 = arith.index_cast %swap3A_132 : i32 to index
    %swap3A_134 = arith.constant 64 : index
    %swap3A_135 = tpu.vector_load %arg10[%swap3A_133, %swap3A_134] {strides = array<i32>} : memref<2x128xi32, #tpu.memory_space<vmem>>, vector<1x16xi32>,
    %swap3A_136 = vector.shape_cast %swap3A_135 : vector<1x16xi32> to vector<16xi32>
    %swap3A_137 = vector.shape_cast %and3A_131 : vector<16xi32> to vector<1x16xi32>
    tpu.vector_store %arg10[%swap3A_133, %swap3A_134], %swap3A_137 {strides = array<i32>} : memref<2x128xi32, #tpu.memory_space<vmem>>, vector<1x16xi32>,
    %get3A_138 = arith.constant 0 : i32
    %get3A_139 = arith.index_cast %get3A_138 : i32 to index
    %get3A_140 = arith.constant 80 : index
    %get3A_141 = tpu.vector_load %arg8[%get3A_139, %get3A_140] {strides = array<i32>} : memref<80x128xi32, #tpu.memory_space<vmem>>, vector<1x16xi32>,
    %get3A_142 = vector.shape_cast %get3A_141 : vector<1x16xi32> to vector<16xi32>
    %shift_right_logical3A_143 = arith.constant 14 : i32
    %shift_right_logical3A_144 = vector.broadcast %shift_right_logical3A_143 : i32 to vector<16xi32>
    %shift_right_logical3A_145 = arith.shrui %get3A_142, %shift_right_logical3A_144 : vector<16xi32>
    %swap3A_146 = arith.constant 0 : i32
    %swap3A_147 = arith.index_cast %swap3A_146 : i32 to index
    %swap3A_148 = arith.constant 80 : index
    %swap3A_149 = tpu.vector_load %arg9[%swap3A_147, %swap3A_148] {strides = array<i32>} : memref<2x128xi32, #tpu.memory_space<vmem>>, vector<1x16xi32>,
    %swap3A_150 = vector.shape_cast %swap3A_149 : vector<1x16xi32> to vector<16xi32>
    %swap3A_151 = vector.shape_cast %shift_right_logical3A_145 : vector<16xi32> to vector<1x16xi32>
    tpu.vector_store %arg9[%swap3A_147, %swap3A_148], %swap3A_151 {strides = array<i32>} : memref<2x128xi32, #tpu.memory_space<vmem>>, vector<1x16xi32>,
    %and3A_152 = arith.constant 16383 : i32
    %and3A_153 = vector.broadcast %and3A_152 : i32 to vector<16xi32>
    %and3A_154 = arith.andi %get3A_142, %and3A_153 : vector<16xi32>
    %swap3A_155 = arith.constant 0 : i32
    %swap3A_156 = arith.index_cast %swap3A_155 : i32 to index
    %swap3A_157 = arith.constant 80 : index
    %swap3A_158 = tpu.vector_load %arg10[%swap3A_156, %swap3A_157] {strides = array<i32>} : memref<2x128xi32, #tpu.memory_space<vmem>>, vector<1x16xi32>,
    %swap3A_159 = vector.shape_cast %swap3A_158 : vector<1x16xi32> to vector<16xi32>
    %swap3A_160 = vector.shape_cast %and3A_154 : vector<16xi32> to vector<1x16xi32>
    tpu.vector_store %arg10[%swap3A_156, %swap3A_157], %swap3A_160 {strides = array<i32>} : memref<2x128xi32, #tpu.memory_space<vmem>>, vector<1x16xi32>,
    %get3A_161 = arith.constant 0 : i32
    %get3A_162 = arith.index_cast %get3A_161 : i32 to index
    %get3A_163 = arith.constant 96 : index
    %get3A_164 = tpu.vector_load %arg8[%get3A_162, %get3A_163] {strides = array<i32>} : memref<80x128xi32, #tpu.memory_space<vmem>>, vector<1x16xi32>,
    %get3A_165 = vector.shape_cast %get3A_164 : vector<1x16xi32> to vector<16xi32>
    %shift_right_logical3A_166 = arith.constant 14 : i32
    %shift_right_logical3A_167 = vector.broadcast %shift_right_logical3A_166 : i32 to vector<16xi32>
    %shift_right_logical3A_168 = arith.shrui %get3A_165, %shift_right_logical3A_167 : vector<16xi32>
    %swap3A_169 = arith.constant 0 : i32
    %swap3A_170 = arith.index_cast %swap3A_169 : i32 to index
    %swap3A_171 = arith.constant 96 : index
    %swap3A_172 = tpu.vector_load %arg9[%swap3A_170, %swap3A_171] {strides = array<i32>} : memref<2x128xi32, #tpu.memory_space<vmem>>, vector<1x16xi32>,
    %swap3A_173 = vector.shape_cast %swap3A_172 : vector<1x16xi32> to vector<16xi32>
    %swap3A_174 = vector.shape_cast %shift_right_logical3A_168 : vector<16xi32> to vector<1x16xi32>
    tpu.vector_store %arg9[%swap3A_170, %swap3A_171], %swap3A_174 {strides = array<i32>} : memref<2x128xi32, #tpu.memory_space<vmem>>, vector<1x16xi32>,
    %and3A_175 = arith.constant 16383 : i32
    %and3A_176 = vector.broadcast %and3A_175 : i32 to vector<16xi32>
    %and3A_177 = arith.andi %get3A_165, %and3A_176 : vector<16xi32>
    %swap3A_178 = arith.constant 0 : i32
    %swap3A_179 = arith.index_cast %swap3A_178 : i32 to index
    %swap3A_180 = arith.constant 96 : index
    %swap3A_181 = tpu.vector_load %arg10[%swap3A_179, %swap3A_180] {strides = array<i32>} : memref<2x128xi32, #tpu.memory_space<vmem>>, vector<1x16xi32>,
    %swap3A_182 = vector.shape_cast %swap3A_181 : vector<1x16xi32> to vector<16xi32>
    %swap3A_183 = vector.shape_cast %and3A_177 : vector<16xi32> to vector<1x16xi32>
    tpu.vector_store %arg10[%swap3A_179, %swap3A_180], %swap3A_183 {strides = array<i32>} : memref<2x128xi32, #tpu.memory_space<vmem>>, vector<1x16xi32>,
    %get3A_184 = arith.constant 0 : i32
    %get3A_185 = arith.index_cast %get3A_184 : i32 to index
    %get3A_186 = arith.constant 112 : index
    %get3A_187 = tpu.vector_load %arg8[%get3A_185, %get3A_186] {strides = array<i32>} : memref<80x128xi32, #tpu.memory_space<vmem>>, vector<1x16xi32>,
    %get3A_188 = vector.shape_cast %get3A_187 : vector<1x16xi32> to vector<16xi32>
    %shift_right_logical3A_189 = arith.constant 14 : i32
    %shift_right_logical3A_190 = vector.broadcast %shift_right_logical3A_189 : i32 to vector<16xi32>
    %shift_right_logical3A_191 = arith.shrui %get3A_188, %shift_right_logical3A_190 : vector<16xi32>
    %swap3A_192 = arith.constant 0 : i32
    %swap3A_193 = arith.index_cast %swap3A_192 : i32 to index
    %swap3A_194 = arith.constant 112 : index
    %swap3A_195 = tpu.vector_load %arg9[%swap3A_193, %swap3A_194] {strides = array<i32>} : memref<2x128xi32, #tpu.memory_space<vmem>>, vector<1x16xi32>,
    %swap3A_196 = vector.shape_cast %swap3A_195 : vector<1x16xi32> to vector<16xi32>
    %swap3A_197 = vector.shape_cast %shift_right_logical3A_191 : vector<16xi32> to vector<1x16xi32>
    tpu.vector_store %arg9[%swap3A_193, %swap3A_194], %swap3A_197 {strides = array<i32>} : memref<2x128xi32, #tpu.memory_space<vmem>>, vector<1x16xi32>,
    %and3A_198 = arith.constant 16383 : i32
    %and3A_199 = vector.broadcast %and3A_198 : i32 to vector<16xi32>
    %and3A_200 = arith.andi %get3A_188, %and3A_199 : vector<16xi32>
    %swap3A_201 = arith.constant 0 : i32
    %swap3A_202 = arith.index_cast %swap3A_201 : i32 to index
    %swap3A_203 = arith.constant 112 : index
    %swap3A_204 = tpu.vector_load %arg10[%swap3A_202, %swap3A_203] {strides = array<i32>} : memref<2x128xi32, #tpu.memory_space<vmem>>, vector<1x16xi32>,
    %swap3A_205 = vector.shape_cast %swap3A_204 : vector<1x16xi32> to vector<16xi32>
    %swap3A_206 = vector.shape_cast %and3A_200 : vector<16xi32> to vector<1x16xi32>
    tpu.vector_store %arg10[%swap3A_202, %swap3A_203], %swap3A_206 {strides = array<i32>} : memref<2x128xi32, #tpu.memory_space<vmem>>, vector<1x16xi32>,
    %dma_start3A = arith.constant 0 : i32
    %dma_start3A_207 = arith.constant 0 : i32
    %dma_start3A_208 = tpu.memref_slice %arg9[%dma_start3A, %dma_start3A_207] : memref<2x128xi32, #tpu.memory_space<vmem>> -> memref<1x128xi32, #tpu.memory_space<vmem>>
    %dma_start3A_209 = tpu.memref_squeeze %dma_start3A_208 : memref<1x128xi32, #tpu.memory_space<vmem>> -> memref<128xi32, #tpu.memory_space<vmem>>
    %dma_start3A_210 = arith.constant 0 : i32
    %dma_start3A_211 = arith.constant 0 : i32
    %dma_start3A_212 = tpu.memref_slice %arg2[%dma_start3A_210, %dma_start3A_211] : memref<10000x128xf32, #tpu.memory_space<hbm>> -> memref<10000x128xf32, #tpu.memory_space<hbm>>
    tpu.enqueue_indirect_dma source(%dma_start3A_212 : memref<10000x128xf32, #tpu.memory_space<hbm>>) target(%arg11 : memref<128x128xf32, #tpu.memory_space<vmem>>) offsets(%dma_start3A_209 : memref<128xi32, #tpu.memory_space<vmem>>) semaphore(%arg16 : memref<!tpu.dma_semaphore, #tpu.memory_space<semaphore_mem>>)
    %scan3A = arith.constant 0 : i32
    %scan3A_213 = arith.constant 0 : i32
    %scan3A_214 = arith.constant 40 : i32
    %scan3A_215 = arith.addi %scan3A_213, %scan3A_214 : i32
    %scan3A_216 = arith.constant 1 : i32
    scf.for %scan3A_219 = %scan3A_213 to %scan3A_215 step %scan3A_216  : i32 {
      %mul3A_220 = arith.constant 2 : i32
      %mul3A_221 = arith.muli %mul3A_220, %scan3A_219 : i32
      %add3A_222 = arith.constant 1 : i32
      %add3A_223 = arith.addi %mul3A_221, %add3A_222 : i32
      %get3A_224 = arith.index_cast %add3A_223 : i32 to index
      %get3A_225 = arith.constant 0 : index
      %get3A_226 = tpu.vector_load %arg8[%get3A_224, %get3A_225] {strides = array<i32>} : memref<80x128xi32, #tpu.memory_space<vmem>>, vector<1x16xi32>,
      %get3A_227 = vector.shape_cast %get3A_226 : vector<1x16xi32> to vector<16xi32>
      %shift_right_logical3A_228 = arith.constant 14 : i32
      %shift_right_logical3A_229 = vector.broadcast %shift_right_logical3A_228 : i32 to vector<16xi32>
      %shift_right_logical3A_230 = arith.shrui %get3A_227, %shift_right_logical3A_229 : vector<16xi32>
      %swap3A_231 = arith.constant 1 : i32
      %swap3A_232 = arith.index_cast %swap3A_231 : i32 to index
      %swap3A_233 = arith.constant 0 : index
      %swap3A_234 = tpu.vector_load %arg9[%swap3A_232, %swap3A_233] {strides = array<i32>} : memref<2x128xi32, #tpu.memory_space<vmem>>, vector<1x16xi32>,
      %swap3A_235 = vector.shape_cast %swap3A_234 : vector<1x16xi32> to vector<16xi32>
      %swap3A_236 = vector.shape_cast %shift_right_logical3A_230 : vector<16xi32> to vector<1x16xi32>
      tpu.vector_store %arg9[%swap3A_232, %swap3A_233], %swap3A_236 {strides = array<i32>} : memref<2x128xi32, #tpu.memory_space<vmem>>, vector<1x16xi32>,
      %and3A_237 = arith.constant 16383 : i32
      %and3A_238 = vector.broadcast %and3A_237 : i32 to vector<16xi32>
      %and3A_239 = arith.andi %get3A_227, %and3A_238 : vector<16xi32>
      %swap3A_240 = arith.constant 1 : i32
      %swap3A_241 = arith.index_cast %swap3A_240 : i32 to index
      %swap3A_242 = arith.constant 0 : index
      %swap3A_243 = tpu.vector_load %arg10[%swap3A_241, %swap3A_242] {strides = array<i32>} : memref<2x128xi32, #tpu.memory_space<vmem>>, vector<1x16xi32>,
      %swap3A_244 = vector.shape_cast %swap3A_243 : vector<1x16xi32> to vector<16xi32>
      %swap3A_245 = vector.shape_cast %and3A_239 : vector<16xi32> to vector<1x16xi32>
      tpu.vector_store %arg10[%swap3A_241, %swap3A_242], %swap3A_245 {strides = array<i32>} : memref<2x128xi32, #tpu.memory_space<vmem>>, vector<1x16xi32>,
      %get3A_246 = arith.index_cast %add3A_223 : i32 to index
      %get3A_247 = arith.constant 16 : index
      %get3A_248 = tpu.vector_load %arg8[%get3A_246, %get3A_247] {strides = array<i32>} : memref<80x128xi32, #tpu.memory_space<vmem>>, vector<1x16xi32>,
      %get3A_249 = vector.shape_cast %get3A_248 : vector<1x16xi32> to vector<16xi32>
      %shift_right_logical3A_250 = arith.constant 14 : i32
      %shift_right_logical3A_251 = vector.broadcast %shift_right_logical3A_250 : i32 to vector<16xi32>
      %shift_right_logical3A_252 = arith.shrui %get3A_249, %shift_right_logical3A_251 : vector<16xi32>
      %swap3A_253 = arith.constant 1 : i32
      %swap3A_254 = arith.index_cast %swap3A_253 : i32 to index
      %swap3A_255 = arith.constant 16 : index
      %swap3A_256 = tpu.vector_load %arg9[%swap3A_254, %swap3A_255] {strides = array<i32>} : memref<2x128xi32, #tpu.memory_space<vmem>>, vector<1x16xi32>,
      %swap3A_257 = vector.shape_cast %swap3A_256 : vector<1x16xi32> to vector<16xi32>
      %swap3A_258 = vector.shape_cast %shift_right_logical3A_252 : vector<16xi32> to vector<1x16xi32>
      tpu.vector_store %arg9[%swap3A_254, %swap3A_255], %swap3A_258 {strides = array<i32>} : memref<2x128xi32, #tpu.memory_space<vmem>>, vector<1x16xi32>,
      %and3A_259 = arith.constant 16383 : i32
      %and3A_260 = vector.broadcast %and3A_259 : i32 to vector<16xi32>
      %and3A_261 = arith.andi %get3A_249, %and3A_260 : vector<16xi32>
      %swap3A_262 = arith.constant 1 : i32
      %swap3A_263 = arith.index_cast %swap3A_262 : i32 to index
      %swap3A_264 = arith.constant 16 : index
      %swap3A_265 = tpu.vector_load %arg10[%swap3A_263, %swap3A_264] {strides = array<i32>} : memref<2x128xi32, #tpu.memory_space<vmem>>, vector<1x16xi32>,
      %swap3A_266 = vector.shape_cast %swap3A_265 : vector<1x16xi32> to vector<16xi32>
      %swap3A_267 = vector.shape_cast %and3A_261 : vector<16xi32> to vector<1x16xi32>
      tpu.vector_store %arg10[%swap3A_263, %swap3A_264], %swap3A_267 {strides = array<i32>} : memref<2x128xi32, #tpu.memory_space<vmem>>, vector<1x16xi32>,
      %get3A_268 = arith.index_cast %add3A_223 : i32 to index
      %get3A_269 = arith.constant 32 : index
      %get3A_270 = tpu.vector_load %arg8[%get3A_268, %get3A_269] {strides = array<i32>} : memref<80x128xi32, #tpu.memory_space<vmem>>, vector<1x16xi32>,
      %get3A_271 = vector.shape_cast %get3A_270 : vector<1x16xi32> to vector<16xi32>
      %shift_right_logical3A_272 = arith.constant 14 : i32
      %shift_right_logical3A_273 = vector.broadcast %shift_right_logical3A_272 : i32 to vector<16xi32>
      %shift_right_logical3A_274 = arith.shrui %get3A_271, %shift_right_logical3A_273 : vector<16xi32>
      %swap3A_275 = arith.constant 1 : i32
      %swap3A_276 = arith.index_cast %swap3A_275 : i32 to index
      %swap3A_277 = arith.constant 32 : index
      %swap3A_278 = tpu.vector_load %arg9[%swap3A_276, %swap3A_277] {strides = array<i32>} : memref<2x128xi32, #tpu.memory_space<vmem>>, vector<1x16xi32>,
      %swap3A_279 = vector.shape_cast %swap3A_278 : vector<1x16xi32> to vector<16xi32>
      %swap3A_280 = vector.shape_cast %shift_right_logical3A_274 : vector<16xi32> to vector<1x16xi32>
      tpu.vector_store %arg9[%swap3A_276, %swap3A_277], %swap3A_280 {strides = array<i32>} : memref<2x128xi32, #tpu.memory_space<vmem>>, vector<1x16xi32>,
      %and3A_281 = arith.constant 16383 : i32
      %and3A_282 = vector.broadcast %and3A_281 : i32 to vector<16xi32>
      %and3A_283 = arith.andi %get3A_271, %and3A_282 : vector<16xi32>
      %swap3A_284 = arith.constant 1 : i32
      %swap3A_285 = arith.index_cast %swap3A_284 : i32 to index
      %swap3A_286 = arith.constant 32 : index
      %swap3A_287 = tpu.vector_load %arg10[%swap3A_285, %swap3A_286] {strides = array<i32>} : memref<2x128xi32, #tpu.memory_space<vmem>>, vector<1x16xi32>,
      %swap3A_288 = vector.shape_cast %swap3A_287 : vector<1x16xi32> to vector<16xi32>
      %swap3A_289 = vector.shape_cast %and3A_283 : vector<16xi32> to vector<1x16xi32>
      tpu.vector_store %arg10[%swap3A_285, %swap3A_286], %swap3A_289 {strides = array<i32>} : memref<2x128xi32, #tpu.memory_space<vmem>>, vector<1x16xi32>,
      %get3A_290 = arith.index_cast %add3A_223 : i32 to index
      %get3A_291 = arith.constant 48 : index
      %get3A_292 = tpu.vector_load %arg8[%get3A_290, %get3A_291] {strides = array<i32>} : memref<80x128xi32, #tpu.memory_space<vmem>>, vector<1x16xi32>,
      %get3A_293 = vector.shape_cast %get3A_292 : vector<1x16xi32> to vector<16xi32>
      %shift_right_logical3A_294 = arith.constant 14 : i32
      %shift_right_logical3A_295 = vector.broadcast %shift_right_logical3A_294 : i32 to vector<16xi32>
      %shift_right_logical3A_296 = arith.shrui %get3A_293, %shift_right_logical3A_295 : vector<16xi32>
      %swap3A_297 = arith.constant 1 : i32
      %swap3A_298 = arith.index_cast %swap3A_297 : i32 to index
      %swap3A_299 = arith.constant 48 : index
      %swap3A_300 = tpu.vector_load %arg9[%swap3A_298, %swap3A_299] {strides = array<i32>} : memref<2x128xi32, #tpu.memory_space<vmem>>, vector<1x16xi32>,
      %swap3A_301 = vector.shape_cast %swap3A_300 : vector<1x16xi32> to vector<16xi32>
      %swap3A_302 = vector.shape_cast %shift_right_logical3A_296 : vector<16xi32> to vector<1x16xi32>
      tpu.vector_store %arg9[%swap3A_298, %swap3A_299], %swap3A_302 {strides = array<i32>} : memref<2x128xi32, #tpu.memory_space<vmem>>, vector<1x16xi32>,
      %and3A_303 = arith.constant 16383 : i32
      %and3A_304 = vector.broadcast %and3A_303 : i32 to vector<16xi32>
      %and3A_305 = arith.andi %get3A_293, %and3A_304 : vector<16xi32>
      %swap3A_306 = arith.constant 1 : i32
      %swap3A_307 = arith.index_cast %swap3A_306 : i32 to index
      %swap3A_308 = arith.constant 48 : index
      %swap3A_309 = tpu.vector_load %arg10[%swap3A_307, %swap3A_308] {strides = array<i32>} : memref<2x128xi32, #tpu.memory_space<vmem>>, vector<1x16xi32>,
      %swap3A_310 = vector.shape_cast %swap3A_309 : vector<1x16xi32> to vector<16xi32>
      %swap3A_311 = vector.shape_cast %and3A_305 : vector<16xi32> to vector<1x16xi32>
      tpu.vector_store %arg10[%swap3A_307, %swap3A_308], %swap3A_311 {strides = array<i32>} : memref<2x128xi32, #tpu.memory_space<vmem>>, vector<1x16xi32>,
      %get3A_312 = arith.index_cast %add3A_223 : i32 to index
      %get3A_313 = arith.constant 64 : index
      %get3A_314 = tpu.vector_load %arg8[%get3A_312, %get3A_313] {strides = array<i32>} : memref<80x128xi32, #tpu.memory_space<vmem>>, vector<1x16xi32>,
      %get3A_315 = vector.shape_cast %get3A_314 : vector<1x16xi32> to vector<16xi32>
      %shift_right_logical3A_316 = arith.constant 14 : i32
      %shift_right_logical3A_317 = vector.broadcast %shift_right_logical3A_316 : i32 to vector<16xi32>
      %shift_right_logical3A_318 = arith.shrui %get3A_315, %shift_right_logical3A_317 : vector<16xi32>
      %swap3A_319 = arith.constant 1 : i32
      %swap3A_320 = arith.index_cast %swap3A_319 : i32 to index
      %swap3A_321 = arith.constant 64 : index
      %swap3A_322 = tpu.vector_load %arg9[%swap3A_320, %swap3A_321] {strides = array<i32>} : memref<2x128xi32, #tpu.memory_space<vmem>>, vector<1x16xi32>,
      %swap3A_323 = vector.shape_cast %swap3A_322 : vector<1x16xi32> to vector<16xi32>
      %swap3A_324 = vector.shape_cast %shift_right_logical3A_318 : vector<16xi32> to vector<1x16xi32>
      tpu.vector_store %arg9[%swap3A_320, %swap3A_321], %swap3A_324 {strides = array<i32>} : memref<2x128xi32, #tpu.memory_space<vmem>>, vector<1x16xi32>,
      %and3A_325 = arith.constant 16383 : i32
      %and3A_326 = vector.broadcast %and3A_325 : i32 to vector<16xi32>
      %and3A_327 = arith.andi %get3A_315, %and3A_326 : vector<16xi32>
      %swap3A_328 = arith.constant 1 : i32
      %swap3A_329 = arith.index_cast %swap3A_328 : i32 to index
      %swap3A_330 = arith.constant 64 : index
      %swap3A_331 = tpu.vector_load %arg10[%swap3A_329, %swap3A_330] {strides = array<i32>} : memref<2x128xi32, #tpu.memory_space<vmem>>, vector<1x16xi32>,
      %swap3A_332 = vector.shape_cast %swap3A_331 : vector<1x16xi32> to vector<16xi32>
      %swap3A_333 = vector.shape_cast %and3A_327 : vector<16xi32> to vector<1x16xi32>
      tpu.vector_store %arg10[%swap3A_329, %swap3A_330], %swap3A_333 {strides = array<i32>} : memref<2x128xi32, #tpu.memory_space<vmem>>, vector<1x16xi32>,
      %get3A_334 = arith.index_cast %add3A_223 : i32 to index
      %get3A_335 = arith.constant 80 : index
      %get3A_336 = tpu.vector_load %arg8[%get3A_334, %get3A_335] {strides = array<i32>} : memref<80x128xi32, #tpu.memory_space<vmem>>, vector<1x16xi32>,
      %get3A_337 = vector.shape_cast %get3A_336 : vector<1x16xi32> to vector<16xi32>
      %shift_right_logical3A_338 = arith.constant 14 : i32
      %shift_right_logical3A_339 = vector.broadcast %shift_right_logical3A_338 : i32 to vector<16xi32>
      %shift_right_logical3A_340 = arith.shrui %get3A_337, %shift_right_logical3A_339 : vector<16xi32>
      %swap3A_341 = arith.constant 1 : i32
      %swap3A_342 = arith.index_cast %swap3A_341 : i32 to index
      %swap3A_343 = arith.constant 80 : index
      %swap3A_344 = tpu.vector_load %arg9[%swap3A_342, %swap3A_343] {strides = array<i32>} : memref<2x128xi32, #tpu.memory_space<vmem>>, vector<1x16xi32>,
      %swap3A_345 = vector.shape_cast %swap3A_344 : vector<1x16xi32> to vector<16xi32>
      %swap3A_346 = vector.shape_cast %shift_right_logical3A_340 : vector<16xi32> to vector<1x16xi32>
      tpu.vector_store %arg9[%swap3A_342, %swap3A_343], %swap3A_346 {strides = array<i32>} : memref<2x128xi32, #tpu.memory_space<vmem>>, vector<1x16xi32>,
      %and3A_347 = arith.constant 16383 : i32
      %and3A_348 = vector.broadcast %and3A_347 : i32 to vector<16xi32>
      %and3A_349 = arith.andi %get3A_337, %and3A_348 : vector<16xi32>
      %swap3A_350 = arith.constant 1 : i32
      %swap3A_351 = arith.index_cast %swap3A_350 : i32 to index
      %swap3A_352 = arith.constant 80 : index
      %swap3A_353 = tpu.vector_load %arg10[%swap3A_351, %swap3A_352] {strides = array<i32>} : memref<2x128xi32, #tpu.memory_space<vmem>>, vector<1x16xi32>,
      %swap3A_354 = vector.shape_cast %swap3A_353 : vector<1x16xi32> to vector<16xi32>
      %swap3A_355 = vector.shape_cast %and3A_349 : vector<16xi32> to vector<1x16xi32>
      tpu.vector_store %arg10[%swap3A_351, %swap3A_352], %swap3A_355 {strides = array<i32>} : memref<2x128xi32, #tpu.memory_space<vmem>>, vector<1x16xi32>,
      %get3A_356 = arith.index_cast %add3A_223 : i32 to index
      %get3A_357 = arith.constant 96 : index
      %get3A_358 = tpu.vector_load %arg8[%get3A_356, %get3A_357] {strides = array<i32>} : memref<80x128xi32, #tpu.memory_space<vmem>>, vector<1x16xi32>,
      %get3A_359 = vector.shape_cast %get3A_358 : vector<1x16xi32> to vector<16xi32>
      %shift_right_logical3A_360 = arith.constant 14 : i32
      %shift_right_logical3A_361 = vector.broadcast %shift_right_logical3A_360 : i32 to vector<16xi32>
      %shift_right_logical3A_362 = arith.shrui %get3A_359, %shift_right_logical3A_361 : vector<16xi32>
      %swap3A_363 = arith.constant 1 : i32
      %swap3A_364 = arith.index_cast %swap3A_363 : i32 to index
      %swap3A_365 = arith.constant 96 : index
      %swap3A_366 = tpu.vector_load %arg9[%swap3A_364, %swap3A_365] {strides = array<i32>} : memref<2x128xi32, #tpu.memory_space<vmem>>, vector<1x16xi32>,
      %swap3A_367 = vector.shape_cast %swap3A_366 : vector<1x16xi32> to vector<16xi32>
      %swap3A_368 = vector.shape_cast %shift_right_logical3A_362 : vector<16xi32> to vector<1x16xi32>
      tpu.vector_store %arg9[%swap3A_364, %swap3A_365], %swap3A_368 {strides = array<i32>} : memref<2x128xi32, #tpu.memory_space<vmem>>, vector<1x16xi32>,
      %and3A_369 = arith.constant 16383 : i32
      %and3A_370 = vector.broadcast %and3A_369 : i32 to vector<16xi32>
      %and3A_371 = arith.andi %get3A_359, %and3A_370 : vector<16xi32>
      %swap3A_372 = arith.constant 1 : i32
      %swap3A_373 = arith.index_cast %swap3A_372 : i32 to index
      %swap3A_374 = arith.constant 96 : index
      %swap3A_375 = tpu.vector_load %arg10[%swap3A_373, %swap3A_374] {strides = array<i32>} : memref<2x128xi32, #tpu.memory_space<vmem>>, vector<1x16xi32>,
      %swap3A_376 = vector.shape_cast %swap3A_375 : vector<1x16xi32> to vector<16xi32>
      %swap3A_377 = vector.shape_cast %and3A_371 : vector<16xi32> to vector<1x16xi32>
      tpu.vector_store %arg10[%swap3A_373, %swap3A_374], %swap3A_377 {strides = array<i32>} : memref<2x128xi32, #tpu.memory_space<vmem>>, vector<1x16xi32>,
      %get3A_378 = arith.index_cast %add3A_223 : i32 to index
      %get3A_379 = arith.constant 112 : index
      %get3A_380 = tpu.vector_load %arg8[%get3A_378, %get3A_379] {strides = array<i32>} : memref<80x128xi32, #tpu.memory_space<vmem>>, vector<1x16xi32>,
      %get3A_381 = vector.shape_cast %get3A_380 : vector<1x16xi32> to vector<16xi32>
      %shift_right_logical3A_382 = arith.constant 14 : i32
      %shift_right_logical3A_383 = vector.broadcast %shift_right_logical3A_382 : i32 to vector<16xi32>
      %shift_right_logical3A_384 = arith.shrui %get3A_381, %shift_right_logical3A_383 : vector<16xi32>
      %swap3A_385 = arith.constant 1 : i32
      %swap3A_386 = arith.index_cast %swap3A_385 : i32 to index
      %swap3A_387 = arith.constant 112 : index
      %swap3A_388 = tpu.vector_load %arg9[%swap3A_386, %swap3A_387] {strides = array<i32>} : memref<2x128xi32, #tpu.memory_space<vmem>>, vector<1x16xi32>,
      %swap3A_389 = vector.shape_cast %swap3A_388 : vector<1x16xi32> to vector<16xi32>
      %swap3A_390 = vector.shape_cast %shift_right_logical3A_384 : vector<16xi32> to vector<1x16xi32>
      tpu.vector_store %arg9[%swap3A_386, %swap3A_387], %swap3A_390 {strides = array<i32>} : memref<2x128xi32, #tpu.memory_space<vmem>>, vector<1x16xi32>,
      %and3A_391 = arith.constant 16383 : i32
      %and3A_392 = vector.broadcast %and3A_391 : i32 to vector<16xi32>
      %and3A_393 = arith.andi %get3A_381, %and3A_392 : vector<16xi32>
      %swap3A_394 = arith.constant 1 : i32
      %swap3A_395 = arith.index_cast %swap3A_394 : i32 to index
      %swap3A_396 = arith.constant 112 : index
      %swap3A_397 = tpu.vector_load %arg10[%swap3A_395, %swap3A_396] {strides = array<i32>} : memref<2x128xi32, #tpu.memory_space<vmem>>, vector<1x16xi32>,
      %swap3A_398 = vector.shape_cast %swap3A_397 : vector<1x16xi32> to vector<16xi32>
      %swap3A_399 = vector.shape_cast %and3A_393 : vector<16xi32> to vector<1x16xi32>
      tpu.vector_store %arg10[%swap3A_395, %swap3A_396], %swap3A_399 {strides = array<i32>} : memref<2x128xi32, #tpu.memory_space<vmem>>, vector<1x16xi32>,
      %dma_wait3A = arith.constant 0 : i32
      %dma_wait3A_400 = arith.constant 0 : i32
      %dma_wait3A_401 = tpu.memref_slice %arg9[%dma_wait3A, %dma_wait3A_400] : memref<2x128xi32, #tpu.memory_space<vmem>> -> memref<1x128xi32, #tpu.memory_space<vmem>>
      %dma_wait3A_402 = tpu.memref_squeeze %dma_wait3A_401 : memref<1x128xi32, #tpu.memory_space<vmem>> -> memref<128xi32, #tpu.memory_space<vmem>>
      %dma_wait3A_403 = arith.constant 0 : i32
      %dma_wait3A_404 = arith.constant 0 : i32
      %dma_wait3A_405 = tpu.memref_slice %arg2[%dma_wait3A_403, %dma_wait3A_404] : memref<10000x128xf32, #tpu.memory_space<hbm>> -> memref<10000x128xf32, #tpu.memory_space<hbm>>
      tpu.wait_indirect_dma semaphore(%arg16 : memref<!tpu.dma_semaphore, #tpu.memory_space<semaphore_mem>>) src(%dma_wait3A_405 : memref<10000x128xf32, #tpu.memory_space<hbm>>) dst(%arg11 : memref<128x128xf32, #tpu.memory_space<vmem>>)
      %dma_start3A_406 = arith.constant 1 : i32
      %dma_start3A_407 = arith.constant 0 : i32
      %dma_start3A_408 = tpu.memref_slice %arg9[%dma_start3A_406, %dma_start3A_407] : memref<2x128xi32, #tpu.memory_space<vmem>> -> memref<1x128xi32, #tpu.memory_space<vmem>>
      %dma_start3A_409 = tpu.memref_squeeze %dma_start3A_408 : memref<1x128xi32, #tpu.memory_space<vmem>> -> memref<128xi32, #tpu.memory_space<vmem>>
      %dma_start3A_410 = arith.constant 0 : i32
      %dma_start3A_411 = arith.constant 0 : i32
      %dma_start3A_412 = tpu.memref_slice %arg2[%dma_start3A_410, %dma_start3A_411] : memref<10000x128xf32, #tpu.memory_space<hbm>> -> memref<10000x128xf32, #tpu.memory_space<hbm>>
      tpu.enqueue_indirect_dma source(%dma_start3A_412 : memref<10000x128xf32, #tpu.memory_space<hbm>>) target(%arg12 : memref<128x128xf32, #tpu.memory_space<vmem>>) offsets(%dma_start3A_409 : memref<128xi32, #tpu.memory_space<vmem>>) semaphore(%arg17 : memref<!tpu.dma_semaphore, #tpu.memory_space<semaphore_mem>>)
      %run_scoped3A_413 = arith.constant 0 : i32
      "tpu.region"() ({
        %run_scoped3A_431 = tpu.sem_alloc : memref<!tpu.dma_semaphore, #tpu.memory_space<semaphore_mem>>
        %dma_start3A_432 = arith.constant 0 : i32
        %dma_start3A_433 = tpu.memref_slice %arg10[%run_scoped3A_413, %dma_start3A_432] : memref<2x128xi32, #tpu.memory_space<vmem>> -> memref<1x128xi32, #tpu.memory_space<vmem>>
        %dma_start3A_434 = tpu.memref_squeeze %dma_start3A_433 : memref<1x128xi32, #tpu.memory_space<vmem>> -> memref<128xi32, #tpu.memory_space<vmem>>
        %dma_start3A_435 = arith.constant 0 : i32
        %dma_start3A_436 = arith.constant 0 : i32
        %dma_start3A_437 = tpu.memref_slice %arg14[%dma_start3A_435, %dma_start3A_436] : memref<10240x128xf32, #tpu.memory_space<vmem_shared>> -> memref<10240x128xf32, #tpu.memory_space<vmem_shared>>
        tpu.enqueue_indirect_dma source(%arg11 : memref<128x128xf32, #tpu.memory_space<vmem>>) target(%dma_start3A_437 : memref<10240x128xf32, #tpu.memory_space<vmem_shared>>) offsets(%dma_start3A_434 : memref<128xi32, #tpu.memory_space<vmem>>) semaphore(%run_scoped3A_431 : memref<!tpu.dma_semaphore, #tpu.memory_space<semaphore_mem>>) {add = true}
        %dma_wait3A_438 = arith.constant 0 : i32
        %dma_wait3A_439 = tpu.memref_slice %arg10[%run_scoped3A_413, %dma_wait3A_438] : memref<2x128xi32, #tpu.memory_space<vmem>> -> memref<1x128xi32, #tpu.memory_space<vmem>>
        %dma_wait3A_440 = tpu.memref_squeeze %dma_wait3A_439 : memref<1x128xi32, #tpu.memory_space<vmem>> -> memref<128xi32, #tpu.memory_space<vmem>>
        %dma_wait3A_441 = arith.constant 0 : i32
        %dma_wait3A_442 = arith.constant 0 : i32
        %dma_wait3A_443 = tpu.memref_slice %arg14[%dma_wait3A_441, %dma_wait3A_442] : memref<10240x128xf32, #tpu.memory_space<vmem_shared>> -> memref<10240x128xf32, #tpu.memory_space<vmem_shared>>
        tpu.wait_indirect_dma semaphore(%run_scoped3A_431 : memref<!tpu.dma_semaphore, #tpu.memory_space<semaphore_mem>>) src(%arg11 : memref<128x128xf32, #tpu.memory_space<vmem>>) dst(%dma_wait3A_443 : memref<10240x128xf32, #tpu.memory_space<vmem_shared>>)
        tpu.yield
      }) : () -> ()
      %run_scoped3A_414 = arith.constant 0 : i32
      "tpu.region"() ({
        %run_scoped3A_431 = tpu.sem_alloc : memref<!tpu.dma_semaphore, #tpu.memory_space<semaphore_mem>>
        %dma_start3A_432 = arith.constant 0 : i32
        %dma_start3A_433 = tpu.memref_slice %arg10[%run_scoped3A_414, %dma_start3A_432] : memref<2x128xi32, #tpu.memory_space<vmem>> -> memref<1x128xi32, #tpu.memory_space<vmem>>
        %dma_start3A_434 = tpu.memref_squeeze %dma_start3A_433 : memref<1x128xi32, #tpu.memory_space<vmem>> -> memref<128xi32, #tpu.memory_space<vmem>>
        %dma_start3A_435 = arith.constant 0 : i32
        %dma_start3A_436 = tpu.memref_slice %arg15[%dma_start3A_435] : memref<10240xf32, #tpu.memory_space<vmem_shared>> -> memref<10240xf32, #tpu.memory_space<vmem_shared>>
        tpu.enqueue_indirect_dma source(%arg13 : memref<128xf32, #tpu.memory_space<vmem>>) target(%dma_start3A_436 : memref<10240xf32, #tpu.memory_space<vmem_shared>>) offsets(%dma_start3A_434 : memref<128xi32, #tpu.memory_space<vmem>>) semaphore(%run_scoped3A_431 : memref<!tpu.dma_semaphore, #tpu.memory_space<semaphore_mem>>) {add = true}
        %dma_wait3A_437 = arith.constant 0 : i32
        %dma_wait3A_438 = tpu.memref_slice %arg10[%run_scoped3A_414, %dma_wait3A_437] : memref<2x128xi32, #tpu.memory_space<vmem>> -> memref<1x128xi32, #tpu.memory_space<vmem>>
        %dma_wait3A_439 = tpu.memref_squeeze %dma_wait3A_438 : memref<1x128xi32, #tpu.memory_space<vmem>> -> memref<128xi32, #tpu.memory_space<vmem>>
        %dma_wait3A_440 = arith.constant 0 : i32
        %dma_wait3A_441 = tpu.memref_slice %arg15[%dma_wait3A_440] : memref<10240xf32, #tpu.memory_space<vmem_shared>> -> memref<10240xf32, #tpu.memory_space<vmem_shared>>
        tpu.wait_indirect_dma semaphore(%run_scoped3A_431 : memref<!tpu.dma_semaphore, #tpu.memory_space<semaphore_mem>>) src(%arg13 : memref<128xf32, #tpu.memory_space<vmem>>) dst(%dma_wait3A_441 : memref<10240xf32, #tpu.memory_space<vmem_shared>>)
        tpu.yield
      }) : () -> ()
      %lt3A = arith.constant 39 : i32
      %lt3A_415 = arith.cmpi slt, %scan3A_219, %lt3A : i32
      %convert_element_type3A = arith.extui %lt3A_415 : i1 to i32
      %cond3A = arith.constant 0 : i32
      %cond3A_416 = arith.cmpi ne, %convert_element_type3A, %cond3A : i32
      scf.if %cond3A_416 {
        %add3A_431 = arith.constant 2 : i32
        %add3A_432 = arith.addi %mul3A_221, %add3A_431 : i32
        %get3A_433 = arith.index_cast %add3A_432 : i32 to index
        %get3A_434 = arith.constant 0 : index
        %get3A_435 = tpu.vector_load %arg8[%get3A_433, %get3A_434] {strides = array<i32>} : memref<80x128xi32, #tpu.memory_space<vmem>>, vector<1x16xi32>,
        %get3A_436 = vector.shape_cast %get3A_435 : vector<1x16xi32> to vector<16xi32>
        %shift_right_logical3A_437 = arith.constant 14 : i32
        %shift_right_logical3A_438 = vector.broadcast %shift_right_logical3A_437 : i32 to vector<16xi32>
        %shift_right_logical3A_439 = arith.shrui %get3A_436, %shift_right_logical3A_438 : vector<16xi32>
        %swap3A_440 = arith.constant 0 : i32
        %swap3A_441 = arith.index_cast %swap3A_440 : i32 to index
        %swap3A_442 = arith.constant 0 : index
        %swap3A_443 = tpu.vector_load %arg9[%swap3A_441, %swap3A_442] {strides = array<i32>} : memref<2x128xi32, #tpu.memory_space<vmem>>, vector<1x16xi32>,
        %swap3A_444 = vector.shape_cast %swap3A_443 : vector<1x16xi32> to vector<16xi32>
        %swap3A_445 = vector.shape_cast %shift_right_logical3A_439 : vector<16xi32> to vector<1x16xi32>
        tpu.vector_store %arg9[%swap3A_441, %swap3A_442], %swap3A_445 {strides = array<i32>} : memref<2x128xi32, #tpu.memory_space<vmem>>, vector<1x16xi32>,
        %and3A_446 = arith.constant 16383 : i32
        %and3A_447 = vector.broadcast %and3A_446 : i32 to vector<16xi32>
        %and3A_448 = arith.andi %get3A_436, %and3A_447 : vector<16xi32>
        %swap3A_449 = arith.constant 0 : i32
        %swap3A_450 = arith.index_cast %swap3A_449 : i32 to index
        %swap3A_451 = arith.constant 0 : index
        %swap3A_452 = tpu.vector_load %arg10[%swap3A_450, %swap3A_451] {strides = array<i32>} : memref<2x128xi32, #tpu.memory_space<vmem>>, vector<1x16xi32>,
        %swap3A_453 = vector.shape_cast %swap3A_452 : vector<1x16xi32> to vector<16xi32>
        %swap3A_454 = vector.shape_cast %and3A_448 : vector<16xi32> to vector<1x16xi32>
        tpu.vector_store %arg10[%swap3A_450, %swap3A_451], %swap3A_454 {strides = array<i32>} : memref<2x128xi32, #tpu.memory_space<vmem>>, vector<1x16xi32>,
        %get3A_455 = arith.index_cast %add3A_432 : i32 to index
        %get3A_456 = arith.constant 16 : index
        %get3A_457 = tpu.vector_load %arg8[%get3A_455, %get3A_456] {strides = array<i32>} : memref<80x128xi32, #tpu.memory_space<vmem>>, vector<1x16xi32>,
        %get3A_458 = vector.shape_cast %get3A_457 : vector<1x16xi32> to vector<16xi32>
        %shift_right_logical3A_459 = arith.constant 14 : i32
        %shift_right_logical3A_460 = vector.broadcast %shift_right_logical3A_459 : i32 to vector<16xi32>
        %shift_right_logical3A_461 = arith.shrui %get3A_458, %shift_right_logical3A_460 : vector<16xi32>
        %swap3A_462 = arith.constant 0 : i32
        %swap3A_463 = arith.index_cast %swap3A_462 : i32 to index
        %swap3A_464 = arith.constant 16 : index
        %swap3A_465 = tpu.vector_load %arg9[%swap3A_463, %swap3A_464] {strides = array<i32>} : memref<2x128xi32, #tpu.memory_space<vmem>>, vector<1x16xi32>,
        %swap3A_466 = vector.shape_cast %swap3A_465 : vector<1x16xi32> to vector<16xi32>
        %swap3A_467 = vector.shape_cast %shift_right_logical3A_461 : vector<16xi32> to vector<1x16xi32>
        tpu.vector_store %arg9[%swap3A_463, %swap3A_464], %swap3A_467 {strides = array<i32>} : memref<2x128xi32, #tpu.memory_space<vmem>>, vector<1x16xi32>,
        %and3A_468 = arith.constant 16383 : i32
        %and3A_469 = vector.broadcast %and3A_468 : i32 to vector<16xi32>
        %and3A_470 = arith.andi %get3A_458, %and3A_469 : vector<16xi32>
        %swap3A_471 = arith.constant 0 : i32
        %swap3A_472 = arith.index_cast %swap3A_471 : i32 to index
        %swap3A_473 = arith.constant 16 : index
        %swap3A_474 = tpu.vector_load %arg10[%swap3A_472, %swap3A_473] {strides = array<i32>} : memref<2x128xi32, #tpu.memory_space<vmem>>, vector<1x16xi32>,
        %swap3A_475 = vector.shape_cast %swap3A_474 : vector<1x16xi32> to vector<16xi32>
        %swap3A_476 = vector.shape_cast %and3A_470 : vector<16xi32> to vector<1x16xi32>
        tpu.vector_store %arg10[%swap3A_472, %swap3A_473], %swap3A_476 {strides = array<i32>} : memref<2x128xi32, #tpu.memory_space<vmem>>, vector<1x16xi32>,
        %get3A_477 = arith.index_cast %add3A_432 : i32 to index
        %get3A_478 = arith.constant 32 : index
        %get3A_479 = tpu.vector_load %arg8[%get3A_477, %get3A_478] {strides = array<i32>} : memref<80x128xi32, #tpu.memory_space<vmem>>, vector<1x16xi32>,
        %get3A_480 = vector.shape_cast %get3A_479 : vector<1x16xi32> to vector<16xi32>
        %shift_right_logical3A_481 = arith.constant 14 : i32
        %shift_right_logical3A_482 = vector.broadcast %shift_right_logical3A_481 : i32 to vector<16xi32>
        %shift_right_logical3A_483 = arith.shrui %get3A_480, %shift_right_logical3A_482 : vector<16xi32>
        %swap3A_484 = arith.constant 0 : i32
        %swap3A_485 = arith.index_cast %swap3A_484 : i32 to index
        %swap3A_486 = arith.constant 32 : index
        %swap3A_487 = tpu.vector_load %arg9[%swap3A_485, %swap3A_486] {strides = array<i32>} : memref<2x128xi32, #tpu.memory_space<vmem>>, vector<1x16xi32>,
        %swap3A_488 = vector.shape_cast %swap3A_487 : vector<1x16xi32> to vector<16xi32>
        %swap3A_489 = vector.shape_cast %shift_right_logical3A_483 : vector<16xi32> to vector<1x16xi32>
        tpu.vector_store %arg9[%swap3A_485, %swap3A_486], %swap3A_489 {strides = array<i32>} : memref<2x128xi32, #tpu.memory_space<vmem>>, vector<1x16xi32>,
        %and3A_490 = arith.constant 16383 : i32
        %and3A_491 = vector.broadcast %and3A_490 : i32 to vector<16xi32>
        %and3A_492 = arith.andi %get3A_480, %and3A_491 : vector<16xi32>
        %swap3A_493 = arith.constant 0 : i32
        %swap3A_494 = arith.index_cast %swap3A_493 : i32 to index
        %swap3A_495 = arith.constant 32 : index
        %swap3A_496 = tpu.vector_load %arg10[%swap3A_494, %swap3A_495] {strides = array<i32>} : memref<2x128xi32, #tpu.memory_space<vmem>>, vector<1x16xi32>,
        %swap3A_497 = vector.shape_cast %swap3A_496 : vector<1x16xi32> to vector<16xi32>
        %swap3A_498 = vector.shape_cast %and3A_492 : vector<16xi32> to vector<1x16xi32>
        tpu.vector_store %arg10[%swap3A_494, %swap3A_495], %swap3A_498 {strides = array<i32>} : memref<2x128xi32, #tpu.memory_space<vmem>>, vector<1x16xi32>,
        %get3A_499 = arith.index_cast %add3A_432 : i32 to index
        %get3A_500 = arith.constant 48 : index
        %get3A_501 = tpu.vector_load %arg8[%get3A_499, %get3A_500] {strides = array<i32>} : memref<80x128xi32, #tpu.memory_space<vmem>>, vector<1x16xi32>,
        %get3A_502 = vector.shape_cast %get3A_501 : vector<1x16xi32> to vector<16xi32>
        %shift_right_logical3A_503 = arith.constant 14 : i32
        %shift_right_logical3A_504 = vector.broadcast %shift_right_logical3A_503 : i32 to vector<16xi32>
        %shift_right_logical3A_505 = arith.shrui %get3A_502, %shift_right_logical3A_504 : vector<16xi32>
        %swap3A_506 = arith.constant 0 : i32
        %swap3A_507 = arith.index_cast %swap3A_506 : i32 to index
        %swap3A_508 = arith.constant 48 : index
        %swap3A_509 = tpu.vector_load %arg9[%swap3A_507, %swap3A_508] {strides = array<i32>} : memref<2x128xi32, #tpu.memory_space<vmem>>, vector<1x16xi32>,
        %swap3A_510 = vector.shape_cast %swap3A_509 : vector<1x16xi32> to vector<16xi32>
        %swap3A_511 = vector.shape_cast %shift_right_logical3A_505 : vector<16xi32> to vector<1x16xi32>
        tpu.vector_store %arg9[%swap3A_507, %swap3A_508], %swap3A_511 {strides = array<i32>} : memref<2x128xi32, #tpu.memory_space<vmem>>, vector<1x16xi32>,
        %and3A_512 = arith.constant 16383 : i32
        %and3A_513 = vector.broadcast %and3A_512 : i32 to vector<16xi32>
        %and3A_514 = arith.andi %get3A_502, %and3A_513 : vector<16xi32>
        %swap3A_515 = arith.constant 0 : i32
        %swap3A_516 = arith.index_cast %swap3A_515 : i32 to index
        %swap3A_517 = arith.constant 48 : index
        %swap3A_518 = tpu.vector_load %arg10[%swap3A_516, %swap3A_517] {strides = array<i32>} : memref<2x128xi32, #tpu.memory_space<vmem>>, vector<1x16xi32>,
        %swap3A_519 = vector.shape_cast %swap3A_518 : vector<1x16xi32> to vector<16xi32>
        %swap3A_520 = vector.shape_cast %and3A_514 : vector<16xi32> to vector<1x16xi32>
        tpu.vector_store %arg10[%swap3A_516, %swap3A_517], %swap3A_520 {strides = array<i32>} : memref<2x128xi32, #tpu.memory_space<vmem>>, vector<1x16xi32>,
        %get3A_521 = arith.index_cast %add3A_432 : i32 to index
        %get3A_522 = arith.constant 64 : index
        %get3A_523 = tpu.vector_load %arg8[%get3A_521, %get3A_522] {strides = array<i32>} : memref<80x128xi32, #tpu.memory_space<vmem>>, vector<1x16xi32>,
        %get3A_524 = vector.shape_cast %get3A_523 : vector<1x16xi32> to vector<16xi32>
        %shift_right_logical3A_525 = arith.constant 14 : i32
        %shift_right_logical3A_526 = vector.broadcast %shift_right_logical3A_525 : i32 to vector<16xi32>
        %shift_right_logical3A_527 = arith.shrui %get3A_524, %shift_right_logical3A_526 : vector<16xi32>
        %swap3A_528 = arith.constant 0 : i32
        %swap3A_529 = arith.index_cast %swap3A_528 : i32 to index
        %swap3A_530 = arith.constant 64 : index
        %swap3A_531 = tpu.vector_load %arg9[%swap3A_529, %swap3A_530] {strides = array<i32>} : memref<2x128xi32, #tpu.memory_space<vmem>>, vector<1x16xi32>,
        %swap3A_532 = vector.shape_cast %swap3A_531 : vector<1x16xi32> to vector<16xi32>
        %swap3A_533 = vector.shape_cast %shift_right_logical3A_527 : vector<16xi32> to vector<1x16xi32>
        tpu.vector_store %arg9[%swap3A_529, %swap3A_530], %swap3A_533 {strides = array<i32>} : memref<2x128xi32, #tpu.memory_space<vmem>>, vector<1x16xi32>,
        %and3A_534 = arith.constant 16383 : i32
        %and3A_535 = vector.broadcast %and3A_534 : i32 to vector<16xi32>
        %and3A_536 = arith.andi %get3A_524, %and3A_535 : vector<16xi32>
        %swap3A_537 = arith.constant 0 : i32
        %swap3A_538 = arith.index_cast %swap3A_537 : i32 to index
        %swap3A_539 = arith.constant 64 : index
        %swap3A_540 = tpu.vector_load %arg10[%swap3A_538, %swap3A_539] {strides = array<i32>} : memref<2x128xi32, #tpu.memory_space<vmem>>, vector<1x16xi32>,
        %swap3A_541 = vector.shape_cast %swap3A_540 : vector<1x16xi32> to vector<16xi32>
        %swap3A_542 = vector.shape_cast %and3A_536 : vector<16xi32> to vector<1x16xi32>
        tpu.vector_store %arg10[%swap3A_538, %swap3A_539], %swap3A_542 {strides = array<i32>} : memref<2x128xi32, #tpu.memory_space<vmem>>, vector<1x16xi32>,
        %get3A_543 = arith.index_cast %add3A_432 : i32 to index
        %get3A_544 = arith.constant 80 : index
        %get3A_545 = tpu.vector_load %arg8[%get3A_543, %get3A_544] {strides = array<i32>} : memref<80x128xi32, #tpu.memory_space<vmem>>, vector<1x16xi32>,
        %get3A_546 = vector.shape_cast %get3A_545 : vector<1x16xi32> to vector<16xi32>
        %shift_right_logical3A_547 = arith.constant 14 : i32
        %shift_right_logical3A_548 = vector.broadcast %shift_right_logical3A_547 : i32 to vector<16xi32>
        %shift_right_logical3A_549 = arith.shrui %get3A_546, %shift_right_logical3A_548 : vector<16xi32>
        %swap3A_550 = arith.constant 0 : i32
        %swap3A_551 = arith.index_cast %swap3A_550 : i32 to index
        %swap3A_552 = arith.constant 80 : index
        %swap3A_553 = tpu.vector_load %arg9[%swap3A_551, %swap3A_552] {strides = array<i32>} : memref<2x128xi32, #tpu.memory_space<vmem>>, vector<1x16xi32>,
        %swap3A_554 = vector.shape_cast %swap3A_553 : vector<1x16xi32> to vector<16xi32>
        %swap3A_555 = vector.shape_cast %shift_right_logical3A_549 : vector<16xi32> to vector<1x16xi32>
        tpu.vector_store %arg9[%swap3A_551, %swap3A_552], %swap3A_555 {strides = array<i32>} : memref<2x128xi32, #tpu.memory_space<vmem>>, vector<1x16xi32>,
        %and3A_556 = arith.constant 16383 : i32
        %and3A_557 = vector.broadcast %and3A_556 : i32 to vector<16xi32>
        %and3A_558 = arith.andi %get3A_546, %and3A_557 : vector<16xi32>
        %swap3A_559 = arith.constant 0 : i32
        %swap3A_560 = arith.index_cast %swap3A_559 : i32 to index
        %swap3A_561 = arith.constant 80 : index
        %swap3A_562 = tpu.vector_load %arg10[%swap3A_560, %swap3A_561] {strides = array<i32>} : memref<2x128xi32, #tpu.memory_space<vmem>>, vector<1x16xi32>,
        %swap3A_563 = vector.shape_cast %swap3A_562 : vector<1x16xi32> to vector<16xi32>
        %swap3A_564 = vector.shape_cast %and3A_558 : vector<16xi32> to vector<1x16xi32>
        tpu.vector_store %arg10[%swap3A_560, %swap3A_561], %swap3A_564 {strides = array<i32>} : memref<2x128xi32, #tpu.memory_space<vmem>>, vector<1x16xi32>,
        %get3A_565 = arith.index_cast %add3A_432 : i32 to index
        %get3A_566 = arith.constant 96 : index
        %get3A_567 = tpu.vector_load %arg8[%get3A_565, %get3A_566] {strides = array<i32>} : memref<80x128xi32, #tpu.memory_space<vmem>>, vector<1x16xi32>,
        %get3A_568 = vector.shape_cast %get3A_567 : vector<1x16xi32> to vector<16xi32>
        %shift_right_logical3A_569 = arith.constant 14 : i32
        %shift_right_logical3A_570 = vector.broadcast %shift_right_logical3A_569 : i32 to vector<16xi32>
        %shift_right_logical3A_571 = arith.shrui %get3A_568, %shift_right_logical3A_570 : vector<16xi32>
        %swap3A_572 = arith.constant 0 : i32
        %swap3A_573 = arith.index_cast %swap3A_572 : i32 to index
        %swap3A_574 = arith.constant 96 : index
        %swap3A_575 = tpu.vector_load %arg9[%swap3A_573, %swap3A_574] {strides = array<i32>} : memref<2x128xi32, #tpu.memory_space<vmem>>, vector<1x16xi32>,
        %swap3A_576 = vector.shape_cast %swap3A_575 : vector<1x16xi32> to vector<16xi32>
        %swap3A_577 = vector.shape_cast %shift_right_logical3A_571 : vector<16xi32> to vector<1x16xi32>
        tpu.vector_store %arg9[%swap3A_573, %swap3A_574], %swap3A_577 {strides = array<i32>} : memref<2x128xi32, #tpu.memory_space<vmem>>, vector<1x16xi32>,
        %and3A_578 = arith.constant 16383 : i32
        %and3A_579 = vector.broadcast %and3A_578 : i32 to vector<16xi32>
        %and3A_580 = arith.andi %get3A_568, %and3A_579 : vector<16xi32>
        %swap3A_581 = arith.constant 0 : i32
        %swap3A_582 = arith.index_cast %swap3A_581 : i32 to index
        %swap3A_583 = arith.constant 96 : index
        %swap3A_584 = tpu.vector_load %arg10[%swap3A_582, %swap3A_583] {strides = array<i32>} : memref<2x128xi32, #tpu.memory_space<vmem>>, vector<1x16xi32>,
        %swap3A_585 = vector.shape_cast %swap3A_584 : vector<1x16xi32> to vector<16xi32>
        %swap3A_586 = vector.shape_cast %and3A_580 : vector<16xi32> to vector<1x16xi32>
        tpu.vector_store %arg10[%swap3A_582, %swap3A_583], %swap3A_586 {strides = array<i32>} : memref<2x128xi32, #tpu.memory_space<vmem>>, vector<1x16xi32>,
        %get3A_587 = arith.index_cast %add3A_432 : i32 to index
        %get3A_588 = arith.constant 112 : index
        %get3A_589 = tpu.vector_load %arg8[%get3A_587, %get3A_588] {strides = array<i32>} : memref<80x128xi32, #tpu.memory_space<vmem>>, vector<1x16xi32>,
        %get3A_590 = vector.shape_cast %get3A_589 : vector<1x16xi32> to vector<16xi32>
        %shift_right_logical3A_591 = arith.constant 14 : i32
        %shift_right_logical3A_592 = vector.broadcast %shift_right_logical3A_591 : i32 to vector<16xi32>
        %shift_right_logical3A_593 = arith.shrui %get3A_590, %shift_right_logical3A_592 : vector<16xi32>
        %swap3A_594 = arith.constant 0 : i32
        %swap3A_595 = arith.index_cast %swap3A_594 : i32 to index
        %swap3A_596 = arith.constant 112 : index
        %swap3A_597 = tpu.vector_load %arg9[%swap3A_595, %swap3A_596] {strides = array<i32>} : memref<2x128xi32, #tpu.memory_space<vmem>>, vector<1x16xi32>,
        %swap3A_598 = vector.shape_cast %swap3A_597 : vector<1x16xi32> to vector<16xi32>
        %swap3A_599 = vector.shape_cast %shift_right_logical3A_593 : vector<16xi32> to vector<1x16xi32>
        tpu.vector_store %arg9[%swap3A_595, %swap3A_596], %swap3A_599 {strides = array<i32>} : memref<2x128xi32, #tpu.memory_space<vmem>>, vector<1x16xi32>,
        %and3A_600 = arith.constant 16383 : i32
        %and3A_601 = vector.broadcast %and3A_600 : i32 to vector<16xi32>
        %and3A_602 = arith.andi %get3A_590, %and3A_601 : vector<16xi32>
        %swap3A_603 = arith.constant 0 : i32
        %swap3A_604 = arith.index_cast %swap3A_603 : i32 to index
        %swap3A_605 = arith.constant 112 : index
        %swap3A_606 = tpu.vector_load %arg10[%swap3A_604, %swap3A_605] {strides = array<i32>} : memref<2x128xi32, #tpu.memory_space<vmem>>, vector<1x16xi32>,
        %swap3A_607 = vector.shape_cast %swap3A_606 : vector<1x16xi32> to vector<16xi32>
        %swap3A_608 = vector.shape_cast %and3A_602 : vector<16xi32> to vector<1x16xi32>
        tpu.vector_store %arg10[%swap3A_604, %swap3A_605], %swap3A_608 {strides = array<i32>} : memref<2x128xi32, #tpu.memory_space<vmem>>, vector<1x16xi32>,
      } else {
      }
      %dma_wait3A_417 = arith.constant 1 : i32
      %dma_wait3A_418 = arith.constant 0 : i32
      %dma_wait3A_419 = tpu.memref_slice %arg9[%dma_wait3A_417, %dma_wait3A_418] : memref<2x128xi32, #tpu.memory_space<vmem>> -> memref<1x128xi32, #tpu.memory_space<vmem>>
      %dma_wait3A_420 = tpu.memref_squeeze %dma_wait3A_419 : memref<1x128xi32, #tpu.memory_space<vmem>> -> memref<128xi32, #tpu.memory_space<vmem>>
      %dma_wait3A_421 = arith.constant 0 : i32
      %dma_wait3A_422 = arith.constant 0 : i32
      %dma_wait3A_423 = tpu.memref_slice %arg2[%dma_wait3A_421, %dma_wait3A_422] : memref<10000x128xf32, #tpu.memory_space<hbm>> -> memref<10000x128xf32, #tpu.memory_space<hbm>>
      tpu.wait_indirect_dma semaphore(%arg17 : memref<!tpu.dma_semaphore, #tpu.memory_space<semaphore_mem>>) src(%dma_wait3A_423 : memref<10000x128xf32, #tpu.memory_space<hbm>>) dst(%arg12 : memref<128x128xf32, #tpu.memory_space<vmem>>)
      %lt3A_424 = arith.constant 39 : i32
      %lt3A_425 = arith.cmpi slt, %scan3A_219, %lt3A_424 : i32
      %convert_element_type3A_426 = arith.extui %lt3A_425 : i1 to i32
      %cond3A_427 = arith.constant 0 : i32
      %cond3A_428 = arith.cmpi ne, %convert_element_type3A_426, %cond3A_427 : i32
      scf.if %cond3A_428 {
        %dma_start3A_431 = arith.constant 0 : i32
        %dma_start3A_432 = arith.constant 0 : i32
        %dma_start3A_433 = tpu.memref_slice %arg9[%dma_start3A_431, %dma_start3A_432] : memref<2x128xi32, #tpu.memory_space<vmem>> -> memref<1x128xi32, #tpu.memory_space<vmem>>
        %dma_start3A_434 = tpu.memref_squeeze %dma_start3A_433 : memref<1x128xi32, #tpu.memory_space<vmem>> -> memref<128xi32, #tpu.memory_space<vmem>>
        %dma_start3A_435 = arith.constant 0 : i32
        %dma_start3A_436 = arith.constant 0 : i32
        %dma_start3A_437 = tpu.memref_slice %arg2[%dma_start3A_435, %dma_start3A_436] : memref<10000x128xf32, #tpu.memory_space<hbm>> -> memref<10000x128xf32, #tpu.memory_space<hbm>>
        tpu.enqueue_indirect_dma source(%dma_start3A_437 : memref<10000x128xf32, #tpu.memory_space<hbm>>) target(%arg11 : memref<128x128xf32, #tpu.memory_space<vmem>>) offsets(%dma_start3A_434 : memref<128xi32, #tpu.memory_space<vmem>>) semaphore(%arg16 : memref<!tpu.dma_semaphore, #tpu.memory_space<semaphore_mem>>)
      } else {
      }
      %run_scoped3A_429 = arith.constant 1 : i32
      "tpu.region"() ({
        %run_scoped3A_431 = tpu.sem_alloc : memref<!tpu.dma_semaphore, #tpu.memory_space<semaphore_mem>>
        %dma_start3A_432 = arith.constant 0 : i32
        %dma_start3A_433 = tpu.memref_slice %arg10[%run_scoped3A_429, %dma_start3A_432] : memref<2x128xi32, #tpu.memory_space<vmem>> -> memref<1x128xi32, #tpu.memory_space<vmem>>
        %dma_start3A_434 = tpu.memref_squeeze %dma_start3A_433 : memref<1x128xi32, #tpu.memory_space<vmem>> -> memref<128xi32, #tpu.memory_space<vmem>>
        %dma_start3A_435 = arith.constant 0 : i32
        %dma_start3A_436 = arith.constant 0 : i32
        %dma_start3A_437 = tpu.memref_slice %arg14[%dma_start3A_435, %dma_start3A_436] : memref<10240x128xf32, #tpu.memory_space<vmem_shared>> -> memref<10240x128xf32, #tpu.memory_space<vmem_shared>>
        tpu.enqueue_indirect_dma source(%arg12 : memref<128x128xf32, #tpu.memory_space<vmem>>) target(%dma_start3A_437 : memref<10240x128xf32, #tpu.memory_space<vmem_shared>>) offsets(%dma_start3A_434 : memref<128xi32, #tpu.memory_space<vmem>>) semaphore(%run_scoped3A_431 : memref<!tpu.dma_semaphore, #tpu.memory_space<semaphore_mem>>) {add = true}
        %dma_wait3A_438 = arith.constant 0 : i32
        %dma_wait3A_439 = tpu.memref_slice %arg10[%run_scoped3A_429, %dma_wait3A_438] : memref<2x128xi32, #tpu.memory_space<vmem>> -> memref<1x128xi32, #tpu.memory_space<vmem>>
        %dma_wait3A_440 = tpu.memref_squeeze %dma_wait3A_439 : memref<1x128xi32, #tpu.memory_space<vmem>> -> memref<128xi32, #tpu.memory_space<vmem>>
        %dma_wait3A_441 = arith.constant 0 : i32
        %dma_wait3A_442 = arith.constant 0 : i32
        %dma_wait3A_443 = tpu.memref_slice %arg14[%dma_wait3A_441, %dma_wait3A_442] : memref<10240x128xf32, #tpu.memory_space<vmem_shared>> -> memref<10240x128xf32, #tpu.memory_space<vmem_shared>>
        tpu.wait_indirect_dma semaphore(%run_scoped3A_431 : memref<!tpu.dma_semaphore, #tpu.memory_space<semaphore_mem>>) src(%arg12 : memref<128x128xf32, #tpu.memory_space<vmem>>) dst(%dma_wait3A_443 : memref<10240x128xf32, #tpu.memory_space<vmem_shared>>)
        tpu.yield
      }) : () -> ()
      %run_scoped3A_430 = arith.constant 1 : i32
      "tpu.region"() ({
        %run_scoped3A_431 = tpu.sem_alloc : memref<!tpu.dma_semaphore, #tpu.memory_space<semaphore_mem>>
        %dma_start3A_432 = arith.constant 0 : i32
        %dma_start3A_433 = tpu.memref_slice %arg10[%run_scoped3A_430, %dma_start3A_432] : memref<2x128xi32, #tpu.memory_space<vmem>> -> memref<1x128xi32, #tpu.memory_space<vmem>>
        %dma_start3A_434 = tpu.memref_squeeze %dma_start3A_433 : memref<1x128xi32, #tpu.memory_space<vmem>> -> memref<128xi32, #tpu.memory_space<vmem>>
        %dma_start3A_435 = arith.constant 0 : i32
        %dma_start3A_436 = tpu.memref_slice %arg15[%dma_start3A_435] : memref<10240xf32, #tpu.memory_space<vmem_shared>> -> memref<10240xf32, #tpu.memory_space<vmem_shared>>
        tpu.enqueue_indirect_dma source(%arg13 : memref<128xf32, #tpu.memory_space<vmem>>) target(%dma_start3A_436 : memref<10240xf32, #tpu.memory_space<vmem_shared>>) offsets(%dma_start3A_434 : memref<128xi32, #tpu.memory_space<vmem>>) semaphore(%run_scoped3A_431 : memref<!tpu.dma_semaphore, #tpu.memory_space<semaphore_mem>>) {add = true}
        %dma_wait3A_437 = arith.constant 0 : i32
        %dma_wait3A_438 = tpu.memref_slice %arg10[%run_scoped3A_430, %dma_wait3A_437] : memref<2x128xi32, #tpu.memory_space<vmem>> -> memref<1x128xi32, #tpu.memory_space<vmem>>
        %dma_wait3A_439 = tpu.memref_squeeze %dma_wait3A_438 : memref<1x128xi32, #tpu.memory_space<vmem>> -> memref<128xi32, #tpu.memory_space<vmem>>
        %dma_wait3A_440 = arith.constant 0 : i32
        %dma_wait3A_441 = tpu.memref_slice %arg15[%dma_wait3A_440] : memref<10240xf32, #tpu.memory_space<vmem_shared>> -> memref<10240xf32, #tpu.memory_space<vmem_shared>>
        tpu.wait_indirect_dma semaphore(%run_scoped3A_431 : memref<!tpu.dma_semaphore, #tpu.memory_space<semaphore_mem>>) src(%arg13 : memref<128xf32, #tpu.memory_space<vmem>>) dst(%dma_wait3A_441 : memref<10240xf32, #tpu.memory_space<vmem_shared>>)
        tpu.yield
      }) : () -> ()
    }
    %scan3A_217 = arith.constant 40 : i32
    %barrier3A_218 = arith.constant 0 : index
    tpu.barrier barrier_id(%barrier3A_218)
    "tpu.region"() ({
      %run_scoped3A_219 = tpu.sem_alloc : memref<!tpu.dma_semaphore, #tpu.memory_space<semaphore_mem>>
      %dma_start3A_220 = arith.constant 0 : i32
      %dma_start3A_221 = tpu.memref_slice %arg6[%arg0, %mul3A_2, %dma_start3A_220] : memref<2x10240x128xf32, #tpu.memory_space<hbm>> -> memref<1x640x128xf32, #tpu.memory_space<hbm>>
      %dma_start3A_222 = tpu.memref_squeeze %dma_start3A_221 : memref<1x640x128xf32, #tpu.memory_space<hbm>> -> memref<640x128xf32, #tpu.memory_space<hbm>>
      %dma_start3A_223 = arith.constant 0 : i32
      %dma_start3A_224 = tpu.memref_slice %arg14[%mul3A_2, %dma_start3A_223] : memref<10240x128xf32, #tpu.memory_space<vmem_shared>> -> memref<640x128xf32, #tpu.memory_space<vmem_shared>>
      tpu.enqueue_dma source(%dma_start3A_224 : memref<640x128xf32, #tpu.memory_space<vmem_shared>>) target(%dma_start3A_222 : memref<640x128xf32, #tpu.memory_space<hbm>>) target_semaphore(%run_scoped3A_219 : memref<!tpu.dma_semaphore, #tpu.memory_space<semaphore_mem>>)
      %dma_wait3A = arith.constant 0 : i32
      %dma_wait3A_225 = tpu.memref_slice %arg6[%arg0, %mul3A_2, %dma_wait3A] : memref<2x10240x128xf32, #tpu.memory_space<hbm>> -> memref<1x640x128xf32, #tpu.memory_space<hbm>>
      %dma_wait3A_226 = tpu.memref_squeeze %dma_wait3A_225 : memref<1x640x128xf32, #tpu.memory_space<hbm>> -> memref<640x128xf32, #tpu.memory_space<hbm>>
      %dma_wait3A_227 = arith.constant 0 : i32
      %dma_wait3A_228 = tpu.memref_slice %arg14[%mul3A_2, %dma_wait3A_227] : memref<10240x128xf32, #tpu.memory_space<vmem_shared>> -> memref<640x128xf32, #tpu.memory_space<vmem_shared>>
      tpu.wait_dma2 semaphore(%run_scoped3A_219 : memref<!tpu.dma_semaphore, #tpu.memory_space<semaphore_mem>>) src(%dma_wait3A_228 : memref<640x128xf32, #tpu.memory_space<vmem_shared>>) dst(%dma_wait3A_226 : memref<640x128xf32, #tpu.memory_space<hbm>>)
      tpu.yield
    }) : () -> ()
    "tpu.region"() ({
      %run_scoped3A_219 = tpu.sem_alloc : memref<!tpu.dma_semaphore, #tpu.memory_space<semaphore_mem>>
      %dma_start3A_220 = tpu.memref_slice %arg7[%arg0, %mul3A_2] : memref<2x10240xf32, #tpu.memory_space<hbm>> -> memref<1x640xf32, #tpu.memory_space<hbm>>
      %dma_start3A_221 = tpu.memref_squeeze %dma_start3A_220 : memref<1x640xf32, #tpu.memory_space<hbm>> -> memref<640xf32, #tpu.memory_space<hbm>>
      %dma_start3A_222 = tpu.memref_slice %arg15[%mul3A_2] : memref<10240xf32, #tpu.memory_space<vmem_shared>> -> memref<640xf32, #tpu.memory_space<vmem_shared>>
      tpu.enqueue_dma source(%dma_start3A_222 : memref<640xf32, #tpu.memory_space<vmem_shared>>) target(%dma_start3A_221 : memref<640xf32, #tpu.memory_space<hbm>>) target_semaphore(%run_scoped3A_219 : memref<!tpu.dma_semaphore, #tpu.memory_space<semaphore_mem>>)
      %dma_wait3A = tpu.memref_slice %arg7[%arg0, %mul3A_2] : memref<2x10240xf32, #tpu.memory_space<hbm>> -> memref<1x640xf32, #tpu.memory_space<hbm>>
      %dma_wait3A_223 = tpu.memref_squeeze %dma_wait3A : memref<1x640xf32, #tpu.memory_space<hbm>> -> memref<640xf32, #tpu.memory_space<hbm>>
      %dma_wait3A_224 = tpu.memref_slice %arg15[%mul3A_2] : memref<10240xf32, #tpu.memory_space<vmem_shared>> -> memref<640xf32, #tpu.memory_space<vmem_shared>>
      tpu.wait_dma2 semaphore(%run_scoped3A_219 : memref<!tpu.dma_semaphore, #tpu.memory_space<semaphore_mem>>) src(%dma_wait3A_224 : memref<640xf32, #tpu.memory_space<vmem_shared>>) dst(%dma_wait3A_223 : memref<640xf32, #tpu.memory_space<hbm>>)
      tpu.yield
    }) : () -> ()
    return
  }
}

#map = affine_map<(d0, d1) -> (0, 0)>
#map1 = affine_map<(d0, d1) -> (0, 0, 0)>
#map2 = affine_map<(d0, d1) -> (0)>
module attributes {stable_mosaic.version = 14 : i64} {
  func.func @_sc_aggregate_body(%arg0: i32, %arg1: i32, %arg2: memref<10000x128xf32, #tpu.memory_space<hbm>>, %arg3: memref<32x80x128xi32, #tpu.memory_space<hbm>>, %arg4: memref<128x128xf32, #tpu.memory_space<hbm>>, %arg5: memref<128xf32, #tpu.memory_space<hbm>>, %arg6: memref<2x10240x128xf32, #tpu.memory_space<hbm>>, %arg7: memref<1x1xf32, #tpu.memory_space<hbm>>, %arg8: memref<80x128xi32, #tpu.memory_space<vmem>>, %arg9: memref<2x128xi32, #tpu.memory_space<vmem>>, %arg10: memref<2x128xi32, #tpu.memory_space<vmem>>, %arg11: memref<128x128xf32, #tpu.memory_space<vmem>>, %arg12: memref<128x128xf32, #tpu.memory_space<vmem>>, %arg13: memref<128xf32, #tpu.memory_space<vmem>>, %arg14: memref<10240x128xf32, #tpu.memory_space<vmem_shared>>, %arg15: memref<10240xf32, #tpu.memory_space<vmem_shared>>, %arg16: memref<!tpu.dma_semaphore, #tpu.memory_space<semaphore_mem>>, %arg17: memref<!tpu.dma_semaphore, #tpu.memory_space<semaphore_mem>>) attributes {dimension_semantics = [#tpu.dimension_semantics<core_parallel>, #tpu.dimension_semantics<subcore_parallel>], iteration_bounds = array<i64: 2, 16>, scalar_prefetch = 0 : i64, scratch_operands = 10 : i64, tpu.core_type = #tpu.core_type<sc_vector_subcore>, window_params = [{transform_indices = #map}, {transform_indices = #map1}, {transform_indices = #map}, {transform_indices = #map2}, {transform_indices = #map1}, {transform_indices = #map}]} {
    %mul3A = arith.constant 16 : i32
    %mul3A_0 = arith.muli %arg0, %mul3A : i32
    %add3A = arith.addi %mul3A_0, %arg1 : i32
    "tpu.region"() ({
      %run_scoped3A = tpu.sem_alloc : memref<!tpu.dma_semaphore, #tpu.memory_space<semaphore_mem>>
      tpu.enqueue_dma source(%arg4 : memref<128x128xf32, #tpu.memory_space<hbm>>) target(%arg11 : memref<128x128xf32, #tpu.memory_space<vmem>>) target_semaphore(%run_scoped3A : memref<!tpu.dma_semaphore, #tpu.memory_space<semaphore_mem>>)
      tpu.wait_dma2 semaphore(%run_scoped3A : memref<!tpu.dma_semaphore, #tpu.memory_space<semaphore_mem>>) src(%arg4 : memref<128x128xf32, #tpu.memory_space<hbm>>) dst(%arg11 : memref<128x128xf32, #tpu.memory_space<vmem>>)
      tpu.yield
    }) : () -> ()
    %mul3A_1 = arith.constant 640 : i32
    %mul3A_2 = arith.muli %arg1, %mul3A_1 : i32
    %add3A_3 = arith.constant 0 : i32
    %add3A_4 = arith.addi %mul3A_2, %add3A_3 : i32
    "tpu.region"() ({
      %run_scoped3A = tpu.sem_alloc : memref<!tpu.dma_semaphore, #tpu.memory_space<semaphore_mem>>
      %dma_start3A_205 = arith.constant 0 : i32
      %dma_start3A_206 = tpu.memref_slice %arg14[%add3A_4, %dma_start3A_205] : memref<10240x128xf32, #tpu.memory_space<vmem_shared>> -> memref<128x128xf32, #tpu.memory_space<vmem_shared>>
      %dma_start3A_207 = arith.constant 0 : i32
      %dma_start3A_208 = tpu.memref_slice %arg14[%add3A_4, %dma_start3A_207] : memref<10240x128xf32, #tpu.memory_space<vmem_shared>> -> memref<128x128xf32, #tpu.memory_space<vmem_shared>>
      tpu.enqueue_dma source(%arg11 : memref<128x128xf32, #tpu.memory_space<vmem>>) target(%dma_start3A_208 : memref<128x128xf32, #tpu.memory_space<vmem_shared>>) target_semaphore(%run_scoped3A : memref<!tpu.dma_semaphore, #tpu.memory_space<semaphore_mem>>)
      %dma_wait3A = arith.constant 0 : i32
      %dma_wait3A_209 = tpu.memref_slice %arg14[%add3A_4, %dma_wait3A] : memref<10240x128xf32, #tpu.memory_space<vmem_shared>> -> memref<128x128xf32, #tpu.memory_space<vmem_shared>>
      %dma_wait3A_210 = arith.constant 0 : i32
      %dma_wait3A_211 = tpu.memref_slice %arg14[%add3A_4, %dma_wait3A_210] : memref<10240x128xf32, #tpu.memory_space<vmem_shared>> -> memref<128x128xf32, #tpu.memory_space<vmem_shared>>
      tpu.wait_dma2 semaphore(%run_scoped3A : memref<!tpu.dma_semaphore, #tpu.memory_space<semaphore_mem>>) src(%arg11 : memref<128x128xf32, #tpu.memory_space<vmem>>) dst(%dma_wait3A_211 : memref<128x128xf32, #tpu.memory_space<vmem_shared>>)
      tpu.yield
    }) : () -> ()
    %add3A_5 = arith.constant 128 : i32
    %add3A_6 = arith.addi %mul3A_2, %add3A_5 : i32
    "tpu.region"() ({
      %run_scoped3A = tpu.sem_alloc : memref<!tpu.dma_semaphore, #tpu.memory_space<semaphore_mem>>
      %dma_start3A_205 = arith.constant 0 : i32
      %dma_start3A_206 = tpu.memref_slice %arg14[%add3A_6, %dma_start3A_205] : memref<10240x128xf32, #tpu.memory_space<vmem_shared>> -> memref<128x128xf32, #tpu.memory_space<vmem_shared>>
      %dma_start3A_207 = arith.constant 0 : i32
      %dma_start3A_208 = tpu.memref_slice %arg14[%add3A_6, %dma_start3A_207] : memref<10240x128xf32, #tpu.memory_space<vmem_shared>> -> memref<128x128xf32, #tpu.memory_space<vmem_shared>>
      tpu.enqueue_dma source(%arg11 : memref<128x128xf32, #tpu.memory_space<vmem>>) target(%dma_start3A_208 : memref<128x128xf32, #tpu.memory_space<vmem_shared>>) target_semaphore(%run_scoped3A : memref<!tpu.dma_semaphore, #tpu.memory_space<semaphore_mem>>)
      %dma_wait3A = arith.constant 0 : i32
      %dma_wait3A_209 = tpu.memref_slice %arg14[%add3A_6, %dma_wait3A] : memref<10240x128xf32, #tpu.memory_space<vmem_shared>> -> memref<128x128xf32, #tpu.memory_space<vmem_shared>>
      %dma_wait3A_210 = arith.constant 0 : i32
      %dma_wait3A_211 = tpu.memref_slice %arg14[%add3A_6, %dma_wait3A_210] : memref<10240x128xf32, #tpu.memory_space<vmem_shared>> -> memref<128x128xf32, #tpu.memory_space<vmem_shared>>
      tpu.wait_dma2 semaphore(%run_scoped3A : memref<!tpu.dma_semaphore, #tpu.memory_space<semaphore_mem>>) src(%arg11 : memref<128x128xf32, #tpu.memory_space<vmem>>) dst(%dma_wait3A_211 : memref<128x128xf32, #tpu.memory_space<vmem_shared>>)
      tpu.yield
    }) : () -> ()
    %add3A_7 = arith.constant 256 : i32
    %add3A_8 = arith.addi %mul3A_2, %add3A_7 : i32
    "tpu.region"() ({
      %run_scoped3A = tpu.sem_alloc : memref<!tpu.dma_semaphore, #tpu.memory_space<semaphore_mem>>
      %dma_start3A_205 = arith.constant 0 : i32
      %dma_start3A_206 = tpu.memref_slice %arg14[%add3A_8, %dma_start3A_205] : memref<10240x128xf32, #tpu.memory_space<vmem_shared>> -> memref<128x128xf32, #tpu.memory_space<vmem_shared>>
      %dma_start3A_207 = arith.constant 0 : i32
      %dma_start3A_208 = tpu.memref_slice %arg14[%add3A_8, %dma_start3A_207] : memref<10240x128xf32, #tpu.memory_space<vmem_shared>> -> memref<128x128xf32, #tpu.memory_space<vmem_shared>>
      tpu.enqueue_dma source(%arg11 : memref<128x128xf32, #tpu.memory_space<vmem>>) target(%dma_start3A_208 : memref<128x128xf32, #tpu.memory_space<vmem_shared>>) target_semaphore(%run_scoped3A : memref<!tpu.dma_semaphore, #tpu.memory_space<semaphore_mem>>)
      %dma_wait3A = arith.constant 0 : i32
      %dma_wait3A_209 = tpu.memref_slice %arg14[%add3A_8, %dma_wait3A] : memref<10240x128xf32, #tpu.memory_space<vmem_shared>> -> memref<128x128xf32, #tpu.memory_space<vmem_shared>>
      %dma_wait3A_210 = arith.constant 0 : i32
      %dma_wait3A_211 = tpu.memref_slice %arg14[%add3A_8, %dma_wait3A_210] : memref<10240x128xf32, #tpu.memory_space<vmem_shared>> -> memref<128x128xf32, #tpu.memory_space<vmem_shared>>
      tpu.wait_dma2 semaphore(%run_scoped3A : memref<!tpu.dma_semaphore, #tpu.memory_space<semaphore_mem>>) src(%arg11 : memref<128x128xf32, #tpu.memory_space<vmem>>) dst(%dma_wait3A_211 : memref<128x128xf32, #tpu.memory_space<vmem_shared>>)
      tpu.yield
    }) : () -> ()
    %add3A_9 = arith.constant 384 : i32
    %add3A_10 = arith.addi %mul3A_2, %add3A_9 : i32
    "tpu.region"() ({
      %run_scoped3A = tpu.sem_alloc : memref<!tpu.dma_semaphore, #tpu.memory_space<semaphore_mem>>
      %dma_start3A_205 = arith.constant 0 : i32
      %dma_start3A_206 = tpu.memref_slice %arg14[%add3A_10, %dma_start3A_205] : memref<10240x128xf32, #tpu.memory_space<vmem_shared>> -> memref<128x128xf32, #tpu.memory_space<vmem_shared>>
      %dma_start3A_207 = arith.constant 0 : i32
      %dma_start3A_208 = tpu.memref_slice %arg14[%add3A_10, %dma_start3A_207] : memref<10240x128xf32, #tpu.memory_space<vmem_shared>> -> memref<128x128xf32, #tpu.memory_space<vmem_shared>>
      tpu.enqueue_dma source(%arg11 : memref<128x128xf32, #tpu.memory_space<vmem>>) target(%dma_start3A_208 : memref<128x128xf32, #tpu.memory_space<vmem_shared>>) target_semaphore(%run_scoped3A : memref<!tpu.dma_semaphore, #tpu.memory_space<semaphore_mem>>)
      %dma_wait3A = arith.constant 0 : i32
      %dma_wait3A_209 = tpu.memref_slice %arg14[%add3A_10, %dma_wait3A] : memref<10240x128xf32, #tpu.memory_space<vmem_shared>> -> memref<128x128xf32, #tpu.memory_space<vmem_shared>>
      %dma_wait3A_210 = arith.constant 0 : i32
      %dma_wait3A_211 = tpu.memref_slice %arg14[%add3A_10, %dma_wait3A_210] : memref<10240x128xf32, #tpu.memory_space<vmem_shared>> -> memref<128x128xf32, #tpu.memory_space<vmem_shared>>
      tpu.wait_dma2 semaphore(%run_scoped3A : memref<!tpu.dma_semaphore, #tpu.memory_space<semaphore_mem>>) src(%arg11 : memref<128x128xf32, #tpu.memory_space<vmem>>) dst(%dma_wait3A_211 : memref<128x128xf32, #tpu.memory_space<vmem_shared>>)
      tpu.yield
    }) : () -> ()
    %add3A_11 = arith.constant 512 : i32
    %add3A_12 = arith.addi %mul3A_2, %add3A_11 : i32
    "tpu.region"() ({
      %run_scoped3A = tpu.sem_alloc : memref<!tpu.dma_semaphore, #tpu.memory_space<semaphore_mem>>
      %dma_start3A_205 = arith.constant 0 : i32
      %dma_start3A_206 = tpu.memref_slice %arg14[%add3A_12, %dma_start3A_205] : memref<10240x128xf32, #tpu.memory_space<vmem_shared>> -> memref<128x128xf32, #tpu.memory_space<vmem_shared>>
      %dma_start3A_207 = arith.constant 0 : i32
      %dma_start3A_208 = tpu.memref_slice %arg14[%add3A_12, %dma_start3A_207] : memref<10240x128xf32, #tpu.memory_space<vmem_shared>> -> memref<128x128xf32, #tpu.memory_space<vmem_shared>>
      tpu.enqueue_dma source(%arg11 : memref<128x128xf32, #tpu.memory_space<vmem>>) target(%dma_start3A_208 : memref<128x128xf32, #tpu.memory_space<vmem_shared>>) target_semaphore(%run_scoped3A : memref<!tpu.dma_semaphore, #tpu.memory_space<semaphore_mem>>)
      %dma_wait3A = arith.constant 0 : i32
      %dma_wait3A_209 = tpu.memref_slice %arg14[%add3A_12, %dma_wait3A] : memref<10240x128xf32, #tpu.memory_space<vmem_shared>> -> memref<128x128xf32, #tpu.memory_space<vmem_shared>>
      %dma_wait3A_210 = arith.constant 0 : i32
      %dma_wait3A_211 = tpu.memref_slice %arg14[%add3A_12, %dma_wait3A_210] : memref<10240x128xf32, #tpu.memory_space<vmem_shared>> -> memref<128x128xf32, #tpu.memory_space<vmem_shared>>
      tpu.wait_dma2 semaphore(%run_scoped3A : memref<!tpu.dma_semaphore, #tpu.memory_space<semaphore_mem>>) src(%arg11 : memref<128x128xf32, #tpu.memory_space<vmem>>) dst(%dma_wait3A_211 : memref<128x128xf32, #tpu.memory_space<vmem_shared>>)
      tpu.yield
    }) : () -> ()
    "tpu.region"() ({
      %run_scoped3A = tpu.sem_alloc : memref<!tpu.dma_semaphore, #tpu.memory_space<semaphore_mem>>
      %dma_start3A_205 = arith.constant 0 : i32
      %dma_start3A_206 = arith.constant 0 : i32
      %dma_start3A_207 = tpu.memref_slice %arg3[%add3A, %dma_start3A_205, %dma_start3A_206] : memref<32x80x128xi32, #tpu.memory_space<hbm>> -> memref<1x80x128xi32, #tpu.memory_space<hbm>>
      %dma_start3A_208 = tpu.memref_squeeze %dma_start3A_207 : memref<1x80x128xi32, #tpu.memory_space<hbm>> -> memref<80x128xi32, #tpu.memory_space<hbm>>
      %dma_start3A_209 = arith.constant 0 : i32
      %dma_start3A_210 = arith.constant 0 : i32
      %dma_start3A_211 = tpu.memref_slice %arg3[%add3A, %dma_start3A_209, %dma_start3A_210] : memref<32x80x128xi32, #tpu.memory_space<hbm>> -> memref<1x80x128xi32, #tpu.memory_space<hbm>>
      %dma_start3A_212 = tpu.memref_squeeze %dma_start3A_211 : memref<1x80x128xi32, #tpu.memory_space<hbm>> -> memref<80x128xi32, #tpu.memory_space<hbm>>
      tpu.enqueue_dma source(%dma_start3A_212 : memref<80x128xi32, #tpu.memory_space<hbm>>) target(%arg8 : memref<80x128xi32, #tpu.memory_space<vmem>>) target_semaphore(%run_scoped3A : memref<!tpu.dma_semaphore, #tpu.memory_space<semaphore_mem>>)
      %dma_wait3A = arith.constant 0 : i32
      %dma_wait3A_213 = arith.constant 0 : i32
      %dma_wait3A_214 = tpu.memref_slice %arg3[%add3A, %dma_wait3A, %dma_wait3A_213] : memref<32x80x128xi32, #tpu.memory_space<hbm>> -> memref<1x80x128xi32, #tpu.memory_space<hbm>>
      %dma_wait3A_215 = tpu.memref_squeeze %dma_wait3A_214 : memref<1x80x128xi32, #tpu.memory_space<hbm>> -> memref<80x128xi32, #tpu.memory_space<hbm>>
      %dma_wait3A_216 = arith.constant 0 : i32
      %dma_wait3A_217 = arith.constant 0 : i32
      %dma_wait3A_218 = tpu.memref_slice %arg3[%add3A, %dma_wait3A_216, %dma_wait3A_217] : memref<32x80x128xi32, #tpu.memory_space<hbm>> -> memref<1x80x128xi32, #tpu.memory_space<hbm>>
      %dma_wait3A_219 = tpu.memref_squeeze %dma_wait3A_218 : memref<1x80x128xi32, #tpu.memory_space<hbm>> -> memref<80x128xi32, #tpu.memory_space<hbm>>
      tpu.wait_dma2 semaphore(%run_scoped3A : memref<!tpu.dma_semaphore, #tpu.memory_space<semaphore_mem>>) src(%dma_wait3A_219 : memref<80x128xi32, #tpu.memory_space<hbm>>) dst(%arg8 : memref<80x128xi32, #tpu.memory_space<vmem>>)
      tpu.yield
    }) : () -> ()
    %barrier3A = arith.constant 0 : index
    tpu.barrier barrier_id(%barrier3A)
    %get3A = arith.constant 0 : i32
    %get3A_13 = arith.index_cast %get3A : i32 to index
    %get3A_14 = arith.constant 0 : index
    %get3A_15 = tpu.vector_load %arg8[%get3A_13, %get3A_14] {strides = array<i32>} : memref<80x128xi32, #tpu.memory_space<vmem>>, vector<1x16xi32>,
    %get3A_16 = vector.shape_cast %get3A_15 : vector<1x16xi32> to vector<16xi32>
    %shift_right_logical3A = arith.constant 14 : i32
    %shift_right_logical3A_17 = vector.broadcast %shift_right_logical3A : i32 to vector<16xi32>
    %shift_right_logical3A_18 = arith.shrui %get3A_16, %shift_right_logical3A_17 : vector<16xi32>
    %swap3A = arith.constant 0 : i32
    %swap3A_19 = arith.index_cast %swap3A : i32 to index
    %swap3A_20 = arith.constant 0 : index
    %swap3A_21 = tpu.vector_load %arg9[%swap3A_19, %swap3A_20] {strides = array<i32>} : memref<2x128xi32, #tpu.memory_space<vmem>>, vector<1x16xi32>,
    %swap3A_22 = vector.shape_cast %swap3A_21 : vector<1x16xi32> to vector<16xi32>
    %swap3A_23 = vector.shape_cast %shift_right_logical3A_18 : vector<16xi32> to vector<1x16xi32>
    tpu.vector_store %arg9[%swap3A_19, %swap3A_20], %swap3A_23 {strides = array<i32>} : memref<2x128xi32, #tpu.memory_space<vmem>>, vector<1x16xi32>,
    %and3A = arith.constant 16383 : i32
    %and3A_24 = vector.broadcast %and3A : i32 to vector<16xi32>
    %and3A_25 = arith.andi %get3A_16, %and3A_24 : vector<16xi32>
    %swap3A_26 = arith.constant 0 : i32
    %swap3A_27 = arith.index_cast %swap3A_26 : i32 to index
    %swap3A_28 = arith.constant 0 : index
    %swap3A_29 = tpu.vector_load %arg10[%swap3A_27, %swap3A_28] {strides = array<i32>} : memref<2x128xi32, #tpu.memory_space<vmem>>, vector<1x16xi32>,
    %swap3A_30 = vector.shape_cast %swap3A_29 : vector<1x16xi32> to vector<16xi32>
    %swap3A_31 = vector.shape_cast %and3A_25 : vector<16xi32> to vector<1x16xi32>
    tpu.vector_store %arg10[%swap3A_27, %swap3A_28], %swap3A_31 {strides = array<i32>} : memref<2x128xi32, #tpu.memory_space<vmem>>, vector<1x16xi32>,
    %get3A_32 = arith.constant 0 : i32
    %get3A_33 = arith.index_cast %get3A_32 : i32 to index
    %get3A_34 = arith.constant 16 : index
    %get3A_35 = tpu.vector_load %arg8[%get3A_33, %get3A_34] {strides = array<i32>} : memref<80x128xi32, #tpu.memory_space<vmem>>, vector<1x16xi32>,
    %get3A_36 = vector.shape_cast %get3A_35 : vector<1x16xi32> to vector<16xi32>
    %shift_right_logical3A_37 = arith.constant 14 : i32
    %shift_right_logical3A_38 = vector.broadcast %shift_right_logical3A_37 : i32 to vector<16xi32>
    %shift_right_logical3A_39 = arith.shrui %get3A_36, %shift_right_logical3A_38 : vector<16xi32>
    %swap3A_40 = arith.constant 0 : i32
    %swap3A_41 = arith.index_cast %swap3A_40 : i32 to index
    %swap3A_42 = arith.constant 16 : index
    %swap3A_43 = tpu.vector_load %arg9[%swap3A_41, %swap3A_42] {strides = array<i32>} : memref<2x128xi32, #tpu.memory_space<vmem>>, vector<1x16xi32>,
    %swap3A_44 = vector.shape_cast %swap3A_43 : vector<1x16xi32> to vector<16xi32>
    %swap3A_45 = vector.shape_cast %shift_right_logical3A_39 : vector<16xi32> to vector<1x16xi32>
    tpu.vector_store %arg9[%swap3A_41, %swap3A_42], %swap3A_45 {strides = array<i32>} : memref<2x128xi32, #tpu.memory_space<vmem>>, vector<1x16xi32>,
    %and3A_46 = arith.constant 16383 : i32
    %and3A_47 = vector.broadcast %and3A_46 : i32 to vector<16xi32>
    %and3A_48 = arith.andi %get3A_36, %and3A_47 : vector<16xi32>
    %swap3A_49 = arith.constant 0 : i32
    %swap3A_50 = arith.index_cast %swap3A_49 : i32 to index
    %swap3A_51 = arith.constant 16 : index
    %swap3A_52 = tpu.vector_load %arg10[%swap3A_50, %swap3A_51] {strides = array<i32>} : memref<2x128xi32, #tpu.memory_space<vmem>>, vector<1x16xi32>,
    %swap3A_53 = vector.shape_cast %swap3A_52 : vector<1x16xi32> to vector<16xi32>
    %swap3A_54 = vector.shape_cast %and3A_48 : vector<16xi32> to vector<1x16xi32>
    tpu.vector_store %arg10[%swap3A_50, %swap3A_51], %swap3A_54 {strides = array<i32>} : memref<2x128xi32, #tpu.memory_space<vmem>>, vector<1x16xi32>,
    %get3A_55 = arith.constant 0 : i32
    %get3A_56 = arith.index_cast %get3A_55 : i32 to index
    %get3A_57 = arith.constant 32 : index
    %get3A_58 = tpu.vector_load %arg8[%get3A_56, %get3A_57] {strides = array<i32>} : memref<80x128xi32, #tpu.memory_space<vmem>>, vector<1x16xi32>,
    %get3A_59 = vector.shape_cast %get3A_58 : vector<1x16xi32> to vector<16xi32>
    %shift_right_logical3A_60 = arith.constant 14 : i32
    %shift_right_logical3A_61 = vector.broadcast %shift_right_logical3A_60 : i32 to vector<16xi32>
    %shift_right_logical3A_62 = arith.shrui %get3A_59, %shift_right_logical3A_61 : vector<16xi32>
    %swap3A_63 = arith.constant 0 : i32
    %swap3A_64 = arith.index_cast %swap3A_63 : i32 to index
    %swap3A_65 = arith.constant 32 : index
    %swap3A_66 = tpu.vector_load %arg9[%swap3A_64, %swap3A_65] {strides = array<i32>} : memref<2x128xi32, #tpu.memory_space<vmem>>, vector<1x16xi32>,
    %swap3A_67 = vector.shape_cast %swap3A_66 : vector<1x16xi32> to vector<16xi32>
    %swap3A_68 = vector.shape_cast %shift_right_logical3A_62 : vector<16xi32> to vector<1x16xi32>
    tpu.vector_store %arg9[%swap3A_64, %swap3A_65], %swap3A_68 {strides = array<i32>} : memref<2x128xi32, #tpu.memory_space<vmem>>, vector<1x16xi32>,
    %and3A_69 = arith.constant 16383 : i32
    %and3A_70 = vector.broadcast %and3A_69 : i32 to vector<16xi32>
    %and3A_71 = arith.andi %get3A_59, %and3A_70 : vector<16xi32>
    %swap3A_72 = arith.constant 0 : i32
    %swap3A_73 = arith.index_cast %swap3A_72 : i32 to index
    %swap3A_74 = arith.constant 32 : index
    %swap3A_75 = tpu.vector_load %arg10[%swap3A_73, %swap3A_74] {strides = array<i32>} : memref<2x128xi32, #tpu.memory_space<vmem>>, vector<1x16xi32>,
    %swap3A_76 = vector.shape_cast %swap3A_75 : vector<1x16xi32> to vector<16xi32>
    %swap3A_77 = vector.shape_cast %and3A_71 : vector<16xi32> to vector<1x16xi32>
    tpu.vector_store %arg10[%swap3A_73, %swap3A_74], %swap3A_77 {strides = array<i32>} : memref<2x128xi32, #tpu.memory_space<vmem>>, vector<1x16xi32>,
    %get3A_78 = arith.constant 0 : i32
    %get3A_79 = arith.index_cast %get3A_78 : i32 to index
    %get3A_80 = arith.constant 48 : index
    %get3A_81 = tpu.vector_load %arg8[%get3A_79, %get3A_80] {strides = array<i32>} : memref<80x128xi32, #tpu.memory_space<vmem>>, vector<1x16xi32>,
    %get3A_82 = vector.shape_cast %get3A_81 : vector<1x16xi32> to vector<16xi32>
    %shift_right_logical3A_83 = arith.constant 14 : i32
    %shift_right_logical3A_84 = vector.broadcast %shift_right_logical3A_83 : i32 to vector<16xi32>
    %shift_right_logical3A_85 = arith.shrui %get3A_82, %shift_right_logical3A_84 : vector<16xi32>
    %swap3A_86 = arith.constant 0 : i32
    %swap3A_87 = arith.index_cast %swap3A_86 : i32 to index
    %swap3A_88 = arith.constant 48 : index
    %swap3A_89 = tpu.vector_load %arg9[%swap3A_87, %swap3A_88] {strides = array<i32>} : memref<2x128xi32, #tpu.memory_space<vmem>>, vector<1x16xi32>,
    %swap3A_90 = vector.shape_cast %swap3A_89 : vector<1x16xi32> to vector<16xi32>
    %swap3A_91 = vector.shape_cast %shift_right_logical3A_85 : vector<16xi32> to vector<1x16xi32>
    tpu.vector_store %arg9[%swap3A_87, %swap3A_88], %swap3A_91 {strides = array<i32>} : memref<2x128xi32, #tpu.memory_space<vmem>>, vector<1x16xi32>,
    %and3A_92 = arith.constant 16383 : i32
    %and3A_93 = vector.broadcast %and3A_92 : i32 to vector<16xi32>
    %and3A_94 = arith.andi %get3A_82, %and3A_93 : vector<16xi32>
    %swap3A_95 = arith.constant 0 : i32
    %swap3A_96 = arith.index_cast %swap3A_95 : i32 to index
    %swap3A_97 = arith.constant 48 : index
    %swap3A_98 = tpu.vector_load %arg10[%swap3A_96, %swap3A_97] {strides = array<i32>} : memref<2x128xi32, #tpu.memory_space<vmem>>, vector<1x16xi32>,
    %swap3A_99 = vector.shape_cast %swap3A_98 : vector<1x16xi32> to vector<16xi32>
    %swap3A_100 = vector.shape_cast %and3A_94 : vector<16xi32> to vector<1x16xi32>
    tpu.vector_store %arg10[%swap3A_96, %swap3A_97], %swap3A_100 {strides = array<i32>} : memref<2x128xi32, #tpu.memory_space<vmem>>, vector<1x16xi32>,
    %get3A_101 = arith.constant 0 : i32
    %get3A_102 = arith.index_cast %get3A_101 : i32 to index
    %get3A_103 = arith.constant 64 : index
    %get3A_104 = tpu.vector_load %arg8[%get3A_102, %get3A_103] {strides = array<i32>} : memref<80x128xi32, #tpu.memory_space<vmem>>, vector<1x16xi32>,
    %get3A_105 = vector.shape_cast %get3A_104 : vector<1x16xi32> to vector<16xi32>
    %shift_right_logical3A_106 = arith.constant 14 : i32
    %shift_right_logical3A_107 = vector.broadcast %shift_right_logical3A_106 : i32 to vector<16xi32>
    %shift_right_logical3A_108 = arith.shrui %get3A_105, %shift_right_logical3A_107 : vector<16xi32>
    %swap3A_109 = arith.constant 0 : i32
    %swap3A_110 = arith.index_cast %swap3A_109 : i32 to index
    %swap3A_111 = arith.constant 64 : index
    %swap3A_112 = tpu.vector_load %arg9[%swap3A_110, %swap3A_111] {strides = array<i32>} : memref<2x128xi32, #tpu.memory_space<vmem>>, vector<1x16xi32>,
    %swap3A_113 = vector.shape_cast %swap3A_112 : vector<1x16xi32> to vector<16xi32>
    %swap3A_114 = vector.shape_cast %shift_right_logical3A_108 : vector<16xi32> to vector<1x16xi32>
    tpu.vector_store %arg9[%swap3A_110, %swap3A_111], %swap3A_114 {strides = array<i32>} : memref<2x128xi32, #tpu.memory_space<vmem>>, vector<1x16xi32>,
    %and3A_115 = arith.constant 16383 : i32
    %and3A_116 = vector.broadcast %and3A_115 : i32 to vector<16xi32>
    %and3A_117 = arith.andi %get3A_105, %and3A_116 : vector<16xi32>
    %swap3A_118 = arith.constant 0 : i32
    %swap3A_119 = arith.index_cast %swap3A_118 : i32 to index
    %swap3A_120 = arith.constant 64 : index
    %swap3A_121 = tpu.vector_load %arg10[%swap3A_119, %swap3A_120] {strides = array<i32>} : memref<2x128xi32, #tpu.memory_space<vmem>>, vector<1x16xi32>,
    %swap3A_122 = vector.shape_cast %swap3A_121 : vector<1x16xi32> to vector<16xi32>
    %swap3A_123 = vector.shape_cast %and3A_117 : vector<16xi32> to vector<1x16xi32>
    tpu.vector_store %arg10[%swap3A_119, %swap3A_120], %swap3A_123 {strides = array<i32>} : memref<2x128xi32, #tpu.memory_space<vmem>>, vector<1x16xi32>,
    %get3A_124 = arith.constant 0 : i32
    %get3A_125 = arith.index_cast %get3A_124 : i32 to index
    %get3A_126 = arith.constant 80 : index
    %get3A_127 = tpu.vector_load %arg8[%get3A_125, %get3A_126] {strides = array<i32>} : memref<80x128xi32, #tpu.memory_space<vmem>>, vector<1x16xi32>,
    %get3A_128 = vector.shape_cast %get3A_127 : vector<1x16xi32> to vector<16xi32>
    %shift_right_logical3A_129 = arith.constant 14 : i32
    %shift_right_logical3A_130 = vector.broadcast %shift_right_logical3A_129 : i32 to vector<16xi32>
    %shift_right_logical3A_131 = arith.shrui %get3A_128, %shift_right_logical3A_130 : vector<16xi32>
    %swap3A_132 = arith.constant 0 : i32
    %swap3A_133 = arith.index_cast %swap3A_132 : i32 to index
    %swap3A_134 = arith.constant 80 : index
    %swap3A_135 = tpu.vector_load %arg9[%swap3A_133, %swap3A_134] {strides = array<i32>} : memref<2x128xi32, #tpu.memory_space<vmem>>, vector<1x16xi32>,
    %swap3A_136 = vector.shape_cast %swap3A_135 : vector<1x16xi32> to vector<16xi32>
    %swap3A_137 = vector.shape_cast %shift_right_logical3A_131 : vector<16xi32> to vector<1x16xi32>
    tpu.vector_store %arg9[%swap3A_133, %swap3A_134], %swap3A_137 {strides = array<i32>} : memref<2x128xi32, #tpu.memory_space<vmem>>, vector<1x16xi32>,
    %and3A_138 = arith.constant 16383 : i32
    %and3A_139 = vector.broadcast %and3A_138 : i32 to vector<16xi32>
    %and3A_140 = arith.andi %get3A_128, %and3A_139 : vector<16xi32>
    %swap3A_141 = arith.constant 0 : i32
    %swap3A_142 = arith.index_cast %swap3A_141 : i32 to index
    %swap3A_143 = arith.constant 80 : index
    %swap3A_144 = tpu.vector_load %arg10[%swap3A_142, %swap3A_143] {strides = array<i32>} : memref<2x128xi32, #tpu.memory_space<vmem>>, vector<1x16xi32>,
    %swap3A_145 = vector.shape_cast %swap3A_144 : vector<1x16xi32> to vector<16xi32>
    %swap3A_146 = vector.shape_cast %and3A_140 : vector<16xi32> to vector<1x16xi32>
    tpu.vector_store %arg10[%swap3A_142, %swap3A_143], %swap3A_146 {strides = array<i32>} : memref<2x128xi32, #tpu.memory_space<vmem>>, vector<1x16xi32>,
    %get3A_147 = arith.constant 0 : i32
    %get3A_148 = arith.index_cast %get3A_147 : i32 to index
    %get3A_149 = arith.constant 96 : index
    %get3A_150 = tpu.vector_load %arg8[%get3A_148, %get3A_149] {strides = array<i32>} : memref<80x128xi32, #tpu.memory_space<vmem>>, vector<1x16xi32>,
    %get3A_151 = vector.shape_cast %get3A_150 : vector<1x16xi32> to vector<16xi32>
    %shift_right_logical3A_152 = arith.constant 14 : i32
    %shift_right_logical3A_153 = vector.broadcast %shift_right_logical3A_152 : i32 to vector<16xi32>
    %shift_right_logical3A_154 = arith.shrui %get3A_151, %shift_right_logical3A_153 : vector<16xi32>
    %swap3A_155 = arith.constant 0 : i32
    %swap3A_156 = arith.index_cast %swap3A_155 : i32 to index
    %swap3A_157 = arith.constant 96 : index
    %swap3A_158 = tpu.vector_load %arg9[%swap3A_156, %swap3A_157] {strides = array<i32>} : memref<2x128xi32, #tpu.memory_space<vmem>>, vector<1x16xi32>,
    %swap3A_159 = vector.shape_cast %swap3A_158 : vector<1x16xi32> to vector<16xi32>
    %swap3A_160 = vector.shape_cast %shift_right_logical3A_154 : vector<16xi32> to vector<1x16xi32>
    tpu.vector_store %arg9[%swap3A_156, %swap3A_157], %swap3A_160 {strides = array<i32>} : memref<2x128xi32, #tpu.memory_space<vmem>>, vector<1x16xi32>,
    %and3A_161 = arith.constant 16383 : i32
    %and3A_162 = vector.broadcast %and3A_161 : i32 to vector<16xi32>
    %and3A_163 = arith.andi %get3A_151, %and3A_162 : vector<16xi32>
    %swap3A_164 = arith.constant 0 : i32
    %swap3A_165 = arith.index_cast %swap3A_164 : i32 to index
    %swap3A_166 = arith.constant 96 : index
    %swap3A_167 = tpu.vector_load %arg10[%swap3A_165, %swap3A_166] {strides = array<i32>} : memref<2x128xi32, #tpu.memory_space<vmem>>, vector<1x16xi32>,
    %swap3A_168 = vector.shape_cast %swap3A_167 : vector<1x16xi32> to vector<16xi32>
    %swap3A_169 = vector.shape_cast %and3A_163 : vector<16xi32> to vector<1x16xi32>
    tpu.vector_store %arg10[%swap3A_165, %swap3A_166], %swap3A_169 {strides = array<i32>} : memref<2x128xi32, #tpu.memory_space<vmem>>, vector<1x16xi32>,
    %get3A_170 = arith.constant 0 : i32
    %get3A_171 = arith.index_cast %get3A_170 : i32 to index
    %get3A_172 = arith.constant 112 : index
    %get3A_173 = tpu.vector_load %arg8[%get3A_171, %get3A_172] {strides = array<i32>} : memref<80x128xi32, #tpu.memory_space<vmem>>, vector<1x16xi32>,
    %get3A_174 = vector.shape_cast %get3A_173 : vector<1x16xi32> to vector<16xi32>
    %shift_right_logical3A_175 = arith.constant 14 : i32
    %shift_right_logical3A_176 = vector.broadcast %shift_right_logical3A_175 : i32 to vector<16xi32>
    %shift_right_logical3A_177 = arith.shrui %get3A_174, %shift_right_logical3A_176 : vector<16xi32>
    %swap3A_178 = arith.constant 0 : i32
    %swap3A_179 = arith.index_cast %swap3A_178 : i32 to index
    %swap3A_180 = arith.constant 112 : index
    %swap3A_181 = tpu.vector_load %arg9[%swap3A_179, %swap3A_180] {strides = array<i32>} : memref<2x128xi32, #tpu.memory_space<vmem>>, vector<1x16xi32>,
    %swap3A_182 = vector.shape_cast %swap3A_181 : vector<1x16xi32> to vector<16xi32>
    %swap3A_183 = vector.shape_cast %shift_right_logical3A_177 : vector<16xi32> to vector<1x16xi32>
    tpu.vector_store %arg9[%swap3A_179, %swap3A_180], %swap3A_183 {strides = array<i32>} : memref<2x128xi32, #tpu.memory_space<vmem>>, vector<1x16xi32>,
    %and3A_184 = arith.constant 16383 : i32
    %and3A_185 = vector.broadcast %and3A_184 : i32 to vector<16xi32>
    %and3A_186 = arith.andi %get3A_174, %and3A_185 : vector<16xi32>
    %swap3A_187 = arith.constant 0 : i32
    %swap3A_188 = arith.index_cast %swap3A_187 : i32 to index
    %swap3A_189 = arith.constant 112 : index
    %swap3A_190 = tpu.vector_load %arg10[%swap3A_188, %swap3A_189] {strides = array<i32>} : memref<2x128xi32, #tpu.memory_space<vmem>>, vector<1x16xi32>,
    %swap3A_191 = vector.shape_cast %swap3A_190 : vector<1x16xi32> to vector<16xi32>
    %swap3A_192 = vector.shape_cast %and3A_186 : vector<16xi32> to vector<1x16xi32>
    tpu.vector_store %arg10[%swap3A_188, %swap3A_189], %swap3A_192 {strides = array<i32>} : memref<2x128xi32, #tpu.memory_space<vmem>>, vector<1x16xi32>,
    %dma_start3A = arith.constant 0 : i32
    %dma_start3A_193 = arith.constant 0 : i32
    %dma_start3A_194 = tpu.memref_slice %arg9[%dma_start3A, %dma_start3A_193] : memref<2x128xi32, #tpu.memory_space<vmem>> -> memref<1x128xi32, #tpu.memory_space<vmem>>
    %dma_start3A_195 = tpu.memref_squeeze %dma_start3A_194 : memref<1x128xi32, #tpu.memory_space<vmem>> -> memref<128xi32, #tpu.memory_space<vmem>>
    %dma_start3A_196 = arith.constant 0 : i32
    %dma_start3A_197 = arith.constant 0 : i32
    %dma_start3A_198 = tpu.memref_slice %arg2[%dma_start3A_196, %dma_start3A_197] : memref<10000x128xf32, #tpu.memory_space<hbm>> -> memref<10000x128xf32, #tpu.memory_space<hbm>>
    tpu.enqueue_indirect_dma source(%dma_start3A_198 : memref<10000x128xf32, #tpu.memory_space<hbm>>) target(%arg11 : memref<128x128xf32, #tpu.memory_space<vmem>>) offsets(%dma_start3A_195 : memref<128xi32, #tpu.memory_space<vmem>>) semaphore(%arg16 : memref<!tpu.dma_semaphore, #tpu.memory_space<semaphore_mem>>)
    %scan3A = arith.constant 0 : i32
    %scan3A_199 = arith.constant 0 : i32
    %scan3A_200 = arith.constant 40 : i32
    %scan3A_201 = arith.addi %scan3A_199, %scan3A_200 : i32
    %scan3A_202 = arith.constant 1 : i32
    scf.for %scan3A_205 = %scan3A_199 to %scan3A_201 step %scan3A_202  : i32 {
      %mul3A_206 = arith.constant 2 : i32
      %mul3A_207 = arith.muli %mul3A_206, %scan3A_205 : i32
      %add3A_208 = arith.constant 1 : i32
      %add3A_209 = arith.addi %mul3A_207, %add3A_208 : i32
      %get3A_210 = arith.index_cast %add3A_209 : i32 to index
      %get3A_211 = arith.constant 0 : index
      %get3A_212 = tpu.vector_load %arg8[%get3A_210, %get3A_211] {strides = array<i32>} : memref<80x128xi32, #tpu.memory_space<vmem>>, vector<1x16xi32>,
      %get3A_213 = vector.shape_cast %get3A_212 : vector<1x16xi32> to vector<16xi32>
      %shift_right_logical3A_214 = arith.constant 14 : i32
      %shift_right_logical3A_215 = vector.broadcast %shift_right_logical3A_214 : i32 to vector<16xi32>
      %shift_right_logical3A_216 = arith.shrui %get3A_213, %shift_right_logical3A_215 : vector<16xi32>
      %swap3A_217 = arith.constant 1 : i32
      %swap3A_218 = arith.index_cast %swap3A_217 : i32 to index
      %swap3A_219 = arith.constant 0 : index
      %swap3A_220 = tpu.vector_load %arg9[%swap3A_218, %swap3A_219] {strides = array<i32>} : memref<2x128xi32, #tpu.memory_space<vmem>>, vector<1x16xi32>,
      %swap3A_221 = vector.shape_cast %swap3A_220 : vector<1x16xi32> to vector<16xi32>
      %swap3A_222 = vector.shape_cast %shift_right_logical3A_216 : vector<16xi32> to vector<1x16xi32>
      tpu.vector_store %arg9[%swap3A_218, %swap3A_219], %swap3A_222 {strides = array<i32>} : memref<2x128xi32, #tpu.memory_space<vmem>>, vector<1x16xi32>,
      %and3A_223 = arith.constant 16383 : i32
      %and3A_224 = vector.broadcast %and3A_223 : i32 to vector<16xi32>
      %and3A_225 = arith.andi %get3A_213, %and3A_224 : vector<16xi32>
      %swap3A_226 = arith.constant 1 : i32
      %swap3A_227 = arith.index_cast %swap3A_226 : i32 to index
      %swap3A_228 = arith.constant 0 : index
      %swap3A_229 = tpu.vector_load %arg10[%swap3A_227, %swap3A_228] {strides = array<i32>} : memref<2x128xi32, #tpu.memory_space<vmem>>, vector<1x16xi32>,
      %swap3A_230 = vector.shape_cast %swap3A_229 : vector<1x16xi32> to vector<16xi32>
      %swap3A_231 = vector.shape_cast %and3A_225 : vector<16xi32> to vector<1x16xi32>
      tpu.vector_store %arg10[%swap3A_227, %swap3A_228], %swap3A_231 {strides = array<i32>} : memref<2x128xi32, #tpu.memory_space<vmem>>, vector<1x16xi32>,
      %get3A_232 = arith.index_cast %add3A_209 : i32 to index
      %get3A_233 = arith.constant 16 : index
      %get3A_234 = tpu.vector_load %arg8[%get3A_232, %get3A_233] {strides = array<i32>} : memref<80x128xi32, #tpu.memory_space<vmem>>, vector<1x16xi32>,
      %get3A_235 = vector.shape_cast %get3A_234 : vector<1x16xi32> to vector<16xi32>
      %shift_right_logical3A_236 = arith.constant 14 : i32
      %shift_right_logical3A_237 = vector.broadcast %shift_right_logical3A_236 : i32 to vector<16xi32>
      %shift_right_logical3A_238 = arith.shrui %get3A_235, %shift_right_logical3A_237 : vector<16xi32>
      %swap3A_239 = arith.constant 1 : i32
      %swap3A_240 = arith.index_cast %swap3A_239 : i32 to index
      %swap3A_241 = arith.constant 16 : index
      %swap3A_242 = tpu.vector_load %arg9[%swap3A_240, %swap3A_241] {strides = array<i32>} : memref<2x128xi32, #tpu.memory_space<vmem>>, vector<1x16xi32>,
      %swap3A_243 = vector.shape_cast %swap3A_242 : vector<1x16xi32> to vector<16xi32>
      %swap3A_244 = vector.shape_cast %shift_right_logical3A_238 : vector<16xi32> to vector<1x16xi32>
      tpu.vector_store %arg9[%swap3A_240, %swap3A_241], %swap3A_244 {strides = array<i32>} : memref<2x128xi32, #tpu.memory_space<vmem>>, vector<1x16xi32>,
      %and3A_245 = arith.constant 16383 : i32
      %and3A_246 = vector.broadcast %and3A_245 : i32 to vector<16xi32>
      %and3A_247 = arith.andi %get3A_235, %and3A_246 : vector<16xi32>
      %swap3A_248 = arith.constant 1 : i32
      %swap3A_249 = arith.index_cast %swap3A_248 : i32 to index
      %swap3A_250 = arith.constant 16 : index
      %swap3A_251 = tpu.vector_load %arg10[%swap3A_249, %swap3A_250] {strides = array<i32>} : memref<2x128xi32, #tpu.memory_space<vmem>>, vector<1x16xi32>,
      %swap3A_252 = vector.shape_cast %swap3A_251 : vector<1x16xi32> to vector<16xi32>
      %swap3A_253 = vector.shape_cast %and3A_247 : vector<16xi32> to vector<1x16xi32>
      tpu.vector_store %arg10[%swap3A_249, %swap3A_250], %swap3A_253 {strides = array<i32>} : memref<2x128xi32, #tpu.memory_space<vmem>>, vector<1x16xi32>,
      %get3A_254 = arith.index_cast %add3A_209 : i32 to index
      %get3A_255 = arith.constant 32 : index
      %get3A_256 = tpu.vector_load %arg8[%get3A_254, %get3A_255] {strides = array<i32>} : memref<80x128xi32, #tpu.memory_space<vmem>>, vector<1x16xi32>,
      %get3A_257 = vector.shape_cast %get3A_256 : vector<1x16xi32> to vector<16xi32>
      %shift_right_logical3A_258 = arith.constant 14 : i32
      %shift_right_logical3A_259 = vector.broadcast %shift_right_logical3A_258 : i32 to vector<16xi32>
      %shift_right_logical3A_260 = arith.shrui %get3A_257, %shift_right_logical3A_259 : vector<16xi32>
      %swap3A_261 = arith.constant 1 : i32
      %swap3A_262 = arith.index_cast %swap3A_261 : i32 to index
      %swap3A_263 = arith.constant 32 : index
      %swap3A_264 = tpu.vector_load %arg9[%swap3A_262, %swap3A_263] {strides = array<i32>} : memref<2x128xi32, #tpu.memory_space<vmem>>, vector<1x16xi32>,
      %swap3A_265 = vector.shape_cast %swap3A_264 : vector<1x16xi32> to vector<16xi32>
      %swap3A_266 = vector.shape_cast %shift_right_logical3A_260 : vector<16xi32> to vector<1x16xi32>
      tpu.vector_store %arg9[%swap3A_262, %swap3A_263], %swap3A_266 {strides = array<i32>} : memref<2x128xi32, #tpu.memory_space<vmem>>, vector<1x16xi32>,
      %and3A_267 = arith.constant 16383 : i32
      %and3A_268 = vector.broadcast %and3A_267 : i32 to vector<16xi32>
      %and3A_269 = arith.andi %get3A_257, %and3A_268 : vector<16xi32>
      %swap3A_270 = arith.constant 1 : i32
      %swap3A_271 = arith.index_cast %swap3A_270 : i32 to index
      %swap3A_272 = arith.constant 32 : index
      %swap3A_273 = tpu.vector_load %arg10[%swap3A_271, %swap3A_272] {strides = array<i32>} : memref<2x128xi32, #tpu.memory_space<vmem>>, vector<1x16xi32>,
      %swap3A_274 = vector.shape_cast %swap3A_273 : vector<1x16xi32> to vector<16xi32>
      %swap3A_275 = vector.shape_cast %and3A_269 : vector<16xi32> to vector<1x16xi32>
      tpu.vector_store %arg10[%swap3A_271, %swap3A_272], %swap3A_275 {strides = array<i32>} : memref<2x128xi32, #tpu.memory_space<vmem>>, vector<1x16xi32>,
      %get3A_276 = arith.index_cast %add3A_209 : i32 to index
      %get3A_277 = arith.constant 48 : index
      %get3A_278 = tpu.vector_load %arg8[%get3A_276, %get3A_277] {strides = array<i32>} : memref<80x128xi32, #tpu.memory_space<vmem>>, vector<1x16xi32>,
      %get3A_279 = vector.shape_cast %get3A_278 : vector<1x16xi32> to vector<16xi32>
      %shift_right_logical3A_280 = arith.constant 14 : i32
      %shift_right_logical3A_281 = vector.broadcast %shift_right_logical3A_280 : i32 to vector<16xi32>
      %shift_right_logical3A_282 = arith.shrui %get3A_279, %shift_right_logical3A_281 : vector<16xi32>
      %swap3A_283 = arith.constant 1 : i32
      %swap3A_284 = arith.index_cast %swap3A_283 : i32 to index
      %swap3A_285 = arith.constant 48 : index
      %swap3A_286 = tpu.vector_load %arg9[%swap3A_284, %swap3A_285] {strides = array<i32>} : memref<2x128xi32, #tpu.memory_space<vmem>>, vector<1x16xi32>,
      %swap3A_287 = vector.shape_cast %swap3A_286 : vector<1x16xi32> to vector<16xi32>
      %swap3A_288 = vector.shape_cast %shift_right_logical3A_282 : vector<16xi32> to vector<1x16xi32>
      tpu.vector_store %arg9[%swap3A_284, %swap3A_285], %swap3A_288 {strides = array<i32>} : memref<2x128xi32, #tpu.memory_space<vmem>>, vector<1x16xi32>,
      %and3A_289 = arith.constant 16383 : i32
      %and3A_290 = vector.broadcast %and3A_289 : i32 to vector<16xi32>
      %and3A_291 = arith.andi %get3A_279, %and3A_290 : vector<16xi32>
      %swap3A_292 = arith.constant 1 : i32
      %swap3A_293 = arith.index_cast %swap3A_292 : i32 to index
      %swap3A_294 = arith.constant 48 : index
      %swap3A_295 = tpu.vector_load %arg10[%swap3A_293, %swap3A_294] {strides = array<i32>} : memref<2x128xi32, #tpu.memory_space<vmem>>, vector<1x16xi32>,
      %swap3A_296 = vector.shape_cast %swap3A_295 : vector<1x16xi32> to vector<16xi32>
      %swap3A_297 = vector.shape_cast %and3A_291 : vector<16xi32> to vector<1x16xi32>
      tpu.vector_store %arg10[%swap3A_293, %swap3A_294], %swap3A_297 {strides = array<i32>} : memref<2x128xi32, #tpu.memory_space<vmem>>, vector<1x16xi32>,
      %get3A_298 = arith.index_cast %add3A_209 : i32 to index
      %get3A_299 = arith.constant 64 : index
      %get3A_300 = tpu.vector_load %arg8[%get3A_298, %get3A_299] {strides = array<i32>} : memref<80x128xi32, #tpu.memory_space<vmem>>, vector<1x16xi32>,
      %get3A_301 = vector.shape_cast %get3A_300 : vector<1x16xi32> to vector<16xi32>
      %shift_right_logical3A_302 = arith.constant 14 : i32
      %shift_right_logical3A_303 = vector.broadcast %shift_right_logical3A_302 : i32 to vector<16xi32>
      %shift_right_logical3A_304 = arith.shrui %get3A_301, %shift_right_logical3A_303 : vector<16xi32>
      %swap3A_305 = arith.constant 1 : i32
      %swap3A_306 = arith.index_cast %swap3A_305 : i32 to index
      %swap3A_307 = arith.constant 64 : index
      %swap3A_308 = tpu.vector_load %arg9[%swap3A_306, %swap3A_307] {strides = array<i32>} : memref<2x128xi32, #tpu.memory_space<vmem>>, vector<1x16xi32>,
      %swap3A_309 = vector.shape_cast %swap3A_308 : vector<1x16xi32> to vector<16xi32>
      %swap3A_310 = vector.shape_cast %shift_right_logical3A_304 : vector<16xi32> to vector<1x16xi32>
      tpu.vector_store %arg9[%swap3A_306, %swap3A_307], %swap3A_310 {strides = array<i32>} : memref<2x128xi32, #tpu.memory_space<vmem>>, vector<1x16xi32>,
      %and3A_311 = arith.constant 16383 : i32
      %and3A_312 = vector.broadcast %and3A_311 : i32 to vector<16xi32>
      %and3A_313 = arith.andi %get3A_301, %and3A_312 : vector<16xi32>
      %swap3A_314 = arith.constant 1 : i32
      %swap3A_315 = arith.index_cast %swap3A_314 : i32 to index
      %swap3A_316 = arith.constant 64 : index
      %swap3A_317 = tpu.vector_load %arg10[%swap3A_315, %swap3A_316] {strides = array<i32>} : memref<2x128xi32, #tpu.memory_space<vmem>>, vector<1x16xi32>,
      %swap3A_318 = vector.shape_cast %swap3A_317 : vector<1x16xi32> to vector<16xi32>
      %swap3A_319 = vector.shape_cast %and3A_313 : vector<16xi32> to vector<1x16xi32>
      tpu.vector_store %arg10[%swap3A_315, %swap3A_316], %swap3A_319 {strides = array<i32>} : memref<2x128xi32, #tpu.memory_space<vmem>>, vector<1x16xi32>,
      %get3A_320 = arith.index_cast %add3A_209 : i32 to index
      %get3A_321 = arith.constant 80 : index
      %get3A_322 = tpu.vector_load %arg8[%get3A_320, %get3A_321] {strides = array<i32>} : memref<80x128xi32, #tpu.memory_space<vmem>>, vector<1x16xi32>,
      %get3A_323 = vector.shape_cast %get3A_322 : vector<1x16xi32> to vector<16xi32>
      %shift_right_logical3A_324 = arith.constant 14 : i32
      %shift_right_logical3A_325 = vector.broadcast %shift_right_logical3A_324 : i32 to vector<16xi32>
      %shift_right_logical3A_326 = arith.shrui %get3A_323, %shift_right_logical3A_325 : vector<16xi32>
      %swap3A_327 = arith.constant 1 : i32
      %swap3A_328 = arith.index_cast %swap3A_327 : i32 to index
      %swap3A_329 = arith.constant 80 : index
      %swap3A_330 = tpu.vector_load %arg9[%swap3A_328, %swap3A_329] {strides = array<i32>} : memref<2x128xi32, #tpu.memory_space<vmem>>, vector<1x16xi32>,
      %swap3A_331 = vector.shape_cast %swap3A_330 : vector<1x16xi32> to vector<16xi32>
      %swap3A_332 = vector.shape_cast %shift_right_logical3A_326 : vector<16xi32> to vector<1x16xi32>
      tpu.vector_store %arg9[%swap3A_328, %swap3A_329], %swap3A_332 {strides = array<i32>} : memref<2x128xi32, #tpu.memory_space<vmem>>, vector<1x16xi32>,
      %and3A_333 = arith.constant 16383 : i32
      %and3A_334 = vector.broadcast %and3A_333 : i32 to vector<16xi32>
      %and3A_335 = arith.andi %get3A_323, %and3A_334 : vector<16xi32>
      %swap3A_336 = arith.constant 1 : i32
      %swap3A_337 = arith.index_cast %swap3A_336 : i32 to index
      %swap3A_338 = arith.constant 80 : index
      %swap3A_339 = tpu.vector_load %arg10[%swap3A_337, %swap3A_338] {strides = array<i32>} : memref<2x128xi32, #tpu.memory_space<vmem>>, vector<1x16xi32>,
      %swap3A_340 = vector.shape_cast %swap3A_339 : vector<1x16xi32> to vector<16xi32>
      %swap3A_341 = vector.shape_cast %and3A_335 : vector<16xi32> to vector<1x16xi32>
      tpu.vector_store %arg10[%swap3A_337, %swap3A_338], %swap3A_341 {strides = array<i32>} : memref<2x128xi32, #tpu.memory_space<vmem>>, vector<1x16xi32>,
      %get3A_342 = arith.index_cast %add3A_209 : i32 to index
      %get3A_343 = arith.constant 96 : index
      %get3A_344 = tpu.vector_load %arg8[%get3A_342, %get3A_343] {strides = array<i32>} : memref<80x128xi32, #tpu.memory_space<vmem>>, vector<1x16xi32>,
      %get3A_345 = vector.shape_cast %get3A_344 : vector<1x16xi32> to vector<16xi32>
      %shift_right_logical3A_346 = arith.constant 14 : i32
      %shift_right_logical3A_347 = vector.broadcast %shift_right_logical3A_346 : i32 to vector<16xi32>
      %shift_right_logical3A_348 = arith.shrui %get3A_345, %shift_right_logical3A_347 : vector<16xi32>
      %swap3A_349 = arith.constant 1 : i32
      %swap3A_350 = arith.index_cast %swap3A_349 : i32 to index
      %swap3A_351 = arith.constant 96 : index
      %swap3A_352 = tpu.vector_load %arg9[%swap3A_350, %swap3A_351] {strides = array<i32>} : memref<2x128xi32, #tpu.memory_space<vmem>>, vector<1x16xi32>,
      %swap3A_353 = vector.shape_cast %swap3A_352 : vector<1x16xi32> to vector<16xi32>
      %swap3A_354 = vector.shape_cast %shift_right_logical3A_348 : vector<16xi32> to vector<1x16xi32>
      tpu.vector_store %arg9[%swap3A_350, %swap3A_351], %swap3A_354 {strides = array<i32>} : memref<2x128xi32, #tpu.memory_space<vmem>>, vector<1x16xi32>,
      %and3A_355 = arith.constant 16383 : i32
      %and3A_356 = vector.broadcast %and3A_355 : i32 to vector<16xi32>
      %and3A_357 = arith.andi %get3A_345, %and3A_356 : vector<16xi32>
      %swap3A_358 = arith.constant 1 : i32
      %swap3A_359 = arith.index_cast %swap3A_358 : i32 to index
      %swap3A_360 = arith.constant 96 : index
      %swap3A_361 = tpu.vector_load %arg10[%swap3A_359, %swap3A_360] {strides = array<i32>} : memref<2x128xi32, #tpu.memory_space<vmem>>, vector<1x16xi32>,
      %swap3A_362 = vector.shape_cast %swap3A_361 : vector<1x16xi32> to vector<16xi32>
      %swap3A_363 = vector.shape_cast %and3A_357 : vector<16xi32> to vector<1x16xi32>
      tpu.vector_store %arg10[%swap3A_359, %swap3A_360], %swap3A_363 {strides = array<i32>} : memref<2x128xi32, #tpu.memory_space<vmem>>, vector<1x16xi32>,
      %get3A_364 = arith.index_cast %add3A_209 : i32 to index
      %get3A_365 = arith.constant 112 : index
      %get3A_366 = tpu.vector_load %arg8[%get3A_364, %get3A_365] {strides = array<i32>} : memref<80x128xi32, #tpu.memory_space<vmem>>, vector<1x16xi32>,
      %get3A_367 = vector.shape_cast %get3A_366 : vector<1x16xi32> to vector<16xi32>
      %shift_right_logical3A_368 = arith.constant 14 : i32
      %shift_right_logical3A_369 = vector.broadcast %shift_right_logical3A_368 : i32 to vector<16xi32>
      %shift_right_logical3A_370 = arith.shrui %get3A_367, %shift_right_logical3A_369 : vector<16xi32>
      %swap3A_371 = arith.constant 1 : i32
      %swap3A_372 = arith.index_cast %swap3A_371 : i32 to index
      %swap3A_373 = arith.constant 112 : index
      %swap3A_374 = tpu.vector_load %arg9[%swap3A_372, %swap3A_373] {strides = array<i32>} : memref<2x128xi32, #tpu.memory_space<vmem>>, vector<1x16xi32>,
      %swap3A_375 = vector.shape_cast %swap3A_374 : vector<1x16xi32> to vector<16xi32>
      %swap3A_376 = vector.shape_cast %shift_right_logical3A_370 : vector<16xi32> to vector<1x16xi32>
      tpu.vector_store %arg9[%swap3A_372, %swap3A_373], %swap3A_376 {strides = array<i32>} : memref<2x128xi32, #tpu.memory_space<vmem>>, vector<1x16xi32>,
      %and3A_377 = arith.constant 16383 : i32
      %and3A_378 = vector.broadcast %and3A_377 : i32 to vector<16xi32>
      %and3A_379 = arith.andi %get3A_367, %and3A_378 : vector<16xi32>
      %swap3A_380 = arith.constant 1 : i32
      %swap3A_381 = arith.index_cast %swap3A_380 : i32 to index
      %swap3A_382 = arith.constant 112 : index
      %swap3A_383 = tpu.vector_load %arg10[%swap3A_381, %swap3A_382] {strides = array<i32>} : memref<2x128xi32, #tpu.memory_space<vmem>>, vector<1x16xi32>,
      %swap3A_384 = vector.shape_cast %swap3A_383 : vector<1x16xi32> to vector<16xi32>
      %swap3A_385 = vector.shape_cast %and3A_379 : vector<16xi32> to vector<1x16xi32>
      tpu.vector_store %arg10[%swap3A_381, %swap3A_382], %swap3A_385 {strides = array<i32>} : memref<2x128xi32, #tpu.memory_space<vmem>>, vector<1x16xi32>,
      %dma_wait3A = arith.constant 0 : i32
      %dma_wait3A_386 = arith.constant 0 : i32
      %dma_wait3A_387 = tpu.memref_slice %arg9[%dma_wait3A, %dma_wait3A_386] : memref<2x128xi32, #tpu.memory_space<vmem>> -> memref<1x128xi32, #tpu.memory_space<vmem>>
      %dma_wait3A_388 = tpu.memref_squeeze %dma_wait3A_387 : memref<1x128xi32, #tpu.memory_space<vmem>> -> memref<128xi32, #tpu.memory_space<vmem>>
      %dma_wait3A_389 = arith.constant 0 : i32
      %dma_wait3A_390 = arith.constant 0 : i32
      %dma_wait3A_391 = tpu.memref_slice %arg2[%dma_wait3A_389, %dma_wait3A_390] : memref<10000x128xf32, #tpu.memory_space<hbm>> -> memref<10000x128xf32, #tpu.memory_space<hbm>>
      tpu.wait_indirect_dma semaphore(%arg16 : memref<!tpu.dma_semaphore, #tpu.memory_space<semaphore_mem>>) src(%dma_wait3A_391 : memref<10000x128xf32, #tpu.memory_space<hbm>>) dst(%arg11 : memref<128x128xf32, #tpu.memory_space<vmem>>)
      %dma_start3A_392 = arith.constant 1 : i32
      %dma_start3A_393 = arith.constant 0 : i32
      %dma_start3A_394 = tpu.memref_slice %arg9[%dma_start3A_392, %dma_start3A_393] : memref<2x128xi32, #tpu.memory_space<vmem>> -> memref<1x128xi32, #tpu.memory_space<vmem>>
      %dma_start3A_395 = tpu.memref_squeeze %dma_start3A_394 : memref<1x128xi32, #tpu.memory_space<vmem>> -> memref<128xi32, #tpu.memory_space<vmem>>
      %dma_start3A_396 = arith.constant 0 : i32
      %dma_start3A_397 = arith.constant 0 : i32
      %dma_start3A_398 = tpu.memref_slice %arg2[%dma_start3A_396, %dma_start3A_397] : memref<10000x128xf32, #tpu.memory_space<hbm>> -> memref<10000x128xf32, #tpu.memory_space<hbm>>
      tpu.enqueue_indirect_dma source(%dma_start3A_398 : memref<10000x128xf32, #tpu.memory_space<hbm>>) target(%arg12 : memref<128x128xf32, #tpu.memory_space<vmem>>) offsets(%dma_start3A_395 : memref<128xi32, #tpu.memory_space<vmem>>) semaphore(%arg17 : memref<!tpu.dma_semaphore, #tpu.memory_space<semaphore_mem>>)
      %run_scoped3A = arith.constant 0 : i32
      "tpu.region"() ({
        %run_scoped3A_414 = tpu.sem_alloc : memref<!tpu.dma_semaphore, #tpu.memory_space<semaphore_mem>>
        %dma_start3A_415 = arith.constant 0 : i32
        %dma_start3A_416 = tpu.memref_slice %arg10[%run_scoped3A, %dma_start3A_415] : memref<2x128xi32, #tpu.memory_space<vmem>> -> memref<1x128xi32, #tpu.memory_space<vmem>>
        %dma_start3A_417 = tpu.memref_squeeze %dma_start3A_416 : memref<1x128xi32, #tpu.memory_space<vmem>> -> memref<128xi32, #tpu.memory_space<vmem>>
        %dma_start3A_418 = arith.constant 0 : i32
        %dma_start3A_419 = arith.constant 0 : i32
        %dma_start3A_420 = tpu.memref_slice %arg14[%dma_start3A_418, %dma_start3A_419] : memref<10240x128xf32, #tpu.memory_space<vmem_shared>> -> memref<10240x128xf32, #tpu.memory_space<vmem_shared>>
        tpu.enqueue_indirect_dma source(%arg11 : memref<128x128xf32, #tpu.memory_space<vmem>>) target(%dma_start3A_420 : memref<10240x128xf32, #tpu.memory_space<vmem_shared>>) offsets(%dma_start3A_417 : memref<128xi32, #tpu.memory_space<vmem>>) semaphore(%run_scoped3A_414 : memref<!tpu.dma_semaphore, #tpu.memory_space<semaphore_mem>>) {add = true}
        %dma_wait3A_421 = arith.constant 0 : i32
        %dma_wait3A_422 = tpu.memref_slice %arg10[%run_scoped3A, %dma_wait3A_421] : memref<2x128xi32, #tpu.memory_space<vmem>> -> memref<1x128xi32, #tpu.memory_space<vmem>>
        %dma_wait3A_423 = tpu.memref_squeeze %dma_wait3A_422 : memref<1x128xi32, #tpu.memory_space<vmem>> -> memref<128xi32, #tpu.memory_space<vmem>>
        %dma_wait3A_424 = arith.constant 0 : i32
        %dma_wait3A_425 = arith.constant 0 : i32
        %dma_wait3A_426 = tpu.memref_slice %arg14[%dma_wait3A_424, %dma_wait3A_425] : memref<10240x128xf32, #tpu.memory_space<vmem_shared>> -> memref<10240x128xf32, #tpu.memory_space<vmem_shared>>
        tpu.wait_indirect_dma semaphore(%run_scoped3A_414 : memref<!tpu.dma_semaphore, #tpu.memory_space<semaphore_mem>>) src(%arg11 : memref<128x128xf32, #tpu.memory_space<vmem>>) dst(%dma_wait3A_426 : memref<10240x128xf32, #tpu.memory_space<vmem_shared>>)
        tpu.yield
      }) : () -> ()
      %lt3A = arith.constant 39 : i32
      %lt3A_399 = arith.cmpi slt, %scan3A_205, %lt3A : i32
      %convert_element_type3A = arith.extui %lt3A_399 : i1 to i32
      %cond3A = arith.constant 0 : i32
      %cond3A_400 = arith.cmpi ne, %convert_element_type3A, %cond3A : i32
      scf.if %cond3A_400 {
        %add3A_414 = arith.constant 2 : i32
        %add3A_415 = arith.addi %mul3A_207, %add3A_414 : i32
        %get3A_416 = arith.index_cast %add3A_415 : i32 to index
        %get3A_417 = arith.constant 0 : index
        %get3A_418 = tpu.vector_load %arg8[%get3A_416, %get3A_417] {strides = array<i32>} : memref<80x128xi32, #tpu.memory_space<vmem>>, vector<1x16xi32>,
        %get3A_419 = vector.shape_cast %get3A_418 : vector<1x16xi32> to vector<16xi32>
        %shift_right_logical3A_420 = arith.constant 14 : i32
        %shift_right_logical3A_421 = vector.broadcast %shift_right_logical3A_420 : i32 to vector<16xi32>
        %shift_right_logical3A_422 = arith.shrui %get3A_419, %shift_right_logical3A_421 : vector<16xi32>
        %swap3A_423 = arith.constant 0 : i32
        %swap3A_424 = arith.index_cast %swap3A_423 : i32 to index
        %swap3A_425 = arith.constant 0 : index
        %swap3A_426 = tpu.vector_load %arg9[%swap3A_424, %swap3A_425] {strides = array<i32>} : memref<2x128xi32, #tpu.memory_space<vmem>>, vector<1x16xi32>,
        %swap3A_427 = vector.shape_cast %swap3A_426 : vector<1x16xi32> to vector<16xi32>
        %swap3A_428 = vector.shape_cast %shift_right_logical3A_422 : vector<16xi32> to vector<1x16xi32>
        tpu.vector_store %arg9[%swap3A_424, %swap3A_425], %swap3A_428 {strides = array<i32>} : memref<2x128xi32, #tpu.memory_space<vmem>>, vector<1x16xi32>,
        %and3A_429 = arith.constant 16383 : i32
        %and3A_430 = vector.broadcast %and3A_429 : i32 to vector<16xi32>
        %and3A_431 = arith.andi %get3A_419, %and3A_430 : vector<16xi32>
        %swap3A_432 = arith.constant 0 : i32
        %swap3A_433 = arith.index_cast %swap3A_432 : i32 to index
        %swap3A_434 = arith.constant 0 : index
        %swap3A_435 = tpu.vector_load %arg10[%swap3A_433, %swap3A_434] {strides = array<i32>} : memref<2x128xi32, #tpu.memory_space<vmem>>, vector<1x16xi32>,
        %swap3A_436 = vector.shape_cast %swap3A_435 : vector<1x16xi32> to vector<16xi32>
        %swap3A_437 = vector.shape_cast %and3A_431 : vector<16xi32> to vector<1x16xi32>
        tpu.vector_store %arg10[%swap3A_433, %swap3A_434], %swap3A_437 {strides = array<i32>} : memref<2x128xi32, #tpu.memory_space<vmem>>, vector<1x16xi32>,
        %get3A_438 = arith.index_cast %add3A_415 : i32 to index
        %get3A_439 = arith.constant 16 : index
        %get3A_440 = tpu.vector_load %arg8[%get3A_438, %get3A_439] {strides = array<i32>} : memref<80x128xi32, #tpu.memory_space<vmem>>, vector<1x16xi32>,
        %get3A_441 = vector.shape_cast %get3A_440 : vector<1x16xi32> to vector<16xi32>
        %shift_right_logical3A_442 = arith.constant 14 : i32
        %shift_right_logical3A_443 = vector.broadcast %shift_right_logical3A_442 : i32 to vector<16xi32>
        %shift_right_logical3A_444 = arith.shrui %get3A_441, %shift_right_logical3A_443 : vector<16xi32>
        %swap3A_445 = arith.constant 0 : i32
        %swap3A_446 = arith.index_cast %swap3A_445 : i32 to index
        %swap3A_447 = arith.constant 16 : index
        %swap3A_448 = tpu.vector_load %arg9[%swap3A_446, %swap3A_447] {strides = array<i32>} : memref<2x128xi32, #tpu.memory_space<vmem>>, vector<1x16xi32>,
        %swap3A_449 = vector.shape_cast %swap3A_448 : vector<1x16xi32> to vector<16xi32>
        %swap3A_450 = vector.shape_cast %shift_right_logical3A_444 : vector<16xi32> to vector<1x16xi32>
        tpu.vector_store %arg9[%swap3A_446, %swap3A_447], %swap3A_450 {strides = array<i32>} : memref<2x128xi32, #tpu.memory_space<vmem>>, vector<1x16xi32>,
        %and3A_451 = arith.constant 16383 : i32
        %and3A_452 = vector.broadcast %and3A_451 : i32 to vector<16xi32>
        %and3A_453 = arith.andi %get3A_441, %and3A_452 : vector<16xi32>
        %swap3A_454 = arith.constant 0 : i32
        %swap3A_455 = arith.index_cast %swap3A_454 : i32 to index
        %swap3A_456 = arith.constant 16 : index
        %swap3A_457 = tpu.vector_load %arg10[%swap3A_455, %swap3A_456] {strides = array<i32>} : memref<2x128xi32, #tpu.memory_space<vmem>>, vector<1x16xi32>,
        %swap3A_458 = vector.shape_cast %swap3A_457 : vector<1x16xi32> to vector<16xi32>
        %swap3A_459 = vector.shape_cast %and3A_453 : vector<16xi32> to vector<1x16xi32>
        tpu.vector_store %arg10[%swap3A_455, %swap3A_456], %swap3A_459 {strides = array<i32>} : memref<2x128xi32, #tpu.memory_space<vmem>>, vector<1x16xi32>,
        %get3A_460 = arith.index_cast %add3A_415 : i32 to index
        %get3A_461 = arith.constant 32 : index
        %get3A_462 = tpu.vector_load %arg8[%get3A_460, %get3A_461] {strides = array<i32>} : memref<80x128xi32, #tpu.memory_space<vmem>>, vector<1x16xi32>,
        %get3A_463 = vector.shape_cast %get3A_462 : vector<1x16xi32> to vector<16xi32>
        %shift_right_logical3A_464 = arith.constant 14 : i32
        %shift_right_logical3A_465 = vector.broadcast %shift_right_logical3A_464 : i32 to vector<16xi32>
        %shift_right_logical3A_466 = arith.shrui %get3A_463, %shift_right_logical3A_465 : vector<16xi32>
        %swap3A_467 = arith.constant 0 : i32
        %swap3A_468 = arith.index_cast %swap3A_467 : i32 to index
        %swap3A_469 = arith.constant 32 : index
        %swap3A_470 = tpu.vector_load %arg9[%swap3A_468, %swap3A_469] {strides = array<i32>} : memref<2x128xi32, #tpu.memory_space<vmem>>, vector<1x16xi32>,
        %swap3A_471 = vector.shape_cast %swap3A_470 : vector<1x16xi32> to vector<16xi32>
        %swap3A_472 = vector.shape_cast %shift_right_logical3A_466 : vector<16xi32> to vector<1x16xi32>
        tpu.vector_store %arg9[%swap3A_468, %swap3A_469], %swap3A_472 {strides = array<i32>} : memref<2x128xi32, #tpu.memory_space<vmem>>, vector<1x16xi32>,
        %and3A_473 = arith.constant 16383 : i32
        %and3A_474 = vector.broadcast %and3A_473 : i32 to vector<16xi32>
        %and3A_475 = arith.andi %get3A_463, %and3A_474 : vector<16xi32>
        %swap3A_476 = arith.constant 0 : i32
        %swap3A_477 = arith.index_cast %swap3A_476 : i32 to index
        %swap3A_478 = arith.constant 32 : index
        %swap3A_479 = tpu.vector_load %arg10[%swap3A_477, %swap3A_478] {strides = array<i32>} : memref<2x128xi32, #tpu.memory_space<vmem>>, vector<1x16xi32>,
        %swap3A_480 = vector.shape_cast %swap3A_479 : vector<1x16xi32> to vector<16xi32>
        %swap3A_481 = vector.shape_cast %and3A_475 : vector<16xi32> to vector<1x16xi32>
        tpu.vector_store %arg10[%swap3A_477, %swap3A_478], %swap3A_481 {strides = array<i32>} : memref<2x128xi32, #tpu.memory_space<vmem>>, vector<1x16xi32>,
        %get3A_482 = arith.index_cast %add3A_415 : i32 to index
        %get3A_483 = arith.constant 48 : index
        %get3A_484 = tpu.vector_load %arg8[%get3A_482, %get3A_483] {strides = array<i32>} : memref<80x128xi32, #tpu.memory_space<vmem>>, vector<1x16xi32>,
        %get3A_485 = vector.shape_cast %get3A_484 : vector<1x16xi32> to vector<16xi32>
        %shift_right_logical3A_486 = arith.constant 14 : i32
        %shift_right_logical3A_487 = vector.broadcast %shift_right_logical3A_486 : i32 to vector<16xi32>
        %shift_right_logical3A_488 = arith.shrui %get3A_485, %shift_right_logical3A_487 : vector<16xi32>
        %swap3A_489 = arith.constant 0 : i32
        %swap3A_490 = arith.index_cast %swap3A_489 : i32 to index
        %swap3A_491 = arith.constant 48 : index
        %swap3A_492 = tpu.vector_load %arg9[%swap3A_490, %swap3A_491] {strides = array<i32>} : memref<2x128xi32, #tpu.memory_space<vmem>>, vector<1x16xi32>,
        %swap3A_493 = vector.shape_cast %swap3A_492 : vector<1x16xi32> to vector<16xi32>
        %swap3A_494 = vector.shape_cast %shift_right_logical3A_488 : vector<16xi32> to vector<1x16xi32>
        tpu.vector_store %arg9[%swap3A_490, %swap3A_491], %swap3A_494 {strides = array<i32>} : memref<2x128xi32, #tpu.memory_space<vmem>>, vector<1x16xi32>,
        %and3A_495 = arith.constant 16383 : i32
        %and3A_496 = vector.broadcast %and3A_495 : i32 to vector<16xi32>
        %and3A_497 = arith.andi %get3A_485, %and3A_496 : vector<16xi32>
        %swap3A_498 = arith.constant 0 : i32
        %swap3A_499 = arith.index_cast %swap3A_498 : i32 to index
        %swap3A_500 = arith.constant 48 : index
        %swap3A_501 = tpu.vector_load %arg10[%swap3A_499, %swap3A_500] {strides = array<i32>} : memref<2x128xi32, #tpu.memory_space<vmem>>, vector<1x16xi32>,
        %swap3A_502 = vector.shape_cast %swap3A_501 : vector<1x16xi32> to vector<16xi32>
        %swap3A_503 = vector.shape_cast %and3A_497 : vector<16xi32> to vector<1x16xi32>
        tpu.vector_store %arg10[%swap3A_499, %swap3A_500], %swap3A_503 {strides = array<i32>} : memref<2x128xi32, #tpu.memory_space<vmem>>, vector<1x16xi32>,
        %get3A_504 = arith.index_cast %add3A_415 : i32 to index
        %get3A_505 = arith.constant 64 : index
        %get3A_506 = tpu.vector_load %arg8[%get3A_504, %get3A_505] {strides = array<i32>} : memref<80x128xi32, #tpu.memory_space<vmem>>, vector<1x16xi32>,
        %get3A_507 = vector.shape_cast %get3A_506 : vector<1x16xi32> to vector<16xi32>
        %shift_right_logical3A_508 = arith.constant 14 : i32
        %shift_right_logical3A_509 = vector.broadcast %shift_right_logical3A_508 : i32 to vector<16xi32>
        %shift_right_logical3A_510 = arith.shrui %get3A_507, %shift_right_logical3A_509 : vector<16xi32>
        %swap3A_511 = arith.constant 0 : i32
        %swap3A_512 = arith.index_cast %swap3A_511 : i32 to index
        %swap3A_513 = arith.constant 64 : index
        %swap3A_514 = tpu.vector_load %arg9[%swap3A_512, %swap3A_513] {strides = array<i32>} : memref<2x128xi32, #tpu.memory_space<vmem>>, vector<1x16xi32>,
        %swap3A_515 = vector.shape_cast %swap3A_514 : vector<1x16xi32> to vector<16xi32>
        %swap3A_516 = vector.shape_cast %shift_right_logical3A_510 : vector<16xi32> to vector<1x16xi32>
        tpu.vector_store %arg9[%swap3A_512, %swap3A_513], %swap3A_516 {strides = array<i32>} : memref<2x128xi32, #tpu.memory_space<vmem>>, vector<1x16xi32>,
        %and3A_517 = arith.constant 16383 : i32
        %and3A_518 = vector.broadcast %and3A_517 : i32 to vector<16xi32>
        %and3A_519 = arith.andi %get3A_507, %and3A_518 : vector<16xi32>
        %swap3A_520 = arith.constant 0 : i32
        %swap3A_521 = arith.index_cast %swap3A_520 : i32 to index
        %swap3A_522 = arith.constant 64 : index
        %swap3A_523 = tpu.vector_load %arg10[%swap3A_521, %swap3A_522] {strides = array<i32>} : memref<2x128xi32, #tpu.memory_space<vmem>>, vector<1x16xi32>,
        %swap3A_524 = vector.shape_cast %swap3A_523 : vector<1x16xi32> to vector<16xi32>
        %swap3A_525 = vector.shape_cast %and3A_519 : vector<16xi32> to vector<1x16xi32>
        tpu.vector_store %arg10[%swap3A_521, %swap3A_522], %swap3A_525 {strides = array<i32>} : memref<2x128xi32, #tpu.memory_space<vmem>>, vector<1x16xi32>,
        %get3A_526 = arith.index_cast %add3A_415 : i32 to index
        %get3A_527 = arith.constant 80 : index
        %get3A_528 = tpu.vector_load %arg8[%get3A_526, %get3A_527] {strides = array<i32>} : memref<80x128xi32, #tpu.memory_space<vmem>>, vector<1x16xi32>,
        %get3A_529 = vector.shape_cast %get3A_528 : vector<1x16xi32> to vector<16xi32>
        %shift_right_logical3A_530 = arith.constant 14 : i32
        %shift_right_logical3A_531 = vector.broadcast %shift_right_logical3A_530 : i32 to vector<16xi32>
        %shift_right_logical3A_532 = arith.shrui %get3A_529, %shift_right_logical3A_531 : vector<16xi32>
        %swap3A_533 = arith.constant 0 : i32
        %swap3A_534 = arith.index_cast %swap3A_533 : i32 to index
        %swap3A_535 = arith.constant 80 : index
        %swap3A_536 = tpu.vector_load %arg9[%swap3A_534, %swap3A_535] {strides = array<i32>} : memref<2x128xi32, #tpu.memory_space<vmem>>, vector<1x16xi32>,
        %swap3A_537 = vector.shape_cast %swap3A_536 : vector<1x16xi32> to vector<16xi32>
        %swap3A_538 = vector.shape_cast %shift_right_logical3A_532 : vector<16xi32> to vector<1x16xi32>
        tpu.vector_store %arg9[%swap3A_534, %swap3A_535], %swap3A_538 {strides = array<i32>} : memref<2x128xi32, #tpu.memory_space<vmem>>, vector<1x16xi32>,
        %and3A_539 = arith.constant 16383 : i32
        %and3A_540 = vector.broadcast %and3A_539 : i32 to vector<16xi32>
        %and3A_541 = arith.andi %get3A_529, %and3A_540 : vector<16xi32>
        %swap3A_542 = arith.constant 0 : i32
        %swap3A_543 = arith.index_cast %swap3A_542 : i32 to index
        %swap3A_544 = arith.constant 80 : index
        %swap3A_545 = tpu.vector_load %arg10[%swap3A_543, %swap3A_544] {strides = array<i32>} : memref<2x128xi32, #tpu.memory_space<vmem>>, vector<1x16xi32>,
        %swap3A_546 = vector.shape_cast %swap3A_545 : vector<1x16xi32> to vector<16xi32>
        %swap3A_547 = vector.shape_cast %and3A_541 : vector<16xi32> to vector<1x16xi32>
        tpu.vector_store %arg10[%swap3A_543, %swap3A_544], %swap3A_547 {strides = array<i32>} : memref<2x128xi32, #tpu.memory_space<vmem>>, vector<1x16xi32>,
        %get3A_548 = arith.index_cast %add3A_415 : i32 to index
        %get3A_549 = arith.constant 96 : index
        %get3A_550 = tpu.vector_load %arg8[%get3A_548, %get3A_549] {strides = array<i32>} : memref<80x128xi32, #tpu.memory_space<vmem>>, vector<1x16xi32>,
        %get3A_551 = vector.shape_cast %get3A_550 : vector<1x16xi32> to vector<16xi32>
        %shift_right_logical3A_552 = arith.constant 14 : i32
        %shift_right_logical3A_553 = vector.broadcast %shift_right_logical3A_552 : i32 to vector<16xi32>
        %shift_right_logical3A_554 = arith.shrui %get3A_551, %shift_right_logical3A_553 : vector<16xi32>
        %swap3A_555 = arith.constant 0 : i32
        %swap3A_556 = arith.index_cast %swap3A_555 : i32 to index
        %swap3A_557 = arith.constant 96 : index
        %swap3A_558 = tpu.vector_load %arg9[%swap3A_556, %swap3A_557] {strides = array<i32>} : memref<2x128xi32, #tpu.memory_space<vmem>>, vector<1x16xi32>,
        %swap3A_559 = vector.shape_cast %swap3A_558 : vector<1x16xi32> to vector<16xi32>
        %swap3A_560 = vector.shape_cast %shift_right_logical3A_554 : vector<16xi32> to vector<1x16xi32>
        tpu.vector_store %arg9[%swap3A_556, %swap3A_557], %swap3A_560 {strides = array<i32>} : memref<2x128xi32, #tpu.memory_space<vmem>>, vector<1x16xi32>,
        %and3A_561 = arith.constant 16383 : i32
        %and3A_562 = vector.broadcast %and3A_561 : i32 to vector<16xi32>
        %and3A_563 = arith.andi %get3A_551, %and3A_562 : vector<16xi32>
        %swap3A_564 = arith.constant 0 : i32
        %swap3A_565 = arith.index_cast %swap3A_564 : i32 to index
        %swap3A_566 = arith.constant 96 : index
        %swap3A_567 = tpu.vector_load %arg10[%swap3A_565, %swap3A_566] {strides = array<i32>} : memref<2x128xi32, #tpu.memory_space<vmem>>, vector<1x16xi32>,
        %swap3A_568 = vector.shape_cast %swap3A_567 : vector<1x16xi32> to vector<16xi32>
        %swap3A_569 = vector.shape_cast %and3A_563 : vector<16xi32> to vector<1x16xi32>
        tpu.vector_store %arg10[%swap3A_565, %swap3A_566], %swap3A_569 {strides = array<i32>} : memref<2x128xi32, #tpu.memory_space<vmem>>, vector<1x16xi32>,
        %get3A_570 = arith.index_cast %add3A_415 : i32 to index
        %get3A_571 = arith.constant 112 : index
        %get3A_572 = tpu.vector_load %arg8[%get3A_570, %get3A_571] {strides = array<i32>} : memref<80x128xi32, #tpu.memory_space<vmem>>, vector<1x16xi32>,
        %get3A_573 = vector.shape_cast %get3A_572 : vector<1x16xi32> to vector<16xi32>
        %shift_right_logical3A_574 = arith.constant 14 : i32
        %shift_right_logical3A_575 = vector.broadcast %shift_right_logical3A_574 : i32 to vector<16xi32>
        %shift_right_logical3A_576 = arith.shrui %get3A_573, %shift_right_logical3A_575 : vector<16xi32>
        %swap3A_577 = arith.constant 0 : i32
        %swap3A_578 = arith.index_cast %swap3A_577 : i32 to index
        %swap3A_579 = arith.constant 112 : index
        %swap3A_580 = tpu.vector_load %arg9[%swap3A_578, %swap3A_579] {strides = array<i32>} : memref<2x128xi32, #tpu.memory_space<vmem>>, vector<1x16xi32>,
        %swap3A_581 = vector.shape_cast %swap3A_580 : vector<1x16xi32> to vector<16xi32>
        %swap3A_582 = vector.shape_cast %shift_right_logical3A_576 : vector<16xi32> to vector<1x16xi32>
        tpu.vector_store %arg9[%swap3A_578, %swap3A_579], %swap3A_582 {strides = array<i32>} : memref<2x128xi32, #tpu.memory_space<vmem>>, vector<1x16xi32>,
        %and3A_583 = arith.constant 16383 : i32
        %and3A_584 = vector.broadcast %and3A_583 : i32 to vector<16xi32>
        %and3A_585 = arith.andi %get3A_573, %and3A_584 : vector<16xi32>
        %swap3A_586 = arith.constant 0 : i32
        %swap3A_587 = arith.index_cast %swap3A_586 : i32 to index
        %swap3A_588 = arith.constant 112 : index
        %swap3A_589 = tpu.vector_load %arg10[%swap3A_587, %swap3A_588] {strides = array<i32>} : memref<2x128xi32, #tpu.memory_space<vmem>>, vector<1x16xi32>,
        %swap3A_590 = vector.shape_cast %swap3A_589 : vector<1x16xi32> to vector<16xi32>
        %swap3A_591 = vector.shape_cast %and3A_585 : vector<16xi32> to vector<1x16xi32>
        tpu.vector_store %arg10[%swap3A_587, %swap3A_588], %swap3A_591 {strides = array<i32>} : memref<2x128xi32, #tpu.memory_space<vmem>>, vector<1x16xi32>,
      } else {
      }
      %dma_wait3A_401 = arith.constant 1 : i32
      %dma_wait3A_402 = arith.constant 0 : i32
      %dma_wait3A_403 = tpu.memref_slice %arg9[%dma_wait3A_401, %dma_wait3A_402] : memref<2x128xi32, #tpu.memory_space<vmem>> -> memref<1x128xi32, #tpu.memory_space<vmem>>
      %dma_wait3A_404 = tpu.memref_squeeze %dma_wait3A_403 : memref<1x128xi32, #tpu.memory_space<vmem>> -> memref<128xi32, #tpu.memory_space<vmem>>
      %dma_wait3A_405 = arith.constant 0 : i32
      %dma_wait3A_406 = arith.constant 0 : i32
      %dma_wait3A_407 = tpu.memref_slice %arg2[%dma_wait3A_405, %dma_wait3A_406] : memref<10000x128xf32, #tpu.memory_space<hbm>> -> memref<10000x128xf32, #tpu.memory_space<hbm>>
      tpu.wait_indirect_dma semaphore(%arg17 : memref<!tpu.dma_semaphore, #tpu.memory_space<semaphore_mem>>) src(%dma_wait3A_407 : memref<10000x128xf32, #tpu.memory_space<hbm>>) dst(%arg12 : memref<128x128xf32, #tpu.memory_space<vmem>>)
      %lt3A_408 = arith.constant 39 : i32
      %lt3A_409 = arith.cmpi slt, %scan3A_205, %lt3A_408 : i32
      %convert_element_type3A_410 = arith.extui %lt3A_409 : i1 to i32
      %cond3A_411 = arith.constant 0 : i32
      %cond3A_412 = arith.cmpi ne, %convert_element_type3A_410, %cond3A_411 : i32
      scf.if %cond3A_412 {
        %dma_start3A_414 = arith.constant 0 : i32
        %dma_start3A_415 = arith.constant 0 : i32
        %dma_start3A_416 = tpu.memref_slice %arg9[%dma_start3A_414, %dma_start3A_415] : memref<2x128xi32, #tpu.memory_space<vmem>> -> memref<1x128xi32, #tpu.memory_space<vmem>>
        %dma_start3A_417 = tpu.memref_squeeze %dma_start3A_416 : memref<1x128xi32, #tpu.memory_space<vmem>> -> memref<128xi32, #tpu.memory_space<vmem>>
        %dma_start3A_418 = arith.constant 0 : i32
        %dma_start3A_419 = arith.constant 0 : i32
        %dma_start3A_420 = tpu.memref_slice %arg2[%dma_start3A_418, %dma_start3A_419] : memref<10000x128xf32, #tpu.memory_space<hbm>> -> memref<10000x128xf32, #tpu.memory_space<hbm>>
        tpu.enqueue_indirect_dma source(%dma_start3A_420 : memref<10000x128xf32, #tpu.memory_space<hbm>>) target(%arg11 : memref<128x128xf32, #tpu.memory_space<vmem>>) offsets(%dma_start3A_417 : memref<128xi32, #tpu.memory_space<vmem>>) semaphore(%arg16 : memref<!tpu.dma_semaphore, #tpu.memory_space<semaphore_mem>>)
      } else {
      }
      %run_scoped3A_413 = arith.constant 1 : i32
      "tpu.region"() ({
        %run_scoped3A_414 = tpu.sem_alloc : memref<!tpu.dma_semaphore, #tpu.memory_space<semaphore_mem>>
        %dma_start3A_415 = arith.constant 0 : i32
        %dma_start3A_416 = tpu.memref_slice %arg10[%run_scoped3A_413, %dma_start3A_415] : memref<2x128xi32, #tpu.memory_space<vmem>> -> memref<1x128xi32, #tpu.memory_space<vmem>>
        %dma_start3A_417 = tpu.memref_squeeze %dma_start3A_416 : memref<1x128xi32, #tpu.memory_space<vmem>> -> memref<128xi32, #tpu.memory_space<vmem>>
        %dma_start3A_418 = arith.constant 0 : i32
        %dma_start3A_419 = arith.constant 0 : i32
        %dma_start3A_420 = tpu.memref_slice %arg14[%dma_start3A_418, %dma_start3A_419] : memref<10240x128xf32, #tpu.memory_space<vmem_shared>> -> memref<10240x128xf32, #tpu.memory_space<vmem_shared>>
        tpu.enqueue_indirect_dma source(%arg12 : memref<128x128xf32, #tpu.memory_space<vmem>>) target(%dma_start3A_420 : memref<10240x128xf32, #tpu.memory_space<vmem_shared>>) offsets(%dma_start3A_417 : memref<128xi32, #tpu.memory_space<vmem>>) semaphore(%run_scoped3A_414 : memref<!tpu.dma_semaphore, #tpu.memory_space<semaphore_mem>>) {add = true}
        %dma_wait3A_421 = arith.constant 0 : i32
        %dma_wait3A_422 = tpu.memref_slice %arg10[%run_scoped3A_413, %dma_wait3A_421] : memref<2x128xi32, #tpu.memory_space<vmem>> -> memref<1x128xi32, #tpu.memory_space<vmem>>
        %dma_wait3A_423 = tpu.memref_squeeze %dma_wait3A_422 : memref<1x128xi32, #tpu.memory_space<vmem>> -> memref<128xi32, #tpu.memory_space<vmem>>
        %dma_wait3A_424 = arith.constant 0 : i32
        %dma_wait3A_425 = arith.constant 0 : i32
        %dma_wait3A_426 = tpu.memref_slice %arg14[%dma_wait3A_424, %dma_wait3A_425] : memref<10240x128xf32, #tpu.memory_space<vmem_shared>> -> memref<10240x128xf32, #tpu.memory_space<vmem_shared>>
        tpu.wait_indirect_dma semaphore(%run_scoped3A_414 : memref<!tpu.dma_semaphore, #tpu.memory_space<semaphore_mem>>) src(%arg12 : memref<128x128xf32, #tpu.memory_space<vmem>>) dst(%dma_wait3A_426 : memref<10240x128xf32, #tpu.memory_space<vmem_shared>>)
        tpu.yield
      }) : () -> ()
    }
    %scan3A_203 = arith.constant 40 : i32
    %barrier3A_204 = arith.constant 0 : index
    tpu.barrier barrier_id(%barrier3A_204)
    "tpu.region"() ({
      %run_scoped3A = tpu.sem_alloc : memref<!tpu.dma_semaphore, #tpu.memory_space<semaphore_mem>>
      %dma_start3A_205 = arith.constant 0 : i32
      %dma_start3A_206 = tpu.memref_slice %arg6[%arg0, %mul3A_2, %dma_start3A_205] : memref<2x10240x128xf32, #tpu.memory_space<hbm>> -> memref<1x640x128xf32, #tpu.memory_space<hbm>>
      %dma_start3A_207 = tpu.memref_squeeze %dma_start3A_206 : memref<1x640x128xf32, #tpu.memory_space<hbm>> -> memref<640x128xf32, #tpu.memory_space<hbm>>
      %dma_start3A_208 = arith.constant 0 : i32
      %dma_start3A_209 = tpu.memref_slice %arg14[%mul3A_2, %dma_start3A_208] : memref<10240x128xf32, #tpu.memory_space<vmem_shared>> -> memref<640x128xf32, #tpu.memory_space<vmem_shared>>
      tpu.enqueue_dma source(%dma_start3A_209 : memref<640x128xf32, #tpu.memory_space<vmem_shared>>) target(%dma_start3A_207 : memref<640x128xf32, #tpu.memory_space<hbm>>) target_semaphore(%run_scoped3A : memref<!tpu.dma_semaphore, #tpu.memory_space<semaphore_mem>>)
      %dma_wait3A = arith.constant 0 : i32
      %dma_wait3A_210 = tpu.memref_slice %arg6[%arg0, %mul3A_2, %dma_wait3A] : memref<2x10240x128xf32, #tpu.memory_space<hbm>> -> memref<1x640x128xf32, #tpu.memory_space<hbm>>
      %dma_wait3A_211 = tpu.memref_squeeze %dma_wait3A_210 : memref<1x640x128xf32, #tpu.memory_space<hbm>> -> memref<640x128xf32, #tpu.memory_space<hbm>>
      %dma_wait3A_212 = arith.constant 0 : i32
      %dma_wait3A_213 = tpu.memref_slice %arg14[%mul3A_2, %dma_wait3A_212] : memref<10240x128xf32, #tpu.memory_space<vmem_shared>> -> memref<640x128xf32, #tpu.memory_space<vmem_shared>>
      tpu.wait_dma2 semaphore(%run_scoped3A : memref<!tpu.dma_semaphore, #tpu.memory_space<semaphore_mem>>) src(%dma_wait3A_213 : memref<640x128xf32, #tpu.memory_space<vmem_shared>>) dst(%dma_wait3A_211 : memref<640x128xf32, #tpu.memory_space<hbm>>)
      tpu.yield
    }) : () -> ()
    return
  }
}

module attributes {stable_mosaic.version = 14 : i64} {
  func.func @_tc_dense_body(%arg0: memref<10000x128xf32, #tpu.memory_space<vmem>>, %arg1: memref<10000x128xf32, #tpu.memory_space<vmem>>, %arg2: memref<10000x128xf32, #tpu.memory_space<vmem>>, %arg3: memref<10000x1xf32, #tpu.memory_space<vmem>>, %arg4: memref<10000x1xf32, #tpu.memory_space<vmem>>, %arg5: memref<256x128xf32, #tpu.memory_space<vmem>>, %arg6: memref<1x128xf32, #tpu.memory_space<vmem>>, %arg7: memref<1x128xf32, #tpu.memory_space<vmem>>, %arg8: memref<1x128xf32, #tpu.memory_space<vmem>>, %arg9: memref<10000x128xf32, #tpu.memory_space<vmem>>) attributes {dimension_semantics = [], scalar_prefetch = 0 : i64, scratch_operands = 0 : i64, tpu.core_type = #tpu.core_type<tc>} {
    %get3A = arith.constant 0 : index
    %get3A_0 = arith.constant 0 : index
    %get3A_1 = vector.load %arg1[%get3A, %get3A_0] : memref<10000x128xf32, #tpu.memory_space<vmem>>, vector<10000x128xf32>
    %get3A_2 = arith.constant 0 : index
    %get3A_3 = arith.constant 0 : index
    %get3A_4 = vector.load %arg2[%get3A_2, %get3A_3] : memref<10000x128xf32, #tpu.memory_space<vmem>>, vector<10000x128xf32>
    %add3A = arith.addf %get3A_1, %get3A_4 : vector<10000x128xf32>
    %get3A_5 = arith.constant 0 : index
    %get3A_6 = arith.constant 0 : index
    %get3A_7 = vector.load %arg3[%get3A_5, %get3A_6] : memref<10000x1xf32, #tpu.memory_space<vmem>>, vector<10000x1xf32>
    %get3A_8 = arith.constant 0 : index
    %get3A_9 = arith.constant 0 : index
    %get3A_10 = vector.load %arg4[%get3A_8, %get3A_9] : memref<10000x1xf32, #tpu.memory_space<vmem>>, vector<10000x1xf32>
    %add3A_11 = arith.addf %get3A_7, %get3A_10 : vector<10000x1xf32>
    %max3A = arith.constant 1.000000e+00 : f32
    %max3A_12 = vector.broadcast %max3A : f32 to vector<10000x1xf32>
    %max3A_13 = arith.maximumf %add3A_11, %max3A_12 : vector<10000x1xf32>
    %div3A = vector.broadcast %max3A_13 : vector<10000x1xf32> to vector<10000x128xf32>
    %div3A_14 = arith.divf %add3A, %div3A : vector<10000x128xf32>
    %get3A_15 = arith.constant 0 : index
    %get3A_16 = arith.constant 0 : index
    %get3A_17 = vector.load %arg0[%get3A_15, %get3A_16] : memref<10000x128xf32, #tpu.memory_space<vmem>>, vector<10000x128xf32>
    %get3A_18 = arith.constant 0 : index
    %get3A_19 = arith.constant 0 : index
    %get3A_20 = vector.load %arg5[%get3A_18, %get3A_19] : memref<256x128xf32, #tpu.memory_space<vmem>>, vector<128x128xf32>
    %dot_general3A = arith.constant dense<0.000000e+00> : vector<10000x128xf32>
    %dot_general3A_21 = tpu.matmul %get3A_17, %get3A_20, %dot_general3A {dimension_numbers = #tpu.dot_dimension_numbers<[1], [0], [0], [1], [0, 0, 1, 1], [], []>, transpose_lhs_hint = false} : vector<10000x128xf32>, vector<128x128xf32>, vector<10000x128xf32> -> vector<10000x128xf32>
    %get3A_22 = arith.constant 128 : index
    %get3A_23 = arith.constant 0 : index
    %get3A_24 = vector.load %arg5[%get3A_22, %get3A_23] : memref<256x128xf32, #tpu.memory_space<vmem>>, vector<128x128xf32>
    %dot_general3A_25 = arith.constant dense<0.000000e+00> : vector<10000x128xf32>
    %dot_general3A_26 = tpu.matmul %div3A_14, %get3A_24, %dot_general3A_25 {dimension_numbers = #tpu.dot_dimension_numbers<[1], [0], [0], [1], [0, 0, 1, 1], [], []>, transpose_lhs_hint = false} : vector<10000x128xf32>, vector<128x128xf32>, vector<10000x128xf32> -> vector<10000x128xf32>
    %add3A_27 = arith.addf %dot_general3A_21, %dot_general3A_26 : vector<10000x128xf32>
    %get3A_28 = arith.constant 0 : index
    %get3A_29 = arith.constant 0 : index
    %get3A_30 = vector.load %arg6[%get3A_28, %get3A_29] : memref<1x128xf32, #tpu.memory_space<vmem>>, vector<1x128xf32>
    %add3A_31 = vector.broadcast %get3A_30 : vector<1x128xf32> to vector<10000x128xf32>
    %add3A_32 = arith.addf %add3A_27, %add3A_31 : vector<10000x128xf32>
    %max3A_33 = arith.constant 0.000000e+00 : f32
    %max3A_34 = vector.broadcast %max3A_33 : f32 to vector<10000x128xf32>
    %max3A_35 = arith.maximumf %add3A_32, %max3A_34 : vector<10000x128xf32>
    %reduce_sum3A = arith.constant dense<0.000000e+00> : vector<128xf32>
    %reduce_sum3A_36 = vector.multi_reduction <add>, %max3A_35, %reduce_sum3A [0] : vector<10000x128xf32> to vector<128xf32>
    %broadcast_in_dim3A = vector.shape_cast %reduce_sum3A_36 : vector<128xf32> to vector<1x128xf32>
    %div3A_37 = arith.constant 1.000000e+04 : f32
    %div3A_38 = vector.broadcast %div3A_37 : f32 to vector<1x128xf32>
    %div3A_39 = arith.divf %broadcast_in_dim3A, %div3A_38 : vector<1x128xf32>
    %sub3A = vector.broadcast %div3A_39 : vector<1x128xf32> to vector<10000x128xf32>
    %sub3A_40 = arith.subf %max3A_35, %sub3A : vector<10000x128xf32>
    %mul3A = arith.mulf %sub3A_40, %sub3A_40 : vector<10000x128xf32>
    %reduce_sum3A_41 = arith.constant dense<0.000000e+00> : vector<128xf32>
    %reduce_sum3A_42 = vector.multi_reduction <add>, %mul3A, %reduce_sum3A_41 [0] : vector<10000x128xf32> to vector<128xf32>
    %broadcast_in_dim3A_43 = vector.shape_cast %reduce_sum3A_42 : vector<128xf32> to vector<1x128xf32>
    %div3A_44 = arith.constant 1.000000e+04 : f32
    %div3A_45 = vector.broadcast %div3A_44 : f32 to vector<1x128xf32>
    %div3A_46 = arith.divf %broadcast_in_dim3A_43, %div3A_45 : vector<1x128xf32>
    %add3A_47 = arith.constant 9.99999974E-6 : f32
    %add3A_48 = vector.broadcast %add3A_47 : f32 to vector<1x128xf32>
    %add3A_49 = arith.addf %div3A_46, %add3A_48 : vector<1x128xf32>
    %rsqrt3A = math.rsqrt %add3A_49 : vector<1x128xf32>
    %mul3A_50 = vector.broadcast %rsqrt3A : vector<1x128xf32> to vector<10000x128xf32>
    %mul3A_51 = arith.mulf %sub3A_40, %mul3A_50 : vector<10000x128xf32>
    %get3A_52 = arith.constant 0 : index
    %get3A_53 = arith.constant 0 : index
    %get3A_54 = vector.load %arg7[%get3A_52, %get3A_53] : memref<1x128xf32, #tpu.memory_space<vmem>>, vector<1x128xf32>
    %mul3A_55 = vector.broadcast %get3A_54 : vector<1x128xf32> to vector<10000x128xf32>
    %mul3A_56 = arith.mulf %mul3A_51, %mul3A_55 : vector<10000x128xf32>
    %get3A_57 = arith.constant 0 : index
    %get3A_58 = arith.constant 0 : index
    %get3A_59 = vector.load %arg8[%get3A_57, %get3A_58] : memref<1x128xf32, #tpu.memory_space<vmem>>, vector<1x128xf32>
    %add3A_60 = vector.broadcast %get3A_59 : vector<1x128xf32> to vector<10000x128xf32>
    %add3A_61 = arith.addf %mul3A_56, %add3A_60 : vector<10000x128xf32>
    %mul3A_62 = arith.mulf %add3A_61, %add3A_61 : vector<10000x128xf32>
    %reduce_sum3A_63 = arith.constant dense<0.000000e+00> : vector<10000xf32>
    %reduce_sum3A_64 = vector.multi_reduction <add>, %mul3A_62, %reduce_sum3A_63 [1] : vector<10000x128xf32> to vector<10000xf32>
    %broadcast_in_dim3A_65 = vector.shape_cast %reduce_sum3A_64 : vector<10000xf32> to vector<10000x1xf32>
    %sqrt3A = math.sqrt %broadcast_in_dim3A_65 : vector<10000x1xf32>
    %add3A_66 = arith.constant 9.99999997E-7 : f32
    %add3A_67 = vector.broadcast %add3A_66 : f32 to vector<10000x1xf32>
    %add3A_68 = arith.addf %sqrt3A, %add3A_67 : vector<10000x1xf32>
    %div3A_69 = vector.broadcast %add3A_68 : vector<10000x1xf32> to vector<10000x128xf32>
    %div3A_70 = arith.divf %add3A_61, %div3A_69 : vector<10000x128xf32>
    %swap3A = arith.constant 0 : index
    %swap3A_71 = arith.constant 0 : index
    %swap3A_72 = vector.load %arg9[%swap3A, %swap3A_71] : memref<10000x128xf32, #tpu.memory_space<vmem>>, vector<10000x128xf32>
    tpu.vector_store %arg9[%swap3A, %swap3A_71], %div3A_70 {strides = array<i32>} : memref<10000x128xf32, #tpu.memory_space<vmem>>, vector<10000x128xf32>,
    return
  }
}

module attributes {stable_mosaic.version = 14 : i64} {
  func.func @_tc_dense_body(%arg0: memref<10000x128xf32, #tpu.memory_space<vmem>>, %arg1: memref<10000x128xf32, #tpu.memory_space<vmem>>, %arg2: memref<10000x128xf32, #tpu.memory_space<vmem>>, %arg3: memref<10000x1xf32, #tpu.memory_space<vmem>>, %arg4: memref<10000x1xf32, #tpu.memory_space<vmem>>, %arg5: memref<256x128xf32, #tpu.memory_space<vmem>>, %arg6: memref<1x128xf32, #tpu.memory_space<vmem>>, %arg7: memref<1x128xf32, #tpu.memory_space<vmem>>, %arg8: memref<1x128xf32, #tpu.memory_space<vmem>>, %arg9: memref<10000x128xf32, #tpu.memory_space<vmem>>) attributes {dimension_semantics = [], scalar_prefetch = 0 : i64, scratch_operands = 0 : i64, tpu.core_type = #tpu.core_type<tc>} {
    %get3A = arith.constant 0 : index
    %get3A_0 = arith.constant 0 : index
    %get3A_1 = vector.load %arg1[%get3A, %get3A_0] : memref<10000x128xf32, #tpu.memory_space<vmem>>, vector<10000x128xf32>
    %get3A_2 = arith.constant 0 : index
    %get3A_3 = arith.constant 0 : index
    %get3A_4 = vector.load %arg2[%get3A_2, %get3A_3] : memref<10000x128xf32, #tpu.memory_space<vmem>>, vector<10000x128xf32>
    %add3A = arith.addf %get3A_1, %get3A_4 : vector<10000x128xf32>
    %get3A_5 = arith.constant 0 : index
    %get3A_6 = arith.constant 0 : index
    %get3A_7 = vector.load %arg3[%get3A_5, %get3A_6] : memref<10000x1xf32, #tpu.memory_space<vmem>>, vector<10000x1xf32>
    %get3A_8 = arith.constant 0 : index
    %get3A_9 = arith.constant 0 : index
    %get3A_10 = vector.load %arg4[%get3A_8, %get3A_9] : memref<10000x1xf32, #tpu.memory_space<vmem>>, vector<10000x1xf32>
    %add3A_11 = arith.addf %get3A_7, %get3A_10 : vector<10000x1xf32>
    %max3A = arith.constant 1.000000e+00 : f32
    %max3A_12 = vector.broadcast %max3A : f32 to vector<10000x1xf32>
    %max3A_13 = arith.maximumf %add3A_11, %max3A_12 : vector<10000x1xf32>
    %div3A = vector.broadcast %max3A_13 : vector<10000x1xf32> to vector<10000x128xf32>
    %div3A_14 = arith.divf %add3A, %div3A : vector<10000x128xf32>
    %get3A_15 = arith.constant 0 : index
    %get3A_16 = arith.constant 0 : index
    %get3A_17 = vector.load %arg0[%get3A_15, %get3A_16] : memref<10000x128xf32, #tpu.memory_space<vmem>>, vector<10000x128xf32>
    %get3A_18 = arith.constant 0 : index
    %get3A_19 = arith.constant 0 : index
    %get3A_20 = vector.load %arg5[%get3A_18, %get3A_19] : memref<256x128xf32, #tpu.memory_space<vmem>>, vector<128x128xf32>
    %dot_general3A = arith.constant dense<0.000000e+00> : vector<10000x128xf32>
    %dot_general3A_21 = tpu.matmul %get3A_17, %get3A_20, %dot_general3A {dimension_numbers = #tpu.dot_dimension_numbers<[1], [0], [0], [1], [0, 0, 1, 1], [], []>, transpose_lhs_hint = false} : vector<10000x128xf32>, vector<128x128xf32>, vector<10000x128xf32> -> vector<10000x128xf32>
    %get3A_22 = arith.constant 128 : index
    %get3A_23 = arith.constant 0 : index
    %get3A_24 = vector.load %arg5[%get3A_22, %get3A_23] : memref<256x128xf32, #tpu.memory_space<vmem>>, vector<128x128xf32>
    %dot_general3A_25 = arith.constant dense<0.000000e+00> : vector<10000x128xf32>
    %dot_general3A_26 = tpu.matmul %div3A_14, %get3A_24, %dot_general3A_25 {dimension_numbers = #tpu.dot_dimension_numbers<[1], [0], [0], [1], [0, 0, 1, 1], [], []>, transpose_lhs_hint = false} : vector<10000x128xf32>, vector<128x128xf32>, vector<10000x128xf32> -> vector<10000x128xf32>
    %add3A_27 = arith.addf %dot_general3A_21, %dot_general3A_26 : vector<10000x128xf32>
    %get3A_28 = arith.constant 0 : index
    %get3A_29 = arith.constant 0 : index
    %get3A_30 = vector.load %arg6[%get3A_28, %get3A_29] : memref<1x128xf32, #tpu.memory_space<vmem>>, vector<1x128xf32>
    %add3A_31 = vector.broadcast %get3A_30 : vector<1x128xf32> to vector<10000x128xf32>
    %add3A_32 = arith.addf %add3A_27, %add3A_31 : vector<10000x128xf32>
    %max3A_33 = arith.constant 0.000000e+00 : f32
    %max3A_34 = vector.broadcast %max3A_33 : f32 to vector<10000x128xf32>
    %max3A_35 = arith.maximumf %add3A_32, %max3A_34 : vector<10000x128xf32>
    %reduce_sum3A = arith.constant dense<0.000000e+00> : vector<128xf32>
    %reduce_sum3A_36 = vector.multi_reduction <add>, %max3A_35, %reduce_sum3A [0] : vector<10000x128xf32> to vector<128xf32>
    %broadcast_in_dim3A = vector.shape_cast %reduce_sum3A_36 : vector<128xf32> to vector<1x128xf32>
    %div3A_37 = arith.constant 1.000000e+04 : f32
    %div3A_38 = vector.broadcast %div3A_37 : f32 to vector<1x128xf32>
    %div3A_39 = arith.divf %broadcast_in_dim3A, %div3A_38 : vector<1x128xf32>
    %sub3A = vector.broadcast %div3A_39 : vector<1x128xf32> to vector<10000x128xf32>
    %sub3A_40 = arith.subf %max3A_35, %sub3A : vector<10000x128xf32>
    %mul3A = arith.mulf %sub3A_40, %sub3A_40 : vector<10000x128xf32>
    %reduce_sum3A_41 = arith.constant dense<0.000000e+00> : vector<128xf32>
    %reduce_sum3A_42 = vector.multi_reduction <add>, %mul3A, %reduce_sum3A_41 [0] : vector<10000x128xf32> to vector<128xf32>
    %broadcast_in_dim3A_43 = vector.shape_cast %reduce_sum3A_42 : vector<128xf32> to vector<1x128xf32>
    %div3A_44 = arith.constant 1.000000e+04 : f32
    %div3A_45 = vector.broadcast %div3A_44 : f32 to vector<1x128xf32>
    %div3A_46 = arith.divf %broadcast_in_dim3A_43, %div3A_45 : vector<1x128xf32>
    %add3A_47 = arith.constant 9.99999974E-6 : f32
    %add3A_48 = vector.broadcast %add3A_47 : f32 to vector<1x128xf32>
    %add3A_49 = arith.addf %div3A_46, %add3A_48 : vector<1x128xf32>
    %rsqrt3A = math.rsqrt %add3A_49 : vector<1x128xf32>
    %mul3A_50 = vector.broadcast %rsqrt3A : vector<1x128xf32> to vector<10000x128xf32>
    %mul3A_51 = arith.mulf %sub3A_40, %mul3A_50 : vector<10000x128xf32>
    %get3A_52 = arith.constant 0 : index
    %get3A_53 = arith.constant 0 : index
    %get3A_54 = vector.load %arg7[%get3A_52, %get3A_53] : memref<1x128xf32, #tpu.memory_space<vmem>>, vector<1x128xf32>
    %mul3A_55 = vector.broadcast %get3A_54 : vector<1x128xf32> to vector<10000x128xf32>
    %mul3A_56 = arith.mulf %mul3A_51, %mul3A_55 : vector<10000x128xf32>
    %get3A_57 = arith.constant 0 : index
    %get3A_58 = arith.constant 0 : index
    %get3A_59 = vector.load %arg8[%get3A_57, %get3A_58] : memref<1x128xf32, #tpu.memory_space<vmem>>, vector<1x128xf32>
    %add3A_60 = vector.broadcast %get3A_59 : vector<1x128xf32> to vector<10000x128xf32>
    %add3A_61 = arith.addf %mul3A_56, %add3A_60 : vector<10000x128xf32>
    %mul3A_62 = arith.mulf %add3A_61, %add3A_61 : vector<10000x128xf32>
    %reduce_sum3A_63 = arith.constant dense<0.000000e+00> : vector<10000xf32>
    %reduce_sum3A_64 = vector.multi_reduction <add>, %mul3A_62, %reduce_sum3A_63 [1] : vector<10000x128xf32> to vector<10000xf32>
    %broadcast_in_dim3A_65 = vector.shape_cast %reduce_sum3A_64 : vector<10000xf32> to vector<10000x1xf32>
    %sqrt3A = math.sqrt %broadcast_in_dim3A_65 : vector<10000x1xf32>
    %add3A_66 = arith.constant 9.99999997E-7 : f32
    %add3A_67 = vector.broadcast %add3A_66 : f32 to vector<10000x1xf32>
    %add3A_68 = arith.addf %sqrt3A, %add3A_67 : vector<10000x1xf32>
    %div3A_69 = vector.broadcast %add3A_68 : vector<10000x1xf32> to vector<10000x128xf32>
    %div3A_70 = arith.divf %add3A_61, %div3A_69 : vector<10000x128xf32>
    %swap3A = arith.constant 0 : index
    %swap3A_71 = arith.constant 0 : index
    %swap3A_72 = vector.load %arg9[%swap3A, %swap3A_71] : memref<10000x128xf32, #tpu.memory_space<vmem>>, vector<10000x128xf32>
    tpu.vector_store %arg9[%swap3A, %swap3A_71], %div3A_70 {strides = array<i32>} : memref<10000x128xf32, #tpu.memory_space<vmem>>, vector<10000x128xf32>,
    return
  }
}

</mosaic_0001>

<sc_bundles>
// kernel: kernel.6.cloned.1.call-start
scs
__scs_entry_jumppad:
0x0: {  	(pc) =	sbr.rel $0x88, $3  }
0x1: {  	(tag) =	ssettag $0x0;
	lr =	simm.s32 $0x1  }
0x2: {  	[smem:$0x3F97] =	sst lr;
	_ =	strace $0xD0000000  }
0x3: {  	_ = 	snop  }
0x4: {  	_ = 	snop  }
0x5: {  	_ = 	snop  }
0x6: {  	_ = 	snop  }
0x7: {  	_ = 	snop  }
__scs_overlays_trampoline_lowered:
0x8: {  	[smem:$0x3FA6] =	sst s0  }
0x9: {  	[smem:$0x3FA7] =	sst s1  }
0xa: {  	[smem:$0x3FA8] =	sst s2  }
0xb: {  	[smem:$0x3FA9] =	sst s3  }
0xc: {  	[smem:$0x3FAA] =	sst s4  }
0xd: {  	[smem:$0x3FAB] =	sst s5  }
0xe: {  	[smem:$0x3FAC] =	sst s6  }
0xf: {  	[smem:$0x3FAD] =	sst s7  }
0x10: {  	[smem:$0x3FAE] =	sst s8  }
0x11: {  	[smem:$0x3FAF] =	sst s9;
	s0 =	simm.s32 @!p0 $0x0  }
0x12: {  	s1 =	sld [smem:$0x3F95];
	s0 =	simm.s32 @p0 $0x1  }
0x13: {  	[smem:$0x3FB0] =	sst s0;
	s0 =	simm.s32 @!p1 $0x0  }
0x14: {  	s2 =	sld [smem:$0x3F94];
	s0 =	simm.s32 @p1 $0x1  }
0x15: {  	[smem:$0x3FB1] =	sst s0;
	s0 =	simm.s32 @!p2 $0x0  }
0x16: {  	s3 =	sld [smem:$0x3FDB];
	s0 =	simm.s32 @p2 $0x1  }
0x17: {  	s4 =	simm.s32 $0x1BF5;
	[smem:$0x3FB3] =	sst s0  }
0x18: {  	s0 =	sld [smem:$0x3F96];
	_ =	swait.ge [sflag:s4], $0x0  }
0x19: {  	s7 =	sld [smem:$0x3F97]  }
0x1a: {  	s8 =	sadd.s32 $0xFFFFE003, lr  }
0x1b: {  	s9 =	sadd.s32 $0xFFFFFEF7, lr;
	s5 =	simm.s32 $0xFFFFFFFF;
	p2 =	slt.u32 s8, $0xFFFFF086  }
0x1c: {  	p1 =	slt.u32 s9, $0xF7A;
	s5 =	simm.s32 @!p2 $0x0  }
0x1d: {  	s5 =	simm.s32 @p1 $0x1;
	p0 =	seq.s32 s7, s2  }
0x1e: {  	s7 =	smul.u32 @!p0 $0xF7A, s2;
	p2 =	seq.s32 @!p0 s5, $0x0  }
0x1f: {  	s9 =	smul.u32 $0xF7A, s1;
	s8 =	simm.s32 @!p0 $0x1BF5;
	p2 =	por !p2, p0  }
0x20: {  	[sflag:s8] =	ssyncset.s32 @!p0 $0xFFFFF086;
	s6 =	sadd.s32 @!p0 s3, s7;
	s7 =	simm.s32 @!p0 $0x108  }
0x21: {  	s3 =	sadd.s32 s3, s9;
	s6 =	sadd.s32 @!p0 $0x88, s6;
	s7 =	simm.s32 @p2 $0x1082  }
0x22: {  	[simem:s7], [sflag:s8] =	dma.local @!p0 [hbm:s6], $0xF7A  }
0x23: {  	s9 =	sor.u32 $0xD0000000, s2;
	s6 =	simm.s32 $0x108;
	_ =	swait.ge @!p0 [sflag:s8], $0x0  }
0x24: {  	s3 =	sadd.s32 $0x88, s3;
	s6 =	simm.s32 @!p1 $0x1082;
	[sflag:s4] =	ssyncset.s32 $0xFFFFF086  }
0x25: {  	[simem:s6], [sflag:s4] =	dma.local [hbm:s3], $0xF7A  }
0x26: {  	[smem:$0x3F97] =	sst s1;
	(tag) =	ssettag s2;
	_ =	strace s9  }
0x27: {  	s1 =	sld [smem:$0x3FA7]  }
0x28: {  	s2 =	sld [smem:$0x3FA8]  }
0x29: {  	s4 =	sld [smem:$0x3FAA]  }
0x2a: {  	p0 =	seq.s32 s5, $0x0;
	s5 =	sld [smem:$0x3FAB]  }
0x2b: {  	s6 =	sld [smem:$0x3FAC]  }
0x2c: {  	s7 =	sld [smem:$0x3FAD]  }
0x2d: {  	s3 =	simm.s32 $0x108;
	s8 =	sld [smem:$0x3FAE]  }
0x2e: {  	s3 =	simm.s32 @!p0 $0x1082;
	s9 =	sld [smem:$0x3FAF]  }
0x2f: {  	lr =	sadd.s32 s0, s3;
	s0 =	sld [smem:$0x3FA6]  }
0x30: {  	s3 =	sld [smem:$0x3FA9]  }
0x31: {  	[smem:$0x3FB2] =	sst s10  }
0x32: {  	s10 =	sld [smem:$0x3FB0];
	_ =	sdelay $0x3  }
0x33: {  	p0 =	seq.s32 s10, $0x1;
	s10 =	sld [smem:$0x3FB2];
	_ =	sdelay $0x3  }
0x34: {  	[smem:$0x3FB2] =	sst s10  }
0x35: {  	s10 =	sld [smem:$0x3FB1];
	_ =	sdelay $0x3  }
0x36: {  	p1 =	seq.s32 s10, $0x1;
	s10 =	sld [smem:$0x3FB2];
	_ =	sdelay $0x3  }
0x37: {  	[smem:$0x3FB2] =	sst s10  }
0x38: {  	s10 =	sld [smem:$0x3FB3]  }
0x39: {  	_ = 	snop;
	(pc) =	sbr.ind lr, $3  }
0x3a: {  	_ = 	snop  }
0x3b: {  	_ = 	snop  }
0x3c: {  	p2 =	seq.s32 s10, $0x1;
	s10 =	sld [smem:$0x3FB2]  }
0x3d: {  	_ =	shalt  }
0x3e: {  	_ =	shalt  }
0x3f: {  	_ =	shalt  }
0x40: {  	_ =	shalt  }
0x41: {  	_ =	shalt  }
0x42: {  	_ =	shalt  }
0x43: {  	_ =	shalt  }
0x44: {  	_ =	shalt  }
0x45: {  	_ =	shalt  }
0x46: {  	_ =	shalt  }
0x47: {  	_ =	shalt  }
0x48: {  	_ =	shalt  }
0x49: {  	_ =	shalt  }
0x4a: {  	_ =	shalt  }
0x4b: {  	_ =	shalt  }
0x4c: {  	_ =	shalt  }
0x4d: {  	_ =	shalt  }
0x4e: {  	_ =	shalt  }
0x4f: {  	_ =	shalt  }
0x50: {  	_ =	shalt  }
0x51: {  	_ =	shalt  }
0x52: {  	_ =	shalt  }
0x53: {  	_ =	shalt  }
0x54: {  	_ =	shalt  }
0x55: {  	_ =	shalt  }
0x56: {  	_ =	shalt  }
0x57: {  	_ =	shalt  }
0x58: {  	_ =	shalt  }
0x59: {  	_ =	shalt  }
0x5a: {  	_ =	shalt  }
0x5b: {  	_ =	shalt  }
0x5c: {  	_ =	shalt  }
0x5d: {  	_ =	shalt  }
0x5e: {  	_ =	shalt  }
0x5f: {  	_ =	shalt  }
0x60: {  	_ =	shalt  }
0x61: {  	_ =	shalt  }
0x62: {  	_ =	shalt  }
0x63: {  	_ =	shalt  }
0x64: {  	_ =	shalt  }
0x65: {  	_ =	shalt  }
0x66: {  	_ =	shalt  }
0x67: {  	_ =	shalt  }
0x68: {  	_ =	shalt  }
0x69: {  	_ =	shalt  }
0x6a: {  	_ =	shalt  }
0x6b: {  	_ =	shalt  }
0x6c: {  	_ =	shalt  }
0x6d: {  	_ =	shalt  }
0x6e: {  	_ =	shalt  }
0x6f: {  	_ =	shalt  }
0x70: {  	_ =	shalt  }
0x71: {  	_ =	shalt  }
0x72: {  	_ =	shalt  }
0x73: {  	_ =	shalt  }
0x74: {  	_ =	shalt  }
0x75: {  	_ =	shalt  }
0x76: {  	_ =	shalt  }
0x77: {  	_ =	shalt  }
0x78: {  	_ =	shalt  }
0x79: {  	_ =	shalt  }
0x7a: {  	_ =	shalt  }
0x7b: {  	_ =	shalt  }
0x7c: {  	_ =	shalt  }
0x7d: {  	_ =	shalt  }
0x7e: {  	_ =	shalt  }
0x7f: {  	_ =	shalt  }
0x80: {  	_ =	shalt  }
0x81: {  	_ =	shalt  }
0x82: {  	_ =	shalt  }
0x83: {  	_ =	shalt  }
0x84: {  	_ =	shalt  }
0x85: {  	_ =	shalt  }
0x86: {  	_ =	shalt  }
0x87: {  	_ =	shalt  }
.Lfunc_end0:
.L_simem_size_0:
called_computation_lowered:
.L_overlay_start_0:
0x88: {  	s2 =	sld [smem:$0x3FD9]  }
0x89: {  	s3 =	sld [smem:$0x3FFE];
	_ =	sdelay $0x1  }
0x8a: {  	s1 =	srdreg.scid  }
0x8b: {  	s0 =	sand.u32 $0x1, s1  }
0x8c: {  	s17 =	sshll.u32 s0, $0xA;
	s2 =	sadd.s32 s3, s2  }
0x8d: {  	s2 =	sadd.s32 s2, s17  }
0x8e: {  	[smem:$0x3FBE] =	sst s2  }
0x8f: {  	_ = 	snop  }
0x90: {  	s2 =	sld [smem:$0x3FC9]  }
0x91: {  	s18 =	sld [smem:$0x3FD0];
	(tm) =	ssettm $0x1  }
0x92: {  	s4 =	sld [smem:$0x3FFB];
	_ =	sdelay $0x3  }
0x93: {  	_ =	strace s4  }
0x94: {  	s4 =	sld [smem:$0x3FFC];
	_ =	sdelay $0x3  }
0x95: {  	_ =	strace s4  }
0x96: {  	s4 =	sld [smem:$0x3FFD];
	_ =	sdelay $0x3  }
0x97: {  	_ =	strace s4  }
0x98: {  	_ =	strace $0x8FFFFFFF  }
0x99: {  	s19 =	sld [smem:$0x3FDB];
	_ =	sdelay $0x1  }
0x9a: {  	s5 =	simm.s32 $_scs_section_size  }
0x9b: {  	s6 =	simm.s32 $_size__tile_overlayer_lowered;
	s7 =	simm.s32 $_tile_overlayer_lowered  }
0x9c: {  	s22 =	simm.s32 $0x1BFF;
	s21 =	sshll.u32 s7, $0x1;
	s4 =	sadd.s32 s5, s19  }
0x9d: {  	s8 =	simm.s32 $0x0;
	s20 =	sshll.u32 s6, $0x1;
	s6 =	sadd.s32 s21, s4  }
0x9e: {  	[timem:s8], [sflag:s22] =	dma.local [hbm:s6], s20  }
0x9f: {  	_ =	swait.ge [sflag:s22], s20  }
0xa0: {  	s5 =	ssub.s32 $0x0, s20;
	[sflag:s22] =	ssyncset.done $0x0  }
0xa1: {  	[sflag:s22] =	ssyncadd.s32 s5;
	_ =	sdelay $0x1  }
0xa2: {  	s23 =	simm.s32 $0x1B8B  }
0xa3: {  	_ =	swait.ge [sflag:s23], $0x1  }
0xa4: {  	[sflag:s23] =	ssyncset.done $0x0  }
0xa5: {  	s25 =	simm.s32 $0x1B8E;
	s24 =	sld [smem:$0x3FFE];
	[sflag:s23] =	ssyncadd.s32 $0xFFFFFFFF  }
0xa6: {  	s26 =	simm.s32 $execute0_lowered;
	[smem:$0x3FD2] =	sst s25  }
0xa7: {  	s6 =	sshll.u32 s26, $0x1;
	_ =	strace $0x80000046;
	[dreg:$0x1] =	wrdreg $0xFFFFFFFF  }
0xa8: {  	s28 =	simm.s32 $_size_execute0_lowered;
	s4 =	sadd.s32 s4, s6;
	[dreg:$0x0] =	wrdreg $0x0  }
0xa9: {  	s6 =	sshll.u32 s28, $0x1;
	[dreg:$0x2] =	wrdreg s4  }
0xaa: {  	[dreg:$0x3] =	wrdreg s6  }
0xab: {  	[dreg:$0x4] =	wrdreg $0xC0  }
0xac: {  	_ =	task [dreg:s8], $0x5FFFF  }
0xad: {  	[dreg:$0x1] =	wrdreg $0xFFFFFFFF  }
0xae: {  	[dreg:$0x0] =	wrdreg $0x60  }
0xaf: {  	[dreg:$0x2] =	wrdreg s2  }
0xb0: {  	[dreg:$0x3] =	wrdreg s24  }
0xb1: {  	[dreg:$0x4] =	wrdreg s18  }
0xb2: {  	[dreg:$0x5] =	wrdreg $0xAA800  }
0xb3: {  	[dreg:$0x6] =	wrdreg $0x1EA800  }
0xb4: {  	[dreg:$0x7] =	wrdreg $0x9  }
0xb5: {  	_ =	task.clear_ibuf [dreg:s8], $0x8FFFF;
	_ =	strace $0x90000046  }
0xb6: {  	s29 =	simm.s32 $0x9;
	_ =	strace $0x80000048  }
0xb7: {  	_ =	swait.ge [sflag:s29], $0x1  }
0xb8: {  	[sflag:s29] =	ssyncadd.s32 $0xFFFFFFFF  }
0xb9: {  	_ =	strace $0x90000048  }
0xba: {  	_ =	sfence  }
0xbb: {  	s30 =	sld [smem:$0x0];
	_ =	sdelay $0x2  }
0xbc: {  	s31 =	sshll.u32 s1, $0xD;
	s1 =	sshrl.u32 s1, $0x2  }
0xbd: {  	s3 =	sand.u32 $0x4000, s31;
	s1 =	sadd.s32 s1, s30  }
0xbe: {  	s0 =	sor.u32 s3, s0;
	s1 =	sshll.u32 s1, $0x11  }
0xbf: {  	s0 =	sor.u32 s1, s0  }
0xc0: {  	s0 =	sadd.s32 $0x8F2B, s0  }
0xc1: {  	[sflag:s0] =	ssyncadd.remote.s32 $0x1  }
0xc2: {  	_ =	sfence.sel $0xFFFF  }
0xc3: {  	[dreg:$0x0] =	wrdreg $0xFFFFFFFF;
	(pc) =	sbr.abs _section_cstart, $3  }
0xc4: {  	[dreg:$0x1] =	wrdreg $0xFFFFFFFF  }
0xc5: {  	_ =	task.clear_ibuf [dreg:s8], $0x2FFFF;
	_ =	strace $0x9FFFFFFF  }
0xc6: {  	(tm) =	ssettm $0x7FFFFFFF  }
0xc7: {  	_ =	shalt  }
tec
execute0_lowered:
.L_overlay_start_1:
0x0: {  	(tag) =	ssettag $0x1  }
0x1: {  	s0 =	rddreg [dreg:$0x0]  }
0x2: {  	s2 =	rddreg [dreg:$0x1]  }
0x3: {  	s1 =	srdreg.scid;
	s6 =	rddreg [dreg:$0x2]  }
0x4: {  	s15 =	stileid.u32;
	s3 =	rddreg [dreg:$0x3]  }
0x5: {  	s28 =	simm.s32 $0x1;
	s29 =	simm.s32 $0x2880;
	s9 =	smul.u32 $0x14000, s15  }
0x6: {  	s30 =	simm.s32 $0x6A00;
	s31 =	simm.s32 $0x2900;
	s18 =	smul.u32 $0x280, s15  }
0x7: {  	s1 =	sand.u32 $0x1, s1;
	s10 =	sadd.s32 $0xE000, s2;
	s19 =	smul.u32 $0x50000, s15  }
0x8: {  	s11 =	sadd.s32 $0xDE00, s2;
	s26 =	smul.u32 $0x500, s15;
	s4 =	sshll.u32 s1, $0x4  }
0x9: {  	s8 =	smul.u32 $0x140000, s1;
	s20 =	ssub.s32 $0x2, s1;
	s1 =	sshll.u32 s1, $0x7  }
0xa: {  	s5 =	sor.u32 s15, s4;
	s4 =	rddreg [dreg:$0x4];
	s21 =	sshrl.u32 s20, $0x1  }
0xb: {  	s14 =	sadd.s32 $0x80, s18;
	s23 =	sadd.s32 $0x100, s18;
	s16 =	sadd.s32 $0x180, s18  }
0xc: {  	s17 =	sadd.s32 $0x200, s18;
	s1 =	sor.u32 s1, s26;
	s26 =	simm.s32 $0x0  }
0xd: {  	s7 =	smul.u32 $0x500, s5;
	s5 =	simm.s32 $0x0;
	s8 =	sadd.s32 s9, s8  }
0xe: {  	s22 =	sshll.u32 s14, $0x7;
	s12 =	sshll.u32 s23, $0x7;
	s13 =	sshll.u32 s16, $0x7  }
0xf: {  	s25 =	sshll.u32 s17, $0x7;
	s14 =	sadd.s32 s14, s4;
	s15 =	sadd.s32 s23, s4  }
0x10: {  	s16 =	sadd.s32 s16, s4;
	s17 =	sadd.s32 s17, s4;
	s1 =	sshrl.u32 s1, $0x3  }
0x11: {  	s23 =	simm.s32 $0x3;
	[smem:$0x7FF] =	sst s5;
	s8 =	sshrl.u32 s8, $0x3  }
0x12: {  	s12 =	sadd.s32 s12, s3;
	_ =	strace $0x80000047;
	[dreg:$0x6] =	wrdreg s10  }
0x13: {  	s24 =	sadd.s32 s13, s3;
	s13 =	sadd.s32 s18, s4;
	[dreg:$0x7] =	wrdreg s11  }
0x14: {  	s7 =	sadd.s32 s7, s2;
	s2 =	sadd.s32 s8, s2;
	[dreg:$0x9] =	wrdreg s12  }
0x15: {  	s10 =	sshrl.u32 s19, $0x2;
	s11 =	ssub.s32 s20, s21;
	[dreg:$0xa] =	wrdreg s24  }
0x16: {  	s12 =	sadd.s32 s25, s3;
	s20 =	sadd.s32 s6, s1;
	s24 =	simm.s32 $0xAA00  }
0x17: {  	s25 =	simm.s32 $0x80;
	s8 =	sadd.s32 s10, s3;
	s10 =	sadd.s32 s22, s3  }
0x18: {  	s18 =	sadd.s32 $0x3E00, s7;
	s19 =	sadd.s32 $0xE800, s2;
	s21 =	smax.u32 s11, $0x1  }
0x19: {  	s22 =	simm.s32 $0x2A00;
	s2 =	simm.s32 $0x2980;
	[dreg:$0x8] =	wrdreg s10  }
.LBB2_1:
0x1a: {  	s1 =	rddreg [dreg:$0x6]  }
0x1b: {  	[tilespmem:s22], [sflag:$0x3] =	stream.linear.gather [hbm4b:s1+s5], $0x4000, $0x38;
	[tilespmem:$0x1ED00] =	vst v63  }
0x1c: {  	_ =	swait.ge [sflag:s23], $0x4000  }
0x1d: {  	[sflag:s23] =	ssyncset.done $0x0  }
0x1e: {  	[sflag:s23] =	ssyncadd.s32 $0xFFFFC000  }
0x1f: {  	[spmem:s8] =	stream.linear.scatter [tilespmem:s22], [sflag:$0x3], $0x4000, $0x38;
	[tilespmem:$0x1ED00] =	vst v63  }
0x20: {  	_ =	swait.ge [sflag:s23], $0x4000  }
0x21: {  	[sflag:s23] =	ssyncset.done $0x0  }
0x22: {  	s11 =	rddreg [dreg:$0x8];
	[sflag:s23] =	ssyncadd.s32 $0xFFFFC000  }
0x23: {  	[spmem:s11] =	stream.linear.scatter [tilespmem:s22], [sflag:$0x3], $0x4000, $0x38;
	[tilespmem:$0x1ED00] =	vst v63  }
0x24: {  	_ =	swait.ge [sflag:s23], $0x4000  }
0x25: {  	[sflag:s23] =	ssyncset.done $0x0  }
0x26: {  	s6 =	rddreg [dreg:$0x9];
	[sflag:s23] =	ssyncadd.s32 $0xFFFFC000  }
0x27: {  	[spmem:s6] =	stream.linear.scatter [tilespmem:s22], [sflag:$0x3], $0x4000, $0x38;
	[tilespmem:$0x1ED00] =	vst v63  }
0x28: {  	_ =	swait.ge [sflag:s23], $0x4000  }
0x29: {  	[sflag:s23] =	ssyncset.done $0x0  }
0x2a: {  	s7 =	rddreg [dreg:$0xa];
	[sflag:s23] =	ssyncadd.s32 $0xFFFFC000  }
0x2b: {  	[spmem:s7] =	stream.linear.scatter [tilespmem:s22], [sflag:$0x3], $0x4000, $0x38;
	[tilespmem:$0x1ED00] =	vst v63  }
0x2c: {  	_ =	swait.ge [sflag:s23], $0x4000  }
0x2d: {  	[sflag:s23] =	ssyncset.done $0x0  }
0x2e: {  	[sflag:s23] =	ssyncadd.s32 $0xFFFFC000  }
0x2f: {  	[spmem:s12] =	stream.linear.scatter [tilespmem:s22], [sflag:$0x3], $0x4000, $0x38;
	[tilespmem:$0x1ED00] =	vst v63  }
0x30: {  	_ =	swait.ge [sflag:s23], $0x4000  }
0x31: {  	[sflag:s23] =	ssyncset.done $0x0  }
0x32: {  	[sflag:s23] =	ssyncadd.s32 $0xFFFFC000  }
0x33: {  	[spmem:s13] =	stream.linear.scatter [tilespmem:s22], [sflag:$0x3], $0x80, $0x38;
	[tilespmem:$0x1ED00] =	vst v63  }
0x34: {  	_ =	swait.ge [sflag:s23], $0x80  }
0x35: {  	[sflag:s23] =	ssyncset.done $0x0  }
0x36: {  	[sflag:s23] =	ssyncadd.s32 $0xFFFFFF80  }
0x37: {  	[spmem:s14] =	stream.linear.scatter [tilespmem:s22], [sflag:$0x3], $0x80, $0x38;
	[tilespmem:$0x1ED00] =	vst v63  }
0x38: {  	_ =	swait.ge [sflag:s23], $0x80  }
0x39: {  	[sflag:s23] =	ssyncset.done $0x0  }
0x3a: {  	[sflag:s23] =	ssyncadd.s32 $0xFFFFFF80  }
0x3b: {  	[spmem:s15] =	stream.linear.scatter [tilespmem:s22], [sflag:$0x3], $0x80, $0x38;
	[tilespmem:$0x1ED00] =	vst v63  }
0x3c: {  	_ =	swait.ge [sflag:s23], $0x80  }
0x3d: {  	[sflag:s23] =	ssyncset.done $0x0  }
0x3e: {  	[sflag:s23] =	ssyncadd.s32 $0xFFFFFF80  }
0x3f: {  	[spmem:s16] =	stream.linear.scatter [tilespmem:s22], [sflag:$0x3], $0x80, $0x38;
	[tilespmem:$0x1ED00] =	vst v63  }
0x40: {  	_ =	swait.ge [sflag:s23], $0x80  }
0x41: {  	[sflag:s23] =	ssyncset.done $0x0  }
0x42: {  	[sflag:s23] =	ssyncadd.s32 $0xFFFFFF80  }
0x43: {  	[spmem:s17] =	stream.linear.scatter [tilespmem:s22], [sflag:$0x3], $0x80, $0x38;
	[tilespmem:$0x1ED00] =	vst v63  }
0x44: {  	_ =	swait.ge [sflag:s23], $0x80  }
0x45: {  	[sflag:s23] =	ssyncset.done $0x0  }
0x46: {  	s9 =	rddreg [dreg:$0x7];
	[sflag:s23] =	ssyncadd.s32 $0xFFFFFF80  }
0x47: {  	[tilespmem:s24], [sflag:$0x3] =	stream.linear.gather [hbm4b:s9+s5], $0x80, $0x38;
	[tilespmem:$0x1ED00] =	vst v63  }
0x48: {  	_ =	swait.ge [sflag:s23], $0x80  }
0x49: {  	[sflag:s23] =	ssyncset.done $0x0  }
0x4a: {  	[sflag:s23] =	ssyncadd.s32 $0xFFFFFF80  }
0x4b: {  	[tilespmem:s5], [sflag:$0x3] =	stream.linear.gather [hbm4b:s18+s5], $0x2800, $0x38;
	[tilespmem:$0x1ED00] =	vst v63  }
0x4c: {  	_ =	swait.ge [sflag:s23], $0x2800  }
0x4d: {  	[sflag:s23] =	ssyncset.done $0x0  }
0x4e: {  	[sflag:s23] =	ssyncadd.s32 $0xFFFFD800  }
0x4f: {  	[bflag:$0x0] =	sbarrier.arrive $0xFFFF  }
0x50: {  	v0 =	vld [tilespmem:$0x0];
	_ =	sdelay $0x1  }
0x51: {  	v1 =	vld [tilespmem:$0x10];
	_ =	sdelay $0x1  }
0x52: {  	v2 =	vld [tilespmem:$0x20]  }
0x53: {  	v3 =	vshrl.u32 v0, $0xE  }
0x54: {  	v0 =	vand.u32 $0x3FFF, v0;
	[tilespmem:$0x2800] =	vst v3;
	v3 =	vld [tilespmem:$0x30]  }
0x55: {  	[tilespmem:$0x2900] =	vst v0;
	v0 =	vshrl.u32 v1, $0xE  }
0x56: {  	[tilespmem:$0x2810] =	vst v0;
	v0 =	vand.u32 $0x3FFF, v1;
	v1 =	vld [tilespmem:$0x40]  }
0x57: {  	[tilespmem:$0x2910] =	vst v0;
	v0 =	vshrl.u32 v2, $0xE  }
0x58: {  	[tilespmem:$0x2820] =	vst v0;
	v0 =	vand.u32 $0x3FFF, v2;
	v2 =	vld [tilespmem:$0x50]  }
0x59: {  	[tilespmem:$0x2920] =	vst v0;
	v0 =	vshrl.u32 v3, $0xE  }
0x5a: {  	[tilespmem:$0x2830] =	vst v0;
	v0 =	vand.u32 $0x3FFF, v3;
	v3 =	vld [tilespmem:$0x60]  }
0x5b: {  	[tilespmem:$0x2930] =	vst v0;
	v0 =	vshrl.u32 v1, $0xE  }
0x5c: {  	[tilespmem:$0x2840] =	vst v0;
	v0 =	vand.u32 $0x3FFF, v1;
	v1 =	vld [tilespmem:$0x70]  }
0x5d: {  	[tilespmem:$0x2940] =	vst v0;
	v0 =	vshrl.u32 v2, $0xE  }
0x5e: {  	[tilespmem:$0x2850] =	vst v0;
	v0 =	vand.u32 $0x3FFF, v2  }
0x5f: {  	[tilespmem:$0x2950] =	vst v0;
	v0 =	vshrl.u32 v3, $0xE  }
0x60: {  	[tilespmem:$0x2860] =	vst v0;
	v0 =	vand.u32 $0x3FFF, v3  }
0x61: {  	[tilespmem:$0x2960] =	vst v0;
	v0 =	vshrl.u32 v1, $0xE  }
0x62: {  	[tilespmem:$0x2870] =	vst v0;
	v0 =	vand.u32 $0x3FFF, v1  }
0x63: {  	s10 =	simm.s32 $0x2800;
	s11 =	simm.s32 $0x0;
	[tilespmem:$0x2970] =	vst v0  }
0x64: {  	[tilespmem:s22], [sflag:$0x1] =	stream.indirect.gather [hbm4b:s0+s25], $0x80, s10, s25, $0xb8;
	[tilespmem:$0x1ED00] =	vst v63  }
0x65: {  	v0 =	vld [tilespmem:s11+$0x80];
	_ =	sdelay $0x4  }
0x66: {  	v1 =	vshrl.u32 v0, $0xE  }
0x67: {  	v0 =	vand.u32 $0x3FFF, v0;
	[tilespmem:$0x2880] =	vst v1  }
0x68: {  	[tilespmem:$0x2980] =	vst v0  }
0x69: {  	v0 =	vld [tilespmem:s11+$0x90];
	_ =	sdelay $0x4  }
0x6a: {  	v1 =	vshrl.u32 v0, $0xE  }
0x6b: {  	v0 =	vand.u32 $0x3FFF, v0;
	[tilespmem:$0x2890] =	vst v1  }
0x6c: {  	[tilespmem:$0x2990] =	vst v0  }
0x6d: {  	v0 =	vld [tilespmem:s11+$0xA0];
	_ =	sdelay $0x4  }
0x6e: {  	v1 =	vshrl.u32 v0, $0xE  }
0x6f: {  	v0 =	vand.u32 $0x3FFF, v0;
	[tilespmem:$0x28A0] =	vst v1  }
0x70: {  	[tilespmem:$0x29A0] =	vst v0  }
0x71: {  	v0 =	vld [tilespmem:s11+$0xB0];
	_ =	sdelay $0x4  }
0x72: {  	v1 =	vshrl.u32 v0, $0xE  }
0x73: {  	v0 =	vand.u32 $0x3FFF, v0;
	[tilespmem:$0x28B0] =	vst v1  }
0x74: {  	[tilespmem:$0x29B0] =	vst v0  }
0x75: {  	v0 =	vld [tilespmem:s11+$0xC0];
	_ =	sdelay $0x4  }
0x76: {  	v1 =	vshrl.u32 v0, $0xE  }
0x77: {  	v0 =	vand.u32 $0x3FFF, v0;
	[tilespmem:$0x28C0] =	vst v1  }
0x78: {  	[tilespmem:$0x29C0] =	vst v0  }
0x79: {  	v0 =	vld [tilespmem:s11+$0xD0];
	_ =	sdelay $0x4  }
0x7a: {  	v1 =	vshrl.u32 v0, $0xE  }
0x7b: {  	v0 =	vand.u32 $0x3FFF, v0;
	[tilespmem:$0x28D0] =	vst v1  }
0x7c: {  	[tilespmem:$0x29D0] =	vst v0  }
0x7d: {  	v0 =	vld [tilespmem:s11+$0xE0];
	_ =	sdelay $0x4  }
0x7e: {  	v1 =	vshrl.u32 v0, $0xE  }
0x7f: {  	v0 =	vand.u32 $0x3FFF, v0;
	[tilespmem:$0x28E0] =	vst v1  }
0x80: {  	[tilespmem:$0x29E0] =	vst v0  }
0x81: {  	v0 =	vld [tilespmem:s11+$0xF0];
	_ =	sdelay $0x4  }
0x82: {  	v1 =	vshrl.u32 v0, $0xE  }
0x83: {  	v0 =	vand.u32 $0x3FFF, v0;
	[tilespmem:$0x28F0] =	vst v1  }
0x84: {  	[tilespmem:$0x29F0] =	vst v0  }
0x85: {  	_ =	swait.ge [sflag:s28], $0x4000  }
0x86: {  	[sflag:s28] =	ssyncset.done $0x0  }
0x87: {  	[sflag:s28] =	ssyncadd.s32 $0xFFFFC000  }
0x88: {  	[tilespmem:s30], [sflag:$0x2] =	stream.indirect.gather [hbm4b:s0+s25], $0x80, s29, s25, $0xb8;
	[tilespmem:$0x1ED00] =	vst v63  }
0x89: {  	_ = 	snop  }
0x8a: {  	[spmem:s3] =	stream.indirect.scatter.add.f32 [tilespmem:s22], [sflag:$0x3], $0x80, s31, s25, $0xb8;
	[tilespmem:$0x1ED00] =	vst v63  }
0x8b: {  	_ =	swait.ge [sflag:s23], $0x4000  }
0x8c: {  	[sflag:s23] =	ssyncset.done $0x0  }
0x8d: {  	[sflag:s23] =	ssyncadd.s32 $0xFFFFC000  }
0x8e: {  	[spmem:s4] =	stream.indirect.scatter.add.f32 [tilespmem:s24], [sflag:$0x3], $0x1, s31, s25, $0xb8;
	[tilespmem:$0x1ED00] =	vst v63  }
0x8f: {  	_ =	swait.ge [sflag:s23], $0x80  }
0x90: {  	p1 =	por $0x0, $0x0;
	[sflag:s23] =	ssyncset.done $0x0  }
0x91: {  	s1 =	simm.s32 @p1 $0x2;
	[sflag:s23] =	ssyncadd.s32 $0xFFFFFF80  }
0x92: {  	_ =	swait.ge @p1 [sflag:s1], $0x4000  }
0x93: {  	[sflag:s1] =	ssyncset.done @p1 $0x0  }
0x94: {  	s6 =	simm.s32 @!p1 $0x0;
	[sflag:s1] =	ssyncadd.s32 @p1 $0xFFFFC000  }
0x95: {  	v0 =	vld @!p1 [tilespmem:s6+$0x100];
	_ =	sdelay $0x4  }
0x96: {  	v1 =	vshrl.u32 @!p1 v0, $0xE  }
0x97: {  	v0 =	vand.u32 @!p1 $0x3FFF, v0;
	[tilespmem:$0x2800] =	vst @!p1 v1  }
0x98: {  	[tilespmem:$0x2900] =	vst @!p1 v0  }
0x99: {  	v0 =	vld @!p1 [tilespmem:s6+$0x110];
	_ =	sdelay $0x4  }
0x9a: {  	v1 =	vshrl.u32 @!p1 v0, $0xE  }
0x9b: {  	v0 =	vand.u32 @!p1 $0x3FFF, v0;
	[tilespmem:$0x2810] =	vst @!p1 v1  }
0x9c: {  	[tilespmem:$0x2910] =	vst @!p1 v0  }
0x9d: {  	v0 =	vld @!p1 [tilespmem:s6+$0x120];
	_ =	sdelay $0x4  }
0x9e: {  	v1 =	vshrl.u32 @!p1 v0, $0xE  }
0x9f: {  	v0 =	vand.u32 @!p1 $0x3FFF, v0;
	[tilespmem:$0x2820] =	vst @!p1 v1  }
0xa0: {  	[tilespmem:$0x2920] =	vst @!p1 v0  }
0xa1: {  	v0 =	vld @!p1 [tilespmem:s6+$0x130];
	_ =	sdelay $0x4  }
0xa2: {  	v1 =	vshrl.u32 @!p1 v0, $0xE  }
0xa3: {  	v0 =	vand.u32 @!p1 $0x3FFF, v0;
	[tilespmem:$0x2830] =	vst @!p1 v1  }
0xa4: {  	[tilespmem:$0x2930] =	vst @!p1 v0  }
0xa5: {  	v0 =	vld @!p1 [tilespmem:s6+$0x140];
	_ =	sdelay $0x4  }
0xa6: {  	v1 =	vshrl.u32 @!p1 v0, $0xE  }
0xa7: {  	v0 =	vand.u32 @!p1 $0x3FFF, v0;
	[tilespmem:$0x2840] =	vst @!p1 v1  }
0xa8: {  	[tilespmem:$0x2940] =	vst @!p1 v0  }
0xa9: {  	v0 =	vld @!p1 [tilespmem:s6+$0x150];
	_ =	sdelay $0x4  }
0xaa: {  	v1 =	vshrl.u32 @!p1 v0, $0xE  }
0xab: {  	v0 =	vand.u32 @!p1 $0x3FFF, v0;
	[tilespmem:$0x2850] =	vst @!p1 v1  }
0xac: {  	[tilespmem:$0x2950] =	vst @!p1 v0  }
0xad: {  	v0 =	vld @!p1 [tilespmem:s6+$0x160];
	_ =	sdelay $0x4  }
0xae: {  	v1 =	vshrl.u32 @!p1 v0, $0xE  }
0xaf: {  	v0 =	vand.u32 @!p1 $0x3FFF, v0;
	[tilespmem:$0x2860] =	vst @!p1 v1  }
0xb0: {  	s7 =	simm.s32 @!p1 $0x2;
	s9 =	simm.s32 @!p1 $0x80;
	[tilespmem:$0x2960] =	vst @!p1 v0  }
0xb1: {  	s10 =	simm.s32 @!p1 $0x2800;
	s11 =	simm.s32 @!p1 $0x2A00;
	s1 =	simm.s32 $0x400;
	v0 =	vld @!p1 [tilespmem:s6+$0x170]  }
.LBB2_2:
0xb2: {  	_ =	sdelay $0x2  }
0xb3: {  	s6 =	smov.u32 s1;
	s1 =	sadd.s32 $0x400, s1  }
0xb4: {  	p0 =	sne.s32 s1, $0xA000;
	v1 =	vshrl.u32 @!p1 v0, $0xE;
	v0 =	vand.u32 @!p1 $0x3FFF, v0  }
0xb5: {  	[tilespmem:$0x2870] =	vst @!p1 v1  }
0xb6: {  	[tilespmem:$0x2970] =	vst @!p1 v0  }
0xb7: {  	_ =	swait.ge @!p1 [sflag:s7], $0x4000  }
0xb8: {  	[sflag:s7] =	ssyncset.done @!p1 $0x0  }
0xb9: {  	[sflag:s7] =	ssyncadd.s32 @!p1 $0xFFFFC000  }
0xba: {  	[tilespmem:s11], [sflag:$0x1] =	stream.indirect.gather @!p1 [hbm4b:s0+s9], $0x80, s10, s9, $0xb8;
	[tilespmem:$0x1ED00] =	vst v63  }
0xbb: {  	_ = 	snop  }
0xbc: {  	[spmem:s3] =	stream.indirect.scatter.add.f32 [tilespmem:s30], [sflag:$0x3], $0x80, s2, s25, $0xb8;
	[tilespmem:$0x1ED00] =	vst v63  }
0xbd: {  	_ =	swait.ge [sflag:s23], $0x4000  }
0xbe: {  	[sflag:s23] =	ssyncset.done $0x0  }
0xbf: {  	[sflag:s23] =	ssyncadd.s32 $0xFFFFC000  }
0xc0: {  	[spmem:s4] =	stream.indirect.scatter.add.f32 [tilespmem:s24], [sflag:$0x3], $0x1, s2, s25, $0xb8;
	[tilespmem:$0x1ED00] =	vst v63  }
0xc1: {  	_ =	swait.ge [sflag:s23], $0x80  }
0xc2: {  	[sflag:s23] =	ssyncset.done $0x0  }
0xc3: {  	s7 =	sshra.s32 s6, $0x2;
	[sflag:s23] =	ssyncadd.s32 $0xFFFFFF80  }
0xc4: {  	v0 =	vld [tilespmem:s7+$0x80];
	_ =	sdelay $0x4  }
0xc5: {  	v1 =	vshrl.u32 v0, $0xE;
	v0 =	vand.u32 $0x3FFF, v0  }
0xc6: {  	[tilespmem:$0x2880] =	vst v1  }
0xc7: {  	[tilespmem:$0x2980] =	vst v0  }
0xc8: {  	v0 =	vld [tilespmem:s7+$0x90];
	_ =	sdelay $0x4  }
0xc9: {  	v1 =	vshrl.u32 v0, $0xE;
	v0 =	vand.u32 $0x3FFF, v0  }
0xca: {  	[tilespmem:$0x2890] =	vst v1  }
0xcb: {  	[tilespmem:$0x2990] =	vst v0  }
0xcc: {  	v0 =	vld [tilespmem:s7+$0xA0];
	_ =	sdelay $0x4  }
0xcd: {  	v1 =	vshrl.u32 v0, $0xE;
	v0 =	vand.u32 $0x3FFF, v0  }
0xce: {  	[tilespmem:$0x28A0] =	vst v1  }
0xcf: {  	[tilespmem:$0x29A0] =	vst v0  }
0xd0: {  	v0 =	vld [tilespmem:s7+$0xB0];
	_ =	sdelay $0x4  }
0xd1: {  	v1 =	vshrl.u32 v0, $0xE;
	v0 =	vand.u32 $0x3FFF, v0  }
0xd2: {  	[tilespmem:$0x28B0] =	vst v1  }
0xd3: {  	[tilespmem:$0x29B0] =	vst v0  }
0xd4: {  	v0 =	vld [tilespmem:s7+$0xC0];
	_ =	sdelay $0x4  }
0xd5: {  	v1 =	vshrl.u32 v0, $0xE;
	v0 =	vand.u32 $0x3FFF, v0  }
0xd6: {  	[tilespmem:$0x28C0] =	vst v1  }
0xd7: {  	[tilespmem:$0x29C0] =	vst v0  }
0xd8: {  	v0 =	vld [tilespmem:s7+$0xD0];
	_ =	sdelay $0x4  }
0xd9: {  	v1 =	vshrl.u32 v0, $0xE;
	v0 =	vand.u32 $0x3FFF, v0  }
0xda: {  	[tilespmem:$0x28D0] =	vst v1  }
0xdb: {  	[tilespmem:$0x29D0] =	vst v0  }
0xdc: {  	v0 =	vld [tilespmem:s7+$0xE0];
	_ =	sdelay $0x4  }
0xdd: {  	v1 =	vshrl.u32 v0, $0xE;
	v0 =	vand.u32 $0x3FFF, v0  }
0xde: {  	[tilespmem:$0x28E0] =	vst v1  }
0xdf: {  	[tilespmem:$0x29E0] =	vst v0  }
0xe0: {  	v0 =	vld [tilespmem:s7+$0xF0];
	_ =	sdelay $0x4  }
0xe1: {  	v1 =	vshrl.u32 v0, $0xE;
	v0 =	vand.u32 $0x3FFF, v0  }
0xe2: {  	[tilespmem:$0x28F0] =	vst v1  }
0xe3: {  	[tilespmem:$0x29F0] =	vst v0  }
0xe4: {  	_ =	swait.ge [sflag:s28], $0x4000  }
0xe5: {  	[sflag:s28] =	ssyncset.done $0x0  }
0xe6: {  	p1 =	seq.s32 s6, $0x9C00;
	[sflag:s28] =	ssyncadd.s32 $0xFFFFC000  }
0xe7: {  	[tilespmem:s30], [sflag:$0x2] =	stream.indirect.gather [hbm4b:s0+s25], $0x80, s29, s25, $0xb8;
	[tilespmem:$0x1ED00] =	vst v63  }
0xe8: {  	s7 =	simm.s32 @p1 $0x2  }
0xe9: {  	[spmem:s3] =	stream.indirect.scatter.add.f32 [tilespmem:s22], [sflag:$0x3], $0x80, s31, s25, $0xb8;
	[tilespmem:$0x1ED00] =	vst v63  }
0xea: {  	_ =	swait.ge [sflag:s23], $0x4000  }
0xeb: {  	s6 =	sshra.s32 @!p1 s6, $0x2;
	[sflag:s23] =	ssyncset.done $0x0  }
0xec: {  	[sflag:s23] =	ssyncadd.s32 $0xFFFFC000  }
0xed: {  	[spmem:s4] =	stream.indirect.scatter.add.f32 [tilespmem:s24], [sflag:$0x3], $0x1, s31, s25, $0xb8;
	[tilespmem:$0x1ED00] =	vst v63  }
0xee: {  	_ =	swait.ge [sflag:s23], $0x80  }
0xef: {  	[sflag:s23] =	ssyncset.done $0x0  }
0xf0: {  	[sflag:s23] =	ssyncadd.s32 $0xFFFFFF80  }
0xf1: {  	_ =	swait.ge @p1 [sflag:s7], $0x4000  }
0xf2: {  	[sflag:s7] =	ssyncset.done @p1 $0x0  }
0xf3: {  	[sflag:s7] =	ssyncadd.s32 @p1 $0xFFFFC000  }
0xf4: {  	v0 =	vld @!p1 [tilespmem:s6+$0x100];
	_ =	sdelay $0x4  }
0xf5: {  	v1 =	vshrl.u32 @!p1 v0, $0xE;
	v0 =	vand.u32 @!p1 $0x3FFF, v0  }
0xf6: {  	[tilespmem:$0x2800] =	vst @!p1 v1  }
0xf7: {  	[tilespmem:$0x2900] =	vst @!p1 v0  }
0xf8: {  	v0 =	vld @!p1 [tilespmem:s6+$0x110];
	_ =	sdelay $0x4  }
0xf9: {  	v1 =	vshrl.u32 @!p1 v0, $0xE;
	v0 =	vand.u32 @!p1 $0x3FFF, v0  }
0xfa: {  	[tilespmem:$0x2810] =	vst @!p1 v1  }
0xfb: {  	[tilespmem:$0x2910] =	vst @!p1 v0  }
0xfc: {  	v0 =	vld @!p1 [tilespmem:s6+$0x120];
	_ =	sdelay $0x4  }
0xfd: {  	v1 =	vshrl.u32 @!p1 v0, $0xE;
	v0 =	vand.u32 @!p1 $0x3FFF, v0  }
0xfe: {  	[tilespmem:$0x2820] =	vst @!p1 v1  }
0xff: {  	[tilespmem:$0x2920] =	vst @!p1 v0  }
0x100: {  	v0 =	vld @!p1 [tilespmem:s6+$0x130];
	_ =	sdelay $0x4  }
0x101: {  	v1 =	vshrl.u32 @!p1 v0, $0xE;
	v0 =	vand.u32 @!p1 $0x3FFF, v0  }
0x102: {  	[tilespmem:$0x2830] =	vst @!p1 v1  }
0x103: {  	[tilespmem:$0x2930] =	vst @!p1 v0  }
0x104: {  	v0 =	vld @!p1 [tilespmem:s6+$0x140];
	_ =	sdelay $0x4  }
0x105: {  	v1 =	vshrl.u32 @!p1 v0, $0xE;
	v0 =	vand.u32 @!p1 $0x3FFF, v0  }
0x106: {  	[tilespmem:$0x2840] =	vst @!p1 v1  }
0x107: {  	[tilespmem:$0x2940] =	vst @!p1 v0  }
0x108: {  	v0 =	vld @!p1 [tilespmem:s6+$0x150];
	_ =	sdelay $0x4  }
0x109: {  	v1 =	vshrl.u32 @!p1 v0, $0xE;
	v0 =	vand.u32 @!p1 $0x3FFF, v0  }
0x10a: {  	[tilespmem:$0x2850] =	vst @!p1 v1  }
0x10b: {  	s7 =	simm.s32 @!p1 $0x2;
	[tilespmem:$0x2950] =	vst @!p1 v0  }
0x10c: {  	v0 =	vld @!p1 [tilespmem:s6+$0x160];
	_ =	sdelay $0x1  }
0x10d: {  	s9 =	simm.s32 @!p1 $0x80;
	s10 =	simm.s32 @!p1 $0x2800;
	s11 =	simm.s32 @!p1 $0x2A00  }
0x10e: {  	_ = 	snop  }
.Ltmp0:
0x10f: {  	(pc) =	sbr.rel @p0 .LBB2_2-.Ltmp0, $4  }
0x110: {  	v1 =	vshrl.u32 @!p1 v0, $0xE;
	v0 =	vand.u32 @!p1 $0x3FFF, v0  }
0x111: {  	[tilespmem:$0x2860] =	vst @!p1 v1  }
0x112: {  	[tilespmem:$0x2960] =	vst @!p1 v0  }
0x113: {  	v0 =	vld @!p1 [tilespmem:s6+$0x170]  }
0x114: {  	_ =	sdelay $0x3  }
0x115: {  	v1 =	vshrl.u32 @!p1 v0, $0xE  }
0x116: {  	v0 =	vand.u32 @!p1 $0x3FFF, v0;
	[tilespmem:$0x2870] =	vst @!p1 v1  }
0x117: {  	[tilespmem:$0x2970] =	vst @!p1 v0  }
0x118: {  	_ =	swait.ge @!p1 [sflag:s7], $0x4000  }
0x119: {  	[sflag:s7] =	ssyncset.done @!p1 $0x0  }
0x11a: {  	[sflag:s7] =	ssyncadd.s32 @!p1 $0xFFFFC000  }
0x11b: {  	[tilespmem:s11], [sflag:$0x1] =	stream.indirect.gather @!p1 [hbm4b:s0+s9], $0x80, s10, s9, $0xb8;
	[tilespmem:$0x1ED00] =	vst v63  }
0x11c: {  	_ = 	snop  }
0x11d: {  	[spmem:s3] =	stream.indirect.scatter.add.f32 [tilespmem:s30], [sflag:$0x3], $0x80, s2, s25, $0xb8;
	[tilespmem:$0x1ED00] =	vst v63  }
0x11e: {  	_ =	swait.ge [sflag:s23], $0x4000  }
0x11f: {  	[sflag:s23] =	ssyncset.done $0x0  }
0x120: {  	[sflag:s23] =	ssyncadd.s32 $0xFFFFC000  }
0x121: {  	[spmem:s4] =	stream.indirect.scatter.add.f32 [tilespmem:s24], [sflag:$0x3], $0x1, s2, s25, $0xb8;
	[tilespmem:$0x1ED00] =	vst v63  }
0x122: {  	_ =	swait.ge [sflag:s23], $0x80  }
0x123: {  	s1 =	stileid.u32;
	[sflag:s23] =	ssyncset.done $0x0  }
0x124: {  	s6 =	sshrl.u32 s8, $0x3;
	s1 =	sshll.u32 s1, $0x6;
	[sflag:s23] =	ssyncadd.s32 $0xFFFFFF80  }
0x125: {  	s26 =	sadd.s32 $0x1, s26;
	s1 =	sor.u32 $0x1C03, s1;
	[bflag:$0x0] =	sbarrier.arrive $0xFFFF  }
0x126: {  	[hbm:s19], [sflag:s1] =	dma.local [spmem:s6], $0x2800  }
0x127: {  	p0 =	sne.s32 s26, s21;
	_ =	swait.ge [sflag:s23], $0x2800  }
0x128: {  	s9 =	sshrl.u32 s13, $0x3;
	s10 =	simm.s32 $0x20;
	[sflag:s23] =	ssyncset.done $0x0  }
.Ltmp1:
0x129: {  	s11 =	simm.s32 $0x10;
	[sflag:s23] =	ssyncadd.s32 $0xFFFFD800;
	(pc) =	sbr.rel @p0 .LBB2_1-.Ltmp1, $4  }
0x12a: {  	[hbm:s20@s10], [sflag:s1] =	dma.strided [spmem:s9@s11], $0x50, s28, $0x10   }
0x12b: {  	_ =	swait.ge [sflag:s23], $0x50  }
0x12c: {  	[sflag:s23] =	ssyncset.done $0x0  }
0x12d: {  	[sflag:s23] =	ssyncadd.s32 $0xFFFFFFB0  }
0x12e: {  	_ =	sfence.sel $0x180000  }
0x12f: {  	[bflag:$0x0] =	sbarrier.arrive $0xFFFF  }
0x130: {  	_ =	strace $0x90000047  }
0x131: {  	s0 =	stileid.u32;
	[bflag:$0x2] =	sbarrier.arrive $0xFFFF  }
0x132: {  	p0 =	sne.s32 s0, $0x0;
	s0 =	rddreg [dreg:$0x5]  }
0x133: {  	s0 =	sadd.s32 @!p0 $0x100000, s0  }
0x134: {  	[sflag:s0] =	ssyncadd.tile.s32 @!p0 $0x1;
	_ =	shalt  }
.Lfunc_end2:
_tile_overlayer_lowered:
.L_overlay_start_2:
0x135: {  	(tag) =	ssettag $0x2  }
0x136: {  	s0 =	rddreg [dreg:$0x0];
	s2 =	stileid.u32  }
0x137: {  	s1 =	rddreg [dreg:$0x1];
	p0 =	sne.s32 s2, $0x0  }
0x138: {  	s3 =	rddreg [dreg:$0x2];
	[bflag:$0x3] =	sbarrier.arrive $0xFFFF;
	s2 =	simm.s32 @!p0 $0x1C03  }
0x139: {  	[timem:s3], [sflag:s2] =	dma.local @!p0 [hbm:s0], s1  }
0x13a: {  	s0 =	simm.s32 @!p0 $0x3  }
0x13b: {  	_ =	swait.ge @!p0 [sflag:s0], s1  }
0x13c: {  	s1 =	ssub.s32 @!p0 $0x0, s1;
	[sflag:s0] =	ssyncset.done @!p0 $0x0  }
0x13d: {  	[sflag:s0] =	ssyncadd.s32 @!p0 s1  }
0x13e: {  	[bflag:$0x3] =	sbarrier.arrive $0xFFFF  }
0x13f: {  	_ =	shalt  }

// kernel: kernel.9.cloned.1.call-start
scs
__scs_entry_jumppad:
0x0: {  	(pc) =	sbr.rel $0x88, $3  }
0x1: {  	(tag) =	ssettag $0x0;
	lr =	simm.s32 $0x1  }
0x2: {  	[smem:$0x3F97] =	sst lr;
	_ =	strace $0xD0000000  }
0x3: {  	_ = 	snop  }
0x4: {  	_ = 	snop  }
0x5: {  	_ = 	snop  }
0x6: {  	_ = 	snop  }
0x7: {  	_ = 	snop  }
__scs_overlays_trampoline_lowered:
0x8: {  	[smem:$0x3FA6] =	sst s0  }
0x9: {  	[smem:$0x3FA7] =	sst s1  }
0xa: {  	[smem:$0x3FA8] =	sst s2  }
0xb: {  	[smem:$0x3FA9] =	sst s3  }
0xc: {  	[smem:$0x3FAA] =	sst s4  }
0xd: {  	[smem:$0x3FAB] =	sst s5  }
0xe: {  	[smem:$0x3FAC] =	sst s6  }
0xf: {  	[smem:$0x3FAD] =	sst s7  }
0x10: {  	[smem:$0x3FAE] =	sst s8  }
0x11: {  	[smem:$0x3FAF] =	sst s9;
	s0 =	simm.s32 @!p0 $0x0  }
0x12: {  	s1 =	sld [smem:$0x3F95];
	s0 =	simm.s32 @p0 $0x1  }
0x13: {  	[smem:$0x3FB0] =	sst s0;
	s0 =	simm.s32 @!p1 $0x0  }
0x14: {  	s2 =	sld [smem:$0x3F94];
	s0 =	simm.s32 @p1 $0x1  }
0x15: {  	[smem:$0x3FB1] =	sst s0;
	s0 =	simm.s32 @!p2 $0x0  }
0x16: {  	s3 =	sld [smem:$0x3FDB];
	s0 =	simm.s32 @p2 $0x1  }
0x17: {  	s4 =	simm.s32 $0x1BF5;
	[smem:$0x3FB3] =	sst s0  }
0x18: {  	s0 =	sld [smem:$0x3F96];
	_ =	swait.ge [sflag:s4], $0x0  }
0x19: {  	s7 =	sld [smem:$0x3F97]  }
0x1a: {  	s8 =	sadd.s32 $0xFFFFE003, lr  }
0x1b: {  	s9 =	sadd.s32 $0xFFFFFEF7, lr;
	s5 =	simm.s32 $0xFFFFFFFF;
	p2 =	slt.u32 s8, $0xFFFFF086  }
0x1c: {  	p1 =	slt.u32 s9, $0xF7A;
	s5 =	simm.s32 @!p2 $0x0  }
0x1d: {  	s5 =	simm.s32 @p1 $0x1;
	p0 =	seq.s32 s7, s2  }
0x1e: {  	s7 =	smul.u32 @!p0 $0xF7A, s2;
	p2 =	seq.s32 @!p0 s5, $0x0  }
0x1f: {  	s9 =	smul.u32 $0xF7A, s1;
	s8 =	simm.s32 @!p0 $0x1BF5;
	p2 =	por !p2, p0  }
0x20: {  	[sflag:s8] =	ssyncset.s32 @!p0 $0xFFFFF086;
	s6 =	sadd.s32 @!p0 s3, s7;
	s7 =	simm.s32 @!p0 $0x108  }
0x21: {  	s3 =	sadd.s32 s3, s9;
	s6 =	sadd.s32 @!p0 $0x88, s6;
	s7 =	simm.s32 @p2 $0x1082  }
0x22: {  	[simem:s7], [sflag:s8] =	dma.local @!p0 [hbm:s6], $0xF7A  }
0x23: {  	s9 =	sor.u32 $0xD0000000, s2;
	s6 =	simm.s32 $0x108;
	_ =	swait.ge @!p0 [sflag:s8], $0x0  }
0x24: {  	s3 =	sadd.s32 $0x88, s3;
	s6 =	simm.s32 @!p1 $0x1082;
	[sflag:s4] =	ssyncset.s32 $0xFFFFF086  }
0x25: {  	[simem:s6], [sflag:s4] =	dma.local [hbm:s3], $0xF7A  }
0x26: {  	[smem:$0x3F97] =	sst s1;
	(tag) =	ssettag s2;
	_ =	strace s9  }
0x27: {  	s1 =	sld [smem:$0x3FA7]  }
0x28: {  	s2 =	sld [smem:$0x3FA8]  }
0x29: {  	s4 =	sld [smem:$0x3FAA]  }
0x2a: {  	p0 =	seq.s32 s5, $0x0;
	s5 =	sld [smem:$0x3FAB]  }
0x2b: {  	s6 =	sld [smem:$0x3FAC]  }
0x2c: {  	s7 =	sld [smem:$0x3FAD]  }
0x2d: {  	s3 =	simm.s32 $0x108;
	s8 =	sld [smem:$0x3FAE]  }
0x2e: {  	s3 =	simm.s32 @!p0 $0x1082;
	s9 =	sld [smem:$0x3FAF]  }
0x2f: {  	lr =	sadd.s32 s0, s3;
	s0 =	sld [smem:$0x3FA6]  }
0x30: {  	s3 =	sld [smem:$0x3FA9]  }
0x31: {  	[smem:$0x3FB2] =	sst s10  }
0x32: {  	s10 =	sld [smem:$0x3FB0];
	_ =	sdelay $0x3  }
0x33: {  	p0 =	seq.s32 s10, $0x1;
	s10 =	sld [smem:$0x3FB2];
	_ =	sdelay $0x3  }
0x34: {  	[smem:$0x3FB2] =	sst s10  }
0x35: {  	s10 =	sld [smem:$0x3FB1];
	_ =	sdelay $0x3  }
0x36: {  	p1 =	seq.s32 s10, $0x1;
	s10 =	sld [smem:$0x3FB2];
	_ =	sdelay $0x3  }
0x37: {  	[smem:$0x3FB2] =	sst s10  }
0x38: {  	s10 =	sld [smem:$0x3FB3]  }
0x39: {  	_ = 	snop;
	(pc) =	sbr.ind lr, $3  }
0x3a: {  	_ = 	snop  }
0x3b: {  	_ = 	snop  }
0x3c: {  	p2 =	seq.s32 s10, $0x1;
	s10 =	sld [smem:$0x3FB2]  }
0x3d: {  	_ =	shalt  }
0x3e: {  	_ =	shalt  }
0x3f: {  	_ =	shalt  }
0x40: {  	_ =	shalt  }
0x41: {  	_ =	shalt  }
0x42: {  	_ =	shalt  }
0x43: {  	_ =	shalt  }
0x44: {  	_ =	shalt  }
0x45: {  	_ =	shalt  }
0x46: {  	_ =	shalt  }
0x47: {  	_ =	shalt  }
0x48: {  	_ =	shalt  }
0x49: {  	_ =	shalt  }
0x4a: {  	_ =	shalt  }
0x4b: {  	_ =	shalt  }
0x4c: {  	_ =	shalt  }
0x4d: {  	_ =	shalt  }
0x4e: {  	_ =	shalt  }
0x4f: {  	_ =	shalt  }
0x50: {  	_ =	shalt  }
0x51: {  	_ =	shalt  }
0x52: {  	_ =	shalt  }
0x53: {  	_ =	shalt  }
0x54: {  	_ =	shalt  }
0x55: {  	_ =	shalt  }
0x56: {  	_ =	shalt  }
0x57: {  	_ =	shalt  }
0x58: {  	_ =	shalt  }
0x59: {  	_ =	shalt  }
0x5a: {  	_ =	shalt  }
0x5b: {  	_ =	shalt  }
0x5c: {  	_ =	shalt  }
0x5d: {  	_ =	shalt  }
0x5e: {  	_ =	shalt  }
0x5f: {  	_ =	shalt  }
0x60: {  	_ =	shalt  }
0x61: {  	_ =	shalt  }
0x62: {  	_ =	shalt  }
0x63: {  	_ =	shalt  }
0x64: {  	_ =	shalt  }
0x65: {  	_ =	shalt  }
0x66: {  	_ =	shalt  }
0x67: {  	_ =	shalt  }
0x68: {  	_ =	shalt  }
0x69: {  	_ =	shalt  }
0x6a: {  	_ =	shalt  }
0x6b: {  	_ =	shalt  }
0x6c: {  	_ =	shalt  }
0x6d: {  	_ =	shalt  }
0x6e: {  	_ =	shalt  }
0x6f: {  	_ =	shalt  }
0x70: {  	_ =	shalt  }
0x71: {  	_ =	shalt  }
0x72: {  	_ =	shalt  }
0x73: {  	_ =	shalt  }
0x74: {  	_ =	shalt  }
0x75: {  	_ =	shalt  }
0x76: {  	_ =	shalt  }
0x77: {  	_ =	shalt  }
0x78: {  	_ =	shalt  }
0x79: {  	_ =	shalt  }
0x7a: {  	_ =	shalt  }
0x7b: {  	_ =	shalt  }
0x7c: {  	_ =	shalt  }
0x7d: {  	_ =	shalt  }
0x7e: {  	_ =	shalt  }
0x7f: {  	_ =	shalt  }
0x80: {  	_ =	shalt  }
0x81: {  	_ =	shalt  }
0x82: {  	_ =	shalt  }
0x83: {  	_ =	shalt  }
0x84: {  	_ =	shalt  }
0x85: {  	_ =	shalt  }
0x86: {  	_ =	shalt  }
0x87: {  	_ =	shalt  }
.Lfunc_end0:
.L_simem_size_0:
called_computation.1_lowered:
.L_overlay_start_0:
0x88: {  	s2 =	sld [smem:$0x3FD9]  }
0x89: {  	s3 =	sld [smem:$0x3FFE];
	_ =	sdelay $0x1  }
0x8a: {  	s1 =	srdreg.scid  }
0x8b: {  	s0 =	sand.u32 $0x1, s1  }
0x8c: {  	s16 =	sshll.u32 s0, $0xA;
	s2 =	sadd.s32 s3, s2  }
0x8d: {  	s2 =	sadd.s32 s2, s16  }
0x8e: {  	[smem:$0x3FBE] =	sst s2  }
0x8f: {  	_ = 	snop  }
0x90: {  	(tm) =	ssettm $0x1  }
0x91: {  	s17 =	sld [smem:$0x3FFB];
	_ =	sdelay $0x3  }
0x92: {  	_ =	strace s17  }
0x93: {  	s2 =	sld [smem:$0x3FFC];
	_ =	sdelay $0x3  }
0x94: {  	_ =	strace s2  }
0x95: {  	s2 =	sld [smem:$0x3FFD];
	_ =	sdelay $0x3  }
0x96: {  	_ =	strace s2  }
0x97: {  	_ =	strace $0x8FFFFFFF  }
0x98: {  	s18 =	sld [smem:$0x3FDB];
	_ =	sdelay $0x1  }
0x99: {  	s19 =	simm.s32 $_scs_section_size  }
0x9a: {  	s4 =	simm.s32 $_size__tile_overlayer_lowered;
	s5 =	simm.s32 $_tile_overlayer_lowered  }
0x9b: {  	s22 =	simm.s32 $0x1BFF;
	s21 =	sshll.u32 s5, $0x1;
	s2 =	sadd.s32 s19, s18  }
0x9c: {  	s6 =	simm.s32 $0x0;
	s20 =	sshll.u32 s4, $0x1;
	s4 =	sadd.s32 s21, s2  }
0x9d: {  	[timem:s6], [sflag:s22] =	dma.local [hbm:s4], s20  }
0x9e: {  	_ =	swait.ge [sflag:s22], s20  }
0x9f: {  	s3 =	ssub.s32 $0x0, s20;
	[sflag:s22] =	ssyncset.done $0x0  }
0xa0: {  	[sflag:s22] =	ssyncadd.s32 s3;
	_ =	sdelay $0x1  }
0xa1: {  	s23 =	simm.s32 $0x1B8B  }
0xa2: {  	_ =	swait.ge [sflag:s23], $0x1  }
0xa3: {  	[sflag:s23] =	ssyncset.done $0x0  }
0xa4: {  	s25 =	simm.s32 $0x1B8E;
	s24 =	sld [smem:$0x3FFE];
	[sflag:s23] =	ssyncadd.s32 $0xFFFFFFFF  }
0xa5: {  	s26 =	simm.s32 $execute0_lowered;
	[smem:$0x3FD2] =	sst s25  }
0xa6: {  	s4 =	sshll.u32 s26, $0x1;
	_ =	strace $0x80000049;
	[dreg:$0x1] =	wrdreg $0xFFFFFFFF  }
0xa7: {  	s28 =	simm.s32 $_size_execute0_lowered;
	s2 =	sadd.s32 s2, s4;
	[dreg:$0x0] =	wrdreg $0x0  }
0xa8: {  	s4 =	sshll.u32 s28, $0x1;
	[dreg:$0x2] =	wrdreg s2  }
0xa9: {  	[dreg:$0x3] =	wrdreg s4  }
0xaa: {  	[dreg:$0x4] =	wrdreg $0xC0  }
0xab: {  	_ =	task [dreg:s6], $0x5FFFF  }
0xac: {  	[dreg:$0x1] =	wrdreg $0xFFFFFFFF  }
0xad: {  	[dreg:$0x0] =	wrdreg $0x60  }
0xae: {  	[dreg:$0x2] =	wrdreg s24  }
0xaf: {  	[dreg:$0x3] =	wrdreg $0xAA000  }
0xb0: {  	[dreg:$0x4] =	wrdreg $0x9  }
0xb1: {  	_ =	task.clear_ibuf [dreg:s6], $0x5FFFF;
	_ =	strace $0x90000049  }
0xb2: {  	s29 =	simm.s32 $0x9;
	_ =	strace $0x8000004B  }
0xb3: {  	_ =	swait.ge [sflag:s29], $0x1  }
0xb4: {  	[sflag:s29] =	ssyncadd.s32 $0xFFFFFFFF  }
0xb5: {  	_ =	strace $0x9000004B  }
0xb6: {  	_ =	sfence  }
0xb7: {  	s30 =	sld [smem:$0x0];
	_ =	sdelay $0x2  }
0xb8: {  	s31 =	sshll.u32 s1, $0xD;
	s1 =	sshrl.u32 s1, $0x2  }
0xb9: {  	s3 =	sand.u32 $0x4000, s31;
	s1 =	sadd.s32 s1, s30  }
0xba: {  	s0 =	sor.u32 s3, s0;
	s1 =	sshll.u32 s1, $0x11  }
0xbb: {  	s0 =	sor.u32 s1, s0  }
0xbc: {  	s0 =	sadd.s32 $0x8F2B, s0  }
0xbd: {  	[sflag:s0] =	ssyncadd.remote.s32 $0x1  }
0xbe: {  	_ =	sfence.sel $0xFFFF  }
0xbf: {  	[dreg:$0x0] =	wrdreg $0xFFFFFFFF;
	(pc) =	sbr.abs _section_cstart, $3  }
0xc0: {  	[dreg:$0x1] =	wrdreg $0xFFFFFFFF  }
0xc1: {  	_ =	task.clear_ibuf [dreg:s6], $0x2FFFF;
	_ =	strace $0x9FFFFFFF  }
0xc2: {  	(tm) =	ssettm $0x7FFFFFFF  }
0xc3: {  	_ =	shalt  }
tec
execute0_lowered:
.L_overlay_start_1:
0x0: {  	(tag) =	ssettag $0x1  }
0x1: {  	s0 =	srdreg.scid;
	s6 =	rddreg [dreg:$0x0];
	s14 =	simm.s32 $0x2A00  }
0x2: {  	s15 =	simm.s32 $0x3;
	s16 =	simm.s32 $0x80;
	s17 =	simm.s32 $0x2800  }
0x3: {  	s18 =	simm.s32 $0x1;
	s19 =	simm.s32 $0x2880;
	s20 =	simm.s32 $0x6A00  }
0x4: {  	s21 =	simm.s32 $0x2900;
	s22 =	simm.s32 $0x2980;
	s1 =	sand.u32 $0x1, s0  }
0x5: {  	s25 =	simm.s32 $0x0;
	s0 =	stileid.u32;
	s7 =	smul.u32 $0x140000, s1  }
0x6: {  	s4 =	sadd.s32 $0x35A00, s6;
	s2 =	sshll.u32 s1, $0x4;
	s8 =	smul.u32 $0x14000, s0  }
0x7: {  	s9 =	smul.u32 $0x50000, s0;
	s1 =	ssub.s32 $0x2, s1;
	s31 =	sshll.u32 s0, $0x6  }
0x8: {  	s3 =	sor.u32 s0, s2;
	s2 =	rddreg [dreg:$0x1];
	s30 =	sshrl.u32 s1, $0x1  }
0x9: {  	s23 =	sor.u32 $0x1C03, s31;
	s5 =	smul.u32 $0x500, s3;
	s3 =	simm.s32 $0x0  }
0xa: {  	s7 =	sadd.s32 s8, s7;
	s29 =	sshrl.u32 s9, $0x2;
	s1 =	ssub.s32 s1, s30  }
0xb: {  	[smem:$0x7FF] =	sst s3;
	s7 =	sshrl.u32 s7, $0x3;
	s11 =	sadd.s32 s5, s6  }
0xc: {  	s5 =	sadd.s32 $0xE000, s6;
	s12 =	sadd.s32 s7, s6;
	s6 =	sadd.s32 s29, s2  }
0xd: {  	s13 =	smax.u32 s1, $0x1;
	_ =	strace $0x8000004A;
	s7 =	sadd.s32 $0x4000, s6  }
0xe: {  	s8 =	sadd.s32 $0x8000, s6;
	s9 =	sadd.s32 $0xC000, s6;
	s10 =	sadd.s32 $0x10000, s6  }
0xf: {  	s11 =	sadd.s32 $0x3E00, s11;
	s12 =	sadd.s32 $0x5CE00, s12;
	s24 =	sshrl.u32 s6, $0x3  }
.LBB2_1:
0x10: {  	[tilespmem:s14], [sflag:$0x3] =	stream.linear.gather [hbm4b:s5+s3], $0x4000, $0x38;
	[tilespmem:$0x1EA00] =	vst v63  }
0x11: {  	_ =	swait.ge [sflag:s15], $0x4000  }
0x12: {  	[sflag:s15] =	ssyncset.done $0x0  }
0x13: {  	[sflag:s15] =	ssyncadd.s32 $0xFFFFC000  }
0x14: {  	[spmem:s6] =	stream.linear.scatter [tilespmem:s14], [sflag:$0x3], $0x4000, $0x38;
	[tilespmem:$0x1EA00] =	vst v63  }
0x15: {  	_ =	swait.ge [sflag:s15], $0x4000  }
0x16: {  	[sflag:s15] =	ssyncset.done $0x0  }
0x17: {  	[sflag:s15] =	ssyncadd.s32 $0xFFFFC000  }
0x18: {  	[spmem:s7] =	stream.linear.scatter [tilespmem:s14], [sflag:$0x3], $0x4000, $0x38;
	[tilespmem:$0x1EA00] =	vst v63  }
0x19: {  	_ =	swait.ge [sflag:s15], $0x4000  }
0x1a: {  	[sflag:s15] =	ssyncset.done $0x0  }
0x1b: {  	[sflag:s15] =	ssyncadd.s32 $0xFFFFC000  }
0x1c: {  	[spmem:s8] =	stream.linear.scatter [tilespmem:s14], [sflag:$0x3], $0x4000, $0x38;
	[tilespmem:$0x1EA00] =	vst v63  }
0x1d: {  	_ =	swait.ge [sflag:s15], $0x4000  }
0x1e: {  	[sflag:s15] =	ssyncset.done $0x0  }
0x1f: {  	[sflag:s15] =	ssyncadd.s32 $0xFFFFC000  }
0x20: {  	[spmem:s9] =	stream.linear.scatter [tilespmem:s14], [sflag:$0x3], $0x4000, $0x38;
	[tilespmem:$0x1EA00] =	vst v63  }
0x21: {  	_ =	swait.ge [sflag:s15], $0x4000  }
0x22: {  	[sflag:s15] =	ssyncset.done $0x0  }
0x23: {  	[sflag:s15] =	ssyncadd.s32 $0xFFFFC000  }
0x24: {  	[spmem:s10] =	stream.linear.scatter [tilespmem:s14], [sflag:$0x3], $0x4000, $0x38;
	[tilespmem:$0x1EA00] =	vst v63  }
0x25: {  	_ =	swait.ge [sflag:s15], $0x4000  }
0x26: {  	[sflag:s15] =	ssyncset.done $0x0  }
0x27: {  	[sflag:s15] =	ssyncadd.s32 $0xFFFFC000  }
0x28: {  	[tilespmem:s3], [sflag:$0x3] =	stream.linear.gather [hbm4b:s11+s3], $0x2800, $0x38;
	[tilespmem:$0x1EA00] =	vst v63  }
0x29: {  	_ =	swait.ge [sflag:s15], $0x2800  }
0x2a: {  	[sflag:s15] =	ssyncset.done $0x0  }
0x2b: {  	[sflag:s15] =	ssyncadd.s32 $0xFFFFD800  }
0x2c: {  	[bflag:$0x0] =	sbarrier.arrive $0xFFFF  }
0x2d: {  	v0 =	vld [tilespmem:$0x0];
	_ =	sdelay $0x1  }
0x2e: {  	v1 =	vld [tilespmem:$0x10];
	_ =	sdelay $0x1  }
0x2f: {  	v2 =	vld [tilespmem:$0x20]  }
0x30: {  	v3 =	vshrl.u32 v0, $0xE  }
0x31: {  	v37 =	vld [tilespmem:$0x30];
	v0 =	vand.u32 $0x3FFF, v0;
	[tilespmem:$0x2800] =	vst v3  }
0x32: {  	v38 =	vshrl.u32 v1, $0xE;
	[tilespmem:$0x2900] =	vst v0  }
0x33: {  	v40 =	vld [tilespmem:$0x40];
	v39 =	vand.u32 $0x3FFF, v1;
	[tilespmem:$0x2810] =	vst v38  }
0x34: {  	v41 =	vshrl.u32 v2, $0xE;
	[tilespmem:$0x2910] =	vst v39  }
0x35: {  	v43 =	vld [tilespmem:$0x50];
	v42 =	vand.u32 $0x3FFF, v2;
	[tilespmem:$0x2820] =	vst v41  }
0x36: {  	v44 =	vshrl.u32 v37, $0xE;
	[tilespmem:$0x2920] =	vst v42  }
0x37: {  	v46 =	vld [tilespmem:$0x60];
	v45 =	vand.u32 $0x3FFF, v37;
	[tilespmem:$0x2830] =	vst v44  }
0x38: {  	v47 =	vshrl.u32 v40, $0xE;
	[tilespmem:$0x2930] =	vst v45  }
0x39: {  	v49 =	vld [tilespmem:$0x70];
	v48 =	vand.u32 $0x3FFF, v40;
	[tilespmem:$0x2840] =	vst v47  }
0x3a: {  	v50 =	vshrl.u32 v43, $0xE;
	[tilespmem:$0x2940] =	vst v48  }
0x3b: {  	v51 =	vand.u32 $0x3FFF, v43;
	[tilespmem:$0x2850] =	vst v50  }
0x3c: {  	v52 =	vshrl.u32 v46, $0xE;
	[tilespmem:$0x2950] =	vst v51  }
0x3d: {  	v53 =	vand.u32 $0x3FFF, v46;
	[tilespmem:$0x2860] =	vst v52  }
0x3e: {  	v54 =	vshrl.u32 v49, $0xE;
	[tilespmem:$0x2960] =	vst v53  }
0x3f: {  	v55 =	vand.u32 $0x3FFF, v49;
	[tilespmem:$0x2870] =	vst v54  }
0x40: {  	s1 =	simm.s32 $0x0;
	[tilespmem:$0x2970] =	vst v55  }
0x41: {  	[tilespmem:s14], [sflag:$0x1] =	stream.indirect.gather [hbm4b:s4+s16], $0x80, s17, s16, $0xb8;
	[tilespmem:$0x1EA00] =	vst v63  }
0x42: {  	v0 =	vld [tilespmem:s1+$0x80];
	_ =	sdelay $0x4  }
0x43: {  	v56 =	vshrl.u32 v0, $0xE  }
0x44: {  	v0 =	vand.u32 $0x3FFF, v0;
	[tilespmem:$0x2880] =	vst v56  }
0x45: {  	[tilespmem:$0x2980] =	vst v0  }
0x46: {  	v0 =	vld [tilespmem:s1+$0x90];
	_ =	sdelay $0x4  }
0x47: {  	v57 =	vshrl.u32 v0, $0xE  }
0x48: {  	v0 =	vand.u32 $0x3FFF, v0;
	[tilespmem:$0x2890] =	vst v57  }
0x49: {  	[tilespmem:$0x2990] =	vst v0  }
0x4a: {  	v0 =	vld [tilespmem:s1+$0xA0];
	_ =	sdelay $0x4  }
0x4b: {  	v58 =	vshrl.u32 v0, $0xE  }
0x4c: {  	v0 =	vand.u32 $0x3FFF, v0;
	[tilespmem:$0x28A0] =	vst v58  }
0x4d: {  	[tilespmem:$0x29A0] =	vst v0  }
0x4e: {  	v0 =	vld [tilespmem:s1+$0xB0];
	_ =	sdelay $0x4  }
0x4f: {  	v59 =	vshrl.u32 v0, $0xE  }
0x50: {  	v0 =	vand.u32 $0x3FFF, v0;
	[tilespmem:$0x28B0] =	vst v59  }
0x51: {  	[tilespmem:$0x29B0] =	vst v0  }
0x52: {  	v0 =	vld [tilespmem:s1+$0xC0];
	_ =	sdelay $0x4  }
0x53: {  	v60 =	vshrl.u32 v0, $0xE  }
0x54: {  	v0 =	vand.u32 $0x3FFF, v0;
	[tilespmem:$0x28C0] =	vst v60  }
0x55: {  	[tilespmem:$0x29C0] =	vst v0  }
0x56: {  	v0 =	vld [tilespmem:s1+$0xD0];
	_ =	sdelay $0x4  }
0x57: {  	v61 =	vshrl.u32 v0, $0xE  }
0x58: {  	v0 =	vand.u32 $0x3FFF, v0;
	[tilespmem:$0x28D0] =	vst v61  }
0x59: {  	[tilespmem:$0x29D0] =	vst v0  }
0x5a: {  	v0 =	vld [tilespmem:s1+$0xE0];
	_ =	sdelay $0x4  }
0x5b: {  	v62 =	vshrl.u32 v0, $0xE  }
0x5c: {  	v0 =	vand.u32 $0x3FFF, v0;
	[tilespmem:$0x28E0] =	vst v62  }
0x5d: {  	[tilespmem:$0x29E0] =	vst v0  }
0x5e: {  	v0 =	vld [tilespmem:s1+$0xF0];
	_ =	sdelay $0x4  }
0x5f: {  	v63 =	vshrl.u32 v0, $0xE  }
0x60: {  	v0 =	vand.u32 $0x3FFF, v0;
	[tilespmem:$0x28F0] =	vst v63  }
0x61: {  	[tilespmem:$0x29F0] =	vst v0  }
0x62: {  	_ =	swait.ge [sflag:s18], $0x4000  }
0x63: {  	[sflag:s18] =	ssyncset.done $0x0  }
0x64: {  	[sflag:s18] =	ssyncadd.s32 $0xFFFFC000  }
0x65: {  	[tilespmem:s20], [sflag:$0x2] =	stream.indirect.gather [hbm4b:s4+s16], $0x80, s19, s16, $0xb8;
	[tilespmem:$0x1EA00] =	vst v63  }
0x66: {  	_ = 	snop  }
0x67: {  	[spmem:s2] =	stream.indirect.scatter.add.f32 [tilespmem:s14], [sflag:$0x3], $0x80, s21, s16, $0xb8;
	[tilespmem:$0x1EA00] =	vst v63  }
0x68: {  	_ =	swait.ge [sflag:s15], $0x4000  }
0x69: {  	p1 =	por $0x0, $0x0;
	[sflag:s15] =	ssyncset.done $0x0  }
0x6a: {  	s1 =	simm.s32 @p1 $0x2;
	[sflag:s15] =	ssyncadd.s32 $0xFFFFC000  }
0x6b: {  	_ =	swait.ge @p1 [sflag:s1], $0x4000  }
0x6c: {  	[sflag:s1] =	ssyncset.done @p1 $0x0  }
0x6d: {  	s28 =	simm.s32 @!p1 $0x0;
	[sflag:s1] =	ssyncadd.s32 @p1 $0xFFFFC000  }
0x6e: {  	v0 =	vld @!p1 [tilespmem:s28+$0x100];
	_ =	sdelay $0x4  }
0x6f: {  	v1 =	vshrl.u32 @!p1 v0, $0xE  }
0x70: {  	v0 =	vand.u32 @!p1 $0x3FFF, v0;
	[tilespmem:$0x2800] =	vst @!p1 v1  }
0x71: {  	[tilespmem:$0x2900] =	vst @!p1 v0  }
0x72: {  	v0 =	vld @!p1 [tilespmem:s28+$0x110];
	_ =	sdelay $0x4  }
0x73: {  	v1 =	vshrl.u32 @!p1 v0, $0xE  }
0x74: {  	v0 =	vand.u32 @!p1 $0x3FFF, v0;
	[tilespmem:$0x2810] =	vst @!p1 v1  }
0x75: {  	[tilespmem:$0x2910] =	vst @!p1 v0  }
0x76: {  	v0 =	vld @!p1 [tilespmem:s28+$0x120];
	_ =	sdelay $0x4  }
0x77: {  	v1 =	vshrl.u32 @!p1 v0, $0xE  }
0x78: {  	v0 =	vand.u32 @!p1 $0x3FFF, v0;
	[tilespmem:$0x2820] =	vst @!p1 v1  }
0x79: {  	[tilespmem:$0x2920] =	vst @!p1 v0  }
0x7a: {  	v0 =	vld @!p1 [tilespmem:s28+$0x130];
	_ =	sdelay $0x4  }
0x7b: {  	v1 =	vshrl.u32 @!p1 v0, $0xE  }
0x7c: {  	v0 =	vand.u32 @!p1 $0x3FFF, v0;
	[tilespmem:$0x2830] =	vst @!p1 v1  }
0x7d: {  	[tilespmem:$0x2930] =	vst @!p1 v0  }
0x7e: {  	v0 =	vld @!p1 [tilespmem:s28+$0x140];
	_ =	sdelay $0x4  }
0x7f: {  	v1 =	vshrl.u32 @!p1 v0, $0xE  }
0x80: {  	v0 =	vand.u32 @!p1 $0x3FFF, v0;
	[tilespmem:$0x2840] =	vst @!p1 v1  }
0x81: {  	[tilespmem:$0x2940] =	vst @!p1 v0  }
0x82: {  	v0 =	vld @!p1 [tilespmem:s28+$0x150];
	_ =	sdelay $0x4  }
0x83: {  	v1 =	vshrl.u32 @!p1 v0, $0xE  }
0x84: {  	v0 =	vand.u32 @!p1 $0x3FFF, v0;
	[tilespmem:$0x2850] =	vst @!p1 v1  }
0x85: {  	[tilespmem:$0x2950] =	vst @!p1 v0  }
0x86: {  	v0 =	vld @!p1 [tilespmem:s28+$0x160];
	_ =	sdelay $0x4  }
0x87: {  	v1 =	vshrl.u32 @!p1 v0, $0xE  }
0x88: {  	s26 =	simm.s32 $0x400;
	s29 =	simm.s32 @!p1 $0x2;
	v0 =	vand.u32 @!p1 $0x3FFF, v0;
	[tilespmem:$0x2860] =	vst @!p1 v1  }
0x89: {  	s30 =	simm.s32 @!p1 $0x80;
	s31 =	simm.s32 @!p1 $0x2800;
	s1 =	simm.s32 @!p1 $0x2A00;
	[tilespmem:$0x2960] =	vst @!p1 v0  }
.LBB2_2:
0x8a: {  	v0 =	vld @!p1 [tilespmem:s28+$0x170];
	s28 =	smov.u32 s26;
	s26 =	sadd.s32 $0x400, s26  }
0x8b: {  	p0 =	sne.s32 s26, $0xA000;
	_ =	sdelay $0x3  }
0x8c: {  	v1 =	vshrl.u32 @!p1 v0, $0xE;
	v0 =	vand.u32 @!p1 $0x3FFF, v0  }
0x8d: {  	[tilespmem:$0x2870] =	vst @!p1 v1  }
0x8e: {  	[tilespmem:$0x2970] =	vst @!p1 v0  }
0x8f: {  	_ =	swait.ge @!p1 [sflag:s29], $0x4000  }
0x90: {  	[sflag:s29] =	ssyncset.done @!p1 $0x0  }
0x91: {  	[sflag:s29] =	ssyncadd.s32 @!p1 $0xFFFFC000  }
0x92: {  	[tilespmem:s1], [sflag:$0x1] =	stream.indirect.gather @!p1 [hbm4b:s4+s30], $0x80, s31, s30, $0xb8;
	[tilespmem:$0x1EA00] =	vst v63  }
0x93: {  	_ = 	snop  }
0x94: {  	[spmem:s2] =	stream.indirect.scatter.add.f32 [tilespmem:s20], [sflag:$0x3], $0x80, s22, s16, $0xb8;
	[tilespmem:$0x1EA00] =	vst v63  }
0x95: {  	_ =	swait.ge [sflag:s15], $0x4000  }
0x96: {  	[sflag:s15] =	ssyncset.done $0x0  }
0x97: {  	s29 =	sshra.s32 s28, $0x2;
	[sflag:s15] =	ssyncadd.s32 $0xFFFFC000  }
0x98: {  	v0 =	vld [tilespmem:s29+$0x80];
	_ =	sdelay $0x4  }
0x99: {  	v1 =	vshrl.u32 v0, $0xE;
	v0 =	vand.u32 $0x3FFF, v0  }
0x9a: {  	[tilespmem:$0x2880] =	vst v1  }
0x9b: {  	[tilespmem:$0x2980] =	vst v0  }
0x9c: {  	v0 =	vld [tilespmem:s29+$0x90];
	_ =	sdelay $0x4  }
0x9d: {  	v1 =	vshrl.u32 v0, $0xE;
	v0 =	vand.u32 $0x3FFF, v0  }
0x9e: {  	[tilespmem:$0x2890] =	vst v1  }
0x9f: {  	[tilespmem:$0x2990] =	vst v0  }
0xa0: {  	v0 =	vld [tilespmem:s29+$0xA0];
	_ =	sdelay $0x4  }
0xa1: {  	v1 =	vshrl.u32 v0, $0xE;
	v0 =	vand.u32 $0x3FFF, v0  }
0xa2: {  	[tilespmem:$0x28A0] =	vst v1  }
0xa3: {  	[tilespmem:$0x29A0] =	vst v0  }
0xa4: {  	v0 =	vld [tilespmem:s29+$0xB0];
	_ =	sdelay $0x4  }
0xa5: {  	v1 =	vshrl.u32 v0, $0xE;
	v0 =	vand.u32 $0x3FFF, v0  }
0xa6: {  	[tilespmem:$0x28B0] =	vst v1  }
0xa7: {  	[tilespmem:$0x29B0] =	vst v0  }
0xa8: {  	v0 =	vld [tilespmem:s29+$0xC0];
	_ =	sdelay $0x4  }
0xa9: {  	v1 =	vshrl.u32 v0, $0xE;
	v0 =	vand.u32 $0x3FFF, v0  }
0xaa: {  	[tilespmem:$0x28C0] =	vst v1  }
0xab: {  	[tilespmem:$0x29C0] =	vst v0  }
0xac: {  	v0 =	vld [tilespmem:s29+$0xD0];
	_ =	sdelay $0x4  }
0xad: {  	v1 =	vshrl.u32 v0, $0xE;
	v0 =	vand.u32 $0x3FFF, v0  }
0xae: {  	[tilespmem:$0x28D0] =	vst v1  }
0xaf: {  	[tilespmem:$0x29D0] =	vst v0  }
0xb0: {  	v0 =	vld [tilespmem:s29+$0xE0];
	_ =	sdelay $0x4  }
0xb1: {  	v1 =	vshrl.u32 v0, $0xE;
	v0 =	vand.u32 $0x3FFF, v0  }
0xb2: {  	[tilespmem:$0x28E0] =	vst v1  }
0xb3: {  	[tilespmem:$0x29E0] =	vst v0  }
0xb4: {  	v0 =	vld [tilespmem:s29+$0xF0];
	_ =	sdelay $0x4  }
0xb5: {  	v1 =	vshrl.u32 v0, $0xE;
	v0 =	vand.u32 $0x3FFF, v0  }
0xb6: {  	[tilespmem:$0x28F0] =	vst v1  }
0xb7: {  	p1 =	seq.s32 s28, $0x9C00;
	[tilespmem:$0x29F0] =	vst v0  }
0xb8: {  	s1 =	simm.s32 @p1 $0x2;
	_ =	swait.ge [sflag:s18], $0x4000  }
0xb9: {  	[sflag:s18] =	ssyncset.done $0x0  }
0xba: {  	s28 =	sshra.s32 @!p1 s28, $0x2;
	[sflag:s18] =	ssyncadd.s32 $0xFFFFC000  }
0xbb: {  	[tilespmem:s20], [sflag:$0x2] =	stream.indirect.gather [hbm4b:s4+s16], $0x80, s19, s16, $0xb8;
	[tilespmem:$0x1EA00] =	vst v63  }
0xbc: {  	_ = 	snop  }
0xbd: {  	[spmem:s2] =	stream.indirect.scatter.add.f32 [tilespmem:s14], [sflag:$0x3], $0x80, s21, s16, $0xb8;
	[tilespmem:$0x1EA00] =	vst v63  }
0xbe: {  	_ =	swait.ge [sflag:s15], $0x4000  }
0xbf: {  	[sflag:s15] =	ssyncset.done $0x0  }
0xc0: {  	[sflag:s15] =	ssyncadd.s32 $0xFFFFC000  }
0xc1: {  	_ =	swait.ge @p1 [sflag:s1], $0x4000  }
0xc2: {  	[sflag:s1] =	ssyncset.done @p1 $0x0  }
0xc3: {  	[sflag:s1] =	ssyncadd.s32 @p1 $0xFFFFC000  }
0xc4: {  	v0 =	vld @!p1 [tilespmem:s28+$0x100];
	_ =	sdelay $0x4  }
0xc5: {  	v1 =	vshrl.u32 @!p1 v0, $0xE;
	v0 =	vand.u32 @!p1 $0x3FFF, v0  }
0xc6: {  	[tilespmem:$0x2800] =	vst @!p1 v1  }
0xc7: {  	[tilespmem:$0x2900] =	vst @!p1 v0  }
0xc8: {  	v0 =	vld @!p1 [tilespmem:s28+$0x110];
	_ =	sdelay $0x4  }
0xc9: {  	v1 =	vshrl.u32 @!p1 v0, $0xE;
	v0 =	vand.u32 @!p1 $0x3FFF, v0  }
0xca: {  	[tilespmem:$0x2810] =	vst @!p1 v1  }
0xcb: {  	[tilespmem:$0x2910] =	vst @!p1 v0  }
0xcc: {  	v0 =	vld @!p1 [tilespmem:s28+$0x120];
	_ =	sdelay $0x4  }
0xcd: {  	v1 =	vshrl.u32 @!p1 v0, $0xE;
	v0 =	vand.u32 @!p1 $0x3FFF, v0  }
0xce: {  	[tilespmem:$0x2820] =	vst @!p1 v1  }
0xcf: {  	[tilespmem:$0x2920] =	vst @!p1 v0  }
0xd0: {  	v0 =	vld @!p1 [tilespmem:s28+$0x130];
	_ =	sdelay $0x4  }
0xd1: {  	v1 =	vshrl.u32 @!p1 v0, $0xE;
	v0 =	vand.u32 @!p1 $0x3FFF, v0  }
0xd2: {  	[tilespmem:$0x2830] =	vst @!p1 v1  }
0xd3: {  	[tilespmem:$0x2930] =	vst @!p1 v0  }
0xd4: {  	v0 =	vld @!p1 [tilespmem:s28+$0x140];
	_ =	sdelay $0x4  }
0xd5: {  	v1 =	vshrl.u32 @!p1 v0, $0xE;
	v0 =	vand.u32 @!p1 $0x3FFF, v0  }
0xd6: {  	[tilespmem:$0x2840] =	vst @!p1 v1  }
0xd7: {  	[tilespmem:$0x2940] =	vst @!p1 v0  }
0xd8: {  	v0 =	vld @!p1 [tilespmem:s28+$0x150];
	_ =	sdelay $0x4  }
0xd9: {  	v1 =	vshrl.u32 @!p1 v0, $0xE;
	v0 =	vand.u32 @!p1 $0x3FFF, v0  }
0xda: {  	[tilespmem:$0x2850] =	vst @!p1 v1  }
0xdb: {  	s29 =	simm.s32 @!p1 $0x2;
	[tilespmem:$0x2950] =	vst @!p1 v0  }
0xdc: {  	v0 =	vld @!p1 [tilespmem:s28+$0x160];
	_ =	sdelay $0x1  }
0xdd: {  	s30 =	simm.s32 @!p1 $0x80;
	s31 =	simm.s32 @!p1 $0x2800;
	s1 =	simm.s32 @!p1 $0x2A00  }
.Ltmp0:
0xde: {  	(pc) =	sbr.rel @p0 .LBB2_2-.Ltmp0, $4  }
0xdf: {  	_ = 	snop  }
0xe0: {  	v1 =	vshrl.u32 @!p1 v0, $0xE;
	v0 =	vand.u32 @!p1 $0x3FFF, v0  }
0xe1: {  	[tilespmem:$0x2860] =	vst @!p1 v1  }
0xe2: {  	[tilespmem:$0x2960] =	vst @!p1 v0  }
0xe3: {  	v0 =	vld @!p1 [tilespmem:s28+$0x170];
	_ =	sdelay $0x4  }
0xe4: {  	v1 =	vshrl.u32 @!p1 v0, $0xE  }
0xe5: {  	v0 =	vand.u32 @!p1 $0x3FFF, v0;
	[tilespmem:$0x2870] =	vst @!p1 v1  }
0xe6: {  	[tilespmem:$0x2970] =	vst @!p1 v0  }
0xe7: {  	_ =	swait.ge @!p1 [sflag:s29], $0x4000  }
0xe8: {  	[sflag:s29] =	ssyncset.done @!p1 $0x0  }
0xe9: {  	[sflag:s29] =	ssyncadd.s32 @!p1 $0xFFFFC000  }
0xea: {  	[tilespmem:s1], [sflag:$0x1] =	stream.indirect.gather @!p1 [hbm4b:s4+s30], $0x80, s31, s30, $0xb8;
	[tilespmem:$0x1EA00] =	vst v63  }
0xeb: {  	_ = 	snop  }
0xec: {  	[spmem:s2] =	stream.indirect.scatter.add.f32 [tilespmem:s20], [sflag:$0x3], $0x80, s22, s16, $0xb8;
	[tilespmem:$0x1EA00] =	vst v63  }
0xed: {  	_ =	swait.ge [sflag:s15], $0x4000  }
0xee: {  	s25 =	sadd.s32 $0x1, s25;
	[sflag:s15] =	ssyncset.done $0x0  }
0xef: {  	p0 =	sne.s32 s25, s13;
	[sflag:s15] =	ssyncadd.s32 $0xFFFFC000  }
.Ltmp1:
0xf0: {  	[bflag:$0x0] =	sbarrier.arrive $0xFFFF;
	(pc) =	sbr.rel @p0 .LBB2_1-.Ltmp1, $4  }
0xf1: {  	[hbm:s12], [sflag:s23] =	dma.local [spmem:s24], $0x2800  }
0xf2: {  	_ =	swait.ge [sflag:s15], $0x2800  }
0xf3: {  	[sflag:s15] =	ssyncset.done $0x0  }
0xf4: {  	[sflag:s15] =	ssyncadd.s32 $0xFFFFD800  }
0xf5: {  	_ =	sfence.sel $0x180000  }
0xf6: {  	[bflag:$0x0] =	sbarrier.arrive $0xFFFF  }
0xf7: {  	_ =	strace $0x9000004A  }
0xf8: {  	[bflag:$0x2] =	sbarrier.arrive $0xFFFF  }
0xf9: {  	p0 =	sne.s32 s0, $0x0;
	s0 =	rddreg [dreg:$0x2]  }
0xfa: {  	s0 =	sadd.s32 @!p0 $0x100000, s0  }
0xfb: {  	[sflag:s0] =	ssyncadd.tile.s32 @!p0 $0x1;
	_ =	shalt  }
.Lfunc_end2:
_tile_overlayer_lowered:
.L_overlay_start_2:
0xfc: {  	(tag) =	ssettag $0x2  }
0xfd: {  	s0 =	rddreg [dreg:$0x0];
	s2 =	stileid.u32  }
0xfe: {  	s1 =	rddreg [dreg:$0x1];
	p0 =	sne.s32 s2, $0x0  }
0xff: {  	s3 =	rddreg [dreg:$0x2];
	[bflag:$0x3] =	sbarrier.arrive $0xFFFF;
	s2 =	simm.s32 @!p0 $0x1C03  }
0x100: {  	[timem:s3], [sflag:s2] =	dma.local @!p0 [hbm:s0], s1  }
0x101: {  	s0 =	simm.s32 @!p0 $0x3  }
0x102: {  	_ =	swait.ge @!p0 [sflag:s0], s1  }
0x103: {  	s1 =	ssub.s32 @!p0 $0x0, s1;
	[sflag:s0] =	ssyncset.done @!p0 $0x0  }
0x104: {  	[sflag:s0] =	ssyncadd.s32 @!p0 s1  }
0x105: {  	[bflag:$0x3] =	sbarrier.arrive $0xFFFF  }
0x106: {  	_ =	shalt  }

</sc_bundles>
